<compile_context>
chip_gen: v7x
topology: tpu7x:2x2x1
jax: 0.10.2.dev20260603
libtpu: 0.0.44.dev20260713+nightly
codegen_flags: <defaults>
</compile_context>

<pallas_src>
import functools

import jax
import jax.numpy as jnp
from jax import lax
from jax.experimental import pallas as pl
from jax.experimental.pallas import tpu as pltpu
from jax.experimental.pallas import tpu_sc as plsc

N = 10000
E = 320000
D = 128
H = 64
C = 40
CP = 64
DEGW = 16

NC, NS = 2, 16
NW = NC * NS

NP = ((N // NS + 15) // 8) * 8 * NS
ZROWS = NP // NS

CHUNK = 128
NCH = (E + CHUNK - 1) // CHUNK
NCHP = ((NCH + 8 * NW - 1) // (8 * NW)) * 8 * NW
CPT = NCHP // NW

_mesh = plsc.VectorSubcoreMesh(
    core_axis_name="c", subcore_axis_name="s", num_cores=NC, num_subcores=NS
)
_sc_params = pltpu.CompilerParams(use_tc_tiling_on_sc=False)


def _fill(ref, value, nrows, width):
    vec = jnp.full((16,), value, jnp.float32)

    def row(i, carry):
        for j in range(width // 16):
            ref[i, pl.ds(j * 16, 16)] = vec
        return carry

    lax.fori_loop(0, nrows, row, 0)


def _zero_acc_slice(zbuf, acc, s):
    base = s * ZROWS
    full, rem = ZROWS // CHUNK, ZROWS % CHUNK
    for k in range(full):
        pltpu.sync_copy(zbuf, acc.at[pl.ds(base + k * CHUNK, CHUNK)])
    if rem:
        pltpu.sync_copy(
            zbuf.at[pl.ds(0, rem)], acc.at[pl.ds(base + full * CHUNK, rem)]
        )


def _copy_out(acc, out_hbm, c, s):
    base = s * ZROWS
    pltpu.sync_copy(acc.at[pl.ds(base, ZROWS)], out_hbm.at[c, pl.ds(base, ZROWS)])


def _make_degree_kernel():
    @functools.partial(
        pl.kernel,
        out_type=jax.ShapeDtypeStruct((NC, NP, DEGW), jnp.float32),
        mesh=_mesh,
        scratch_types=[
            pltpu.VMEM((CPT, CHUNK), jnp.int32),
            pltpu.VMEM((CHUNK, DEGW), jnp.float32),
            pltpu.VMEM_SHARED((NP, DEGW), jnp.float32),
            pltpu.SemaphoreType.DMA,
        ],
        compiler_params=_sc_params,
    )
    def deg_kernel(dst_hbm, out_hbm, didx, vals, acc, sem):
        c = lax.axis_index("c")
        s = lax.axis_index("s")
        wid = c * NS + s
        pltpu.sync_copy(dst_hbm.at[pl.ds(wid * CPT, CPT)], didx)
        _fill(vals, 0.0, CHUNK, DEGW)
        _zero_acc_slice(vals, acc, s)
        _fill(vals, 1.0, CHUNK, DEGW)
        plsc.subcore_barrier()

        def step(t, carry):
            pltpu.async_copy(vals, acc.at[didx.at[t]], sem, add=True)
            return carry

        lax.fori_loop(0, CPT, step, 0)

        def drain(t, carry):
            pltpu.make_async_copy(vals, acc.at[didx.at[0]], sem).wait()
            return carry

        lax.fori_loop(0, CPT, drain, 0)
        plsc.subcore_barrier()
        _copy_out(acc, out_hbm, c, s)

    return deg_kernel


GS = 4

CPTF = NCHP // NS


def _make_scatter_kernel(width):
    sems = [pltpu.SemaphoreType.DMA] * (2 * GS)

    @functools.partial(
        pl.kernel,
        out_type=jax.ShapeDtypeStruct((NC, NP, width), jnp.float32),
        mesh=_mesh,
        scratch_types=[
            pltpu.VMEM((CPTF, CHUNK), jnp.int32),
            pltpu.VMEM((CPTF, CHUNK), jnp.int32),
            pltpu.VMEM((GS, CHUNK, width), jnp.float32),
            pltpu.VMEM_SHARED((NP, width), jnp.float32),
            pltpu.VMEM_SHARED((N, width), jnp.float32),
        ]
        + sems,
        compiler_params=_sc_params,
    )
    def scat_kernel(glo_hbm, ghi_hbm, src_hbm, dst_hbm, out_hbm, sidx, didx,
                    rows, acc, gtab, *sem):
        gsem, ssem = sem[:GS], sem[GS:]
        c = lax.axis_index("c")
        s = lax.axis_index("s")
        _fill(rows.at[0], 0.0, CHUNK, width)
        _zero_acc_slice(rows.at[0], acc, s)

        @pl.when(jnp.logical_and(s == 0, c == 0))
        def _():
            pltpu.sync_copy(glo_hbm, gtab)

        @pl.when(jnp.logical_and(s == 0, c == 1))
        def _():
            pltpu.sync_copy(ghi_hbm, gtab)

        plsc.subcore_barrier()

        def gather(t, b):
            pltpu.async_copy(gtab.at[sidx.at[t]], rows.at[b], gsem[b])

        def gather_wait(t, b):
            pltpu.make_async_copy(gtab.at[sidx.at[t]], rows.at[b], gsem[b]).wait()

        def scat(t, b):
            pltpu.async_copy(rows.at[b], acc.at[didx.at[t]], ssem[b], add=True)

        def scat_wait(t, b):
            pltpu.make_async_copy(rows.at[b], acc.at[didx.at[t]], ssem[b]).wait()

        def run(base_ch, cpt):
            if cpt == 0:
                return
            pltpu.sync_copy(src_hbm.at[pl.ds(base_ch, cpt)], sidx.at[pl.ds(0, cpt)])
            pltpu.sync_copy(dst_hbm.at[pl.ds(base_ch, cpt)], didx.at[pl.ds(0, cpt)])
            for b in range(GS - 1):
                gather(b, b)

            def outer(o, carry):
                for b in range(GS):
                    t = o * GS + b
                    gather_wait(t, b)
                    scat(t, b)
                    nb = (b + GS - 1) % GS
                    tn = t + GS - 1

                    @pl.when(jnp.logical_and(tn < cpt, t > 0))
                    def _():
                        scat_wait(t, nb)
                        gather(tn, nb)

                    if b == 0:

                        @pl.when(t == 0)
                        def _():
                            gather(GS - 1, GS - 1)

                return carry

            lax.fori_loop(0, cpt // GS, outer, 0)
            for b in range(GS):
                scat_wait(0, b)

        run(s * CPTF, CPTF)

        plsc.subcore_barrier()
        _copy_out(acc, out_hbm, c, s)

    return scat_kernel


_degree_kernel = _make_degree_kernel()
_scatter = _make_scatter_kernel(H // 2)

BN = 2000


def _dinv_block(da_ref, db_ref):
    deg = da_ref[:, 0:1] + db_ref[:, 0:1] + 1.0
    return lax.rsqrt(deg)


def _tc1a_body(x_ref, w1_ref, h_ref):
    h_ref[...] = jnp.dot(
        x_ref[...], w1_ref[...], preferred_element_type=jnp.float32
    )


def _tc1b_body(h_ref, da_ref, db_ref, glo_ref, ghi_ref):
    dinv = _dinv_block(da_ref, db_ref)
    g1 = h_ref[...] * dinv
    glo_ref[...] = g1[:, : H // 2]
    ghi_ref[...] = g1[:, H // 2 :]


def _cat_halves(lo, hi):
    return jnp.concatenate([lo[...], hi[...]], axis=1)


def _tc2_body(glo, ghi, sl, sh, da_ref, db_ref, b1_ref, w2_ref,
              g2lo_ref, g2hi_ref):
    dinv = _dinv_block(da_ref, db_ref)
    g1 = _cat_halves(glo, ghi)
    s1 = _cat_halves(sl, sh)
    h1 = dinv * (s1 + g1) + b1_ref[...]
    h1 = jnp.maximum(h1, 0.0)
    h2 = jnp.dot(h1, w2_ref[...], preferred_element_type=jnp.float32)
    g2 = h2 * dinv
    g2lo_ref[...] = g2[:, : CP // 2]
    g2hi_ref[...] = g2[:, CP // 2 :]


def _tc3_body(glo, ghi, sl, sh, da_ref, db_ref, b2_ref, out_ref):
    dinv = _dinv_block(da_ref, db_ref)
    g2 = _cat_halves(glo, ghi)
    s2 = _cat_halves(sl, sh)
    res = dinv * (s2 + g2)
    out_ref[...] = res[:, :C] + b2_ref[...]


def _row_spec(w):
    return pl.BlockSpec((BN, w), lambda i: (i, 0))


def _full_spec(r, w):
    return pl.BlockSpec((r, w), lambda i: (0, 0))


@jax.jit
def kernel(x, edge_index, W1, b1, W2, b2):
    src = edge_index[0]
    dst = edge_index[1]
    pad = NCHP * CHUNK - E
    pad_dst = N + jnp.arange(pad, dtype=jnp.int32) % (NP - N)
    srcp = jnp.concatenate([src, jnp.zeros((pad,), jnp.int32)]).reshape(NCHP, CHUNK)
    dstp = jnp.concatenate([dst, pad_dst]).reshape(NCHP, CHUNK)

    deg2 = _degree_kernel(dstp)
    degA, degB = deg2[0], deg2[1]

    h1 = pl.pallas_call(
        _tc1a_body,
        grid=(N // BN,),
        in_specs=[_row_spec(D), _full_spec(D, H)],
        out_specs=_row_spec(H),
        out_shape=jax.ShapeDtypeStruct((N, H), jnp.float32),
    )(x, W1)

    g1lo, g1hi = pl.pallas_call(
        _tc1b_body,
        grid=(N // BN,),
        in_specs=[_row_spec(H), _row_spec(DEGW), _row_spec(DEGW)],
        out_specs=[_row_spec(H // 2), _row_spec(H // 2)],
        out_shape=[
            jax.ShapeDtypeStruct((N, H // 2), jnp.float32),
            jax.ShapeDtypeStruct((N, H // 2), jnp.float32),
        ],
    )(h1, degA, degB)

    s1 = _scatter(g1lo, g1hi, srcp, dstp)

    W2p = jnp.concatenate([W2, jnp.zeros((H, CP - C), jnp.float32)], axis=1)
    g2lo, g2hi = pl.pallas_call(
        _tc2_body,
        grid=(N // BN,),
        in_specs=[
            _row_spec(H // 2),
            _row_spec(H // 2),
            _row_spec(H // 2),
            _row_spec(H // 2),
            _row_spec(DEGW),
            _row_spec(DEGW),
            _full_spec(1, H),
            _full_spec(H, CP),
        ],
        out_specs=[_row_spec(CP // 2), _row_spec(CP // 2)],
        out_shape=[
            jax.ShapeDtypeStruct((N, CP // 2), jnp.float32),
            jax.ShapeDtypeStruct((N, CP // 2), jnp.float32),
        ],
    )(g1lo, g1hi, s1[0], s1[1], degA, degB, b1[None, :], W2p)

    s2 = _scatter(g2lo, g2hi, srcp, dstp)

    logits = pl.pallas_call(
        _tc3_body,
        grid=(N // BN,),
        in_specs=[
            _row_spec(CP // 2),
            _row_spec(CP // 2),
            _row_spec(CP // 2),
            _row_spec(CP // 2),
            _row_spec(DEGW),
            _row_spec(DEGW),
            _full_spec(1, C),
        ],
        out_specs=_row_spec(C),
        out_shape=jax.ShapeDtypeStruct((N, C), jnp.float32),
    )(g2lo, g2hi, s2[0], s2[1], degA, degB, b2[None, :])

    return logits

# --- scband reference (transcript-rebuilt; emitter-appended) ---
"""Pipeline reference for scband-gnnsafe-53085795778952 (READ-ONLY COPY).

The authoritative reference and input builder live on the scoring server;
editing this copy changes nothing except your own understanding.
"""

import jax, jax.numpy as jnp
import numpy as np

N = 10000
E = 320000
D = 128
H = 64
C = 40


def setup_inputs(seed: int = 0) -> dict:
    key = jax.random.key(seed)
    k1, k2, k3, k4 = jax.random.split(key, 4)
    x = jax.random.normal(k1, (N, D), dtype=jnp.float32)
    edge_index = jax.random.randint(k2, (2, E), 0, N, dtype=jnp.int32)
    W1 = jax.random.normal(k3, (D, H), dtype=jnp.float32) * (1.0 / np.sqrt(D))
    b1 = jnp.zeros((H,), dtype=jnp.float32)
    W2 = jax.random.normal(k4, (H, C), dtype=jnp.float32) * (1.0 / np.sqrt(H))
    b2 = jnp.zeros((C,), dtype=jnp.float32)
    return {"x": x, "edge_index": edge_index, "W1": W1, "b1": b1, "W2": W2, "b2": b2}


def _gcn_conv(x, W, b, src, dst, n):
    # GCNConv-style: linear transform, add self-loops, symmetric normalization,
    # gather messages from src, scatter-add to dst, then bias.
    h = x @ W
    loop = jnp.arange(n, dtype=src.dtype)
    s = jnp.concatenate([src, loop])
    d_ = jnp.concatenate([dst, loop])
    deg = jnp.zeros((n,), x.dtype).at[d_].add(jnp.ones_like(d_, dtype=x.dtype))
    deg_inv_sqrt = jnp.where(deg > 0, 1.0 / jnp.sqrt(deg), 0.0)
    norm = deg_inv_sqrt[s] * deg_inv_sqrt[d_]
    msg = h[s] * norm[:, None]
    out = jnp.zeros((n, h.shape[1]), x.dtype).at[d_].add(msg)
    return out + b


def reference(x, edge_index, W1, b1, W2, b2):
    # GNNSafe.forward -> self.encoder(x, edge_index) with a 2-layer GCN backbone
    # (dropout=0.0, use_bn=False, eval-mode semantics).
    src, dst = edge_index[0], edge_index[1]
    n = x.shape[0]
    h = _gcn_conv(x, W1, b1, src, dst, n)
    h = jax.nn.relu(h)
    logits = _gcn_conv(h, W2, b2, src, dst, n)
    return logits

if __name__ == "__main__":
    import jax
    _d = setup_inputs()
    print(jax.jit(kernel)(*tuple(_d.values())))

</pallas_src>

<mosaic_0001>
#map = affine_map<(d0, d1) -> (0, 0)>
#map1 = affine_map<(d0, d1) -> (0, 0, 0)>
module attributes {stable_mosaic.version = 14 : i64} {
  func.func @scat_kernel(%arg0: i32, %arg1: i32, %arg2: memref<10000x32xf32, #tpu.memory_space<hbm>>, %arg3: memref<10000x32xf32, #tpu.memory_space<hbm>>, %arg4: memref<2560x128xi32, #tpu.memory_space<hbm>>, %arg5: memref<2560x128xi32, #tpu.memory_space<hbm>>, %arg6: memref<2x10240x32xf32, #tpu.memory_space<hbm>>, %arg7: memref<160x128xi32, #tpu.memory_space<vmem>>, %arg8: memref<160x128xi32, #tpu.memory_space<vmem>>, %arg9: memref<4x128x32xf32, #tpu.memory_space<vmem>>, %arg10: memref<10240x32xf32, #tpu.memory_space<vmem_shared>>, %arg11: memref<10000x32xf32, #tpu.memory_space<vmem_shared>>, %arg12: memref<!tpu.dma_semaphore, #tpu.memory_space<semaphore_mem>>, %arg13: memref<!tpu.dma_semaphore, #tpu.memory_space<semaphore_mem>>, %arg14: memref<!tpu.dma_semaphore, #tpu.memory_space<semaphore_mem>>, %arg15: memref<!tpu.dma_semaphore, #tpu.memory_space<semaphore_mem>>, %arg16: memref<!tpu.dma_semaphore, #tpu.memory_space<semaphore_mem>>, %arg17: memref<!tpu.dma_semaphore, #tpu.memory_space<semaphore_mem>>, %arg18: memref<!tpu.dma_semaphore, #tpu.memory_space<semaphore_mem>>, %arg19: memref<!tpu.dma_semaphore, #tpu.memory_space<semaphore_mem>>) attributes {dimension_semantics = [#tpu.dimension_semantics<core_parallel>, #tpu.dimension_semantics<subcore_parallel>], iteration_bounds = array<i64: 2, 16>, scalar_prefetch = 0 : i64, scratch_operands = 13 : i64, tpu.core_type = #tpu.core_type<sc_vector_subcore>, window_params = [{transform_indices = #map}, {transform_indices = #map}, {transform_indices = #map}, {transform_indices = #map}, {transform_indices = #map1}]} {
    %broadcast_in_dim3A = arith.constant 0.000000e+00 : f32
    %broadcast_in_dim3A_0 = vector.broadcast %broadcast_in_dim3A : f32 to vector<16xf32>
    %scan3A = arith.constant 0 : i32
    %scan3A_1 = arith.constant 0 : i32
    %scan3A_2 = arith.constant 0 : i32
    %scan3A_3 = arith.constant 128 : i32
    %scan3A_4 = arith.addi %scan3A_2, %scan3A_3 : i32
    %scan3A_5 = arith.constant 1 : i32
    scf.for %scan3A_126 = %scan3A_2 to %scan3A_4 step %scan3A_5  : i32 {
      %swap3A = arith.constant 0 : i32
      %swap3A_127 = arith.constant 0 : i32
      %swap3A_128 = tpu.memref_slice %arg9[%scan3A_1, %swap3A, %swap3A_127] : memref<4x128x32xf32, #tpu.memory_space<vmem>> -> memref<1x128x32xf32, #tpu.memory_space<vmem>>
      %swap3A_129 = tpu.memref_squeeze %swap3A_128 : memref<1x128x32xf32, #tpu.memory_space<vmem>> -> memref<128x32xf32, #tpu.memory_space<vmem>>
      %swap3A_130 = arith.index_cast %scan3A_126 : i32 to index
      %swap3A_131 = arith.constant 0 : index
      %swap3A_132 = tpu.vector_load %swap3A_129[%swap3A_130, %swap3A_131] {strides = array<i32>} : memref<128x32xf32, #tpu.memory_space<vmem>>, vector<1x16xf32>,
      %swap3A_133 = vector.shape_cast %swap3A_132 : vector<1x16xf32> to vector<16xf32>
      %swap3A_134 = vector.shape_cast %broadcast_in_dim3A_0 : vector<16xf32> to vector<1x16xf32>
      tpu.vector_store %swap3A_129[%swap3A_130, %swap3A_131], %swap3A_134 {strides = array<i32>} : memref<128x32xf32, #tpu.memory_space<vmem>>, vector<1x16xf32>,
      %swap3A_135 = arith.constant 0 : i32
      %swap3A_136 = arith.constant 0 : i32
      %swap3A_137 = tpu.memref_slice %arg9[%scan3A_1, %swap3A_135, %swap3A_136] : memref<4x128x32xf32, #tpu.memory_space<vmem>> -> memref<1x128x32xf32, #tpu.memory_space<vmem>>
      %swap3A_138 = tpu.memref_squeeze %swap3A_137 : memref<1x128x32xf32, #tpu.memory_space<vmem>> -> memref<128x32xf32, #tpu.memory_space<vmem>>
      %swap3A_139 = arith.index_cast %scan3A_126 : i32 to index
      %swap3A_140 = arith.constant 16 : index
      %swap3A_141 = tpu.vector_load %swap3A_138[%swap3A_139, %swap3A_140] {strides = array<i32>} : memref<128x32xf32, #tpu.memory_space<vmem>>, vector<1x16xf32>,
      %swap3A_142 = vector.shape_cast %swap3A_141 : vector<1x16xf32> to vector<16xf32>
      %swap3A_143 = vector.shape_cast %broadcast_in_dim3A_0 : vector<16xf32> to vector<1x16xf32>
      tpu.vector_store %swap3A_138[%swap3A_139, %swap3A_140], %swap3A_143 {strides = array<i32>} : memref<128x32xf32, #tpu.memory_space<vmem>>, vector<1x16xf32>,
    }
    %scan3A_6 = arith.constant 128 : i32
    %mul3A = arith.constant 640 : i32
    %mul3A_7 = arith.muli %arg1, %mul3A : i32
    %add3A = arith.constant 0 : i32
    %add3A_8 = arith.addi %mul3A_7, %add3A : i32
    %run_scoped3A = arith.constant 0 : i32
    "tpu.region"() ({
      %run_scoped3A_126 = tpu.sem_alloc : memref<!tpu.dma_semaphore, #tpu.memory_space<semaphore_mem>>
      %dma_start3A_127 = arith.constant 0 : i32
      %dma_start3A_128 = arith.constant 0 : i32
      %dma_start3A_129 = tpu.memref_slice %arg9[%run_scoped3A, %dma_start3A_127, %dma_start3A_128] : memref<4x128x32xf32, #tpu.memory_space<vmem>> -> memref<1x128x32xf32, #tpu.memory_space<vmem>>
      %dma_start3A_130 = tpu.memref_squeeze %dma_start3A_129 : memref<1x128x32xf32, #tpu.memory_space<vmem>> -> memref<128x32xf32, #tpu.memory_space<vmem>>
      %dma_start3A_131 = arith.constant 0 : i32
      %dma_start3A_132 = tpu.memref_slice %arg10[%add3A_8, %dma_start3A_131] : memref<10240x32xf32, #tpu.memory_space<vmem_shared>> -> memref<128x32xf32, #tpu.memory_space<vmem_shared>>
      %dma_start3A_133 = arith.constant 0 : i32
      %dma_start3A_134 = tpu.memref_slice %arg10[%add3A_8, %dma_start3A_133] : memref<10240x32xf32, #tpu.memory_space<vmem_shared>> -> memref<128x32xf32, #tpu.memory_space<vmem_shared>>
      %dma_start3A_135 = arith.constant 0 : i32
      %dma_start3A_136 = arith.constant 0 : i32
      %dma_start3A_137 = tpu.memref_slice %arg9[%run_scoped3A, %dma_start3A_135, %dma_start3A_136] : memref<4x128x32xf32, #tpu.memory_space<vmem>> -> memref<1x128x32xf32, #tpu.memory_space<vmem>>
      %dma_start3A_138 = tpu.memref_squeeze %dma_start3A_137 : memref<1x128x32xf32, #tpu.memory_space<vmem>> -> memref<128x32xf32, #tpu.memory_space<vmem>>
      tpu.enqueue_dma source(%dma_start3A_138 : memref<128x32xf32, #tpu.memory_space<vmem>>) target(%dma_start3A_134 : memref<128x32xf32, #tpu.memory_space<vmem_shared>>) target_semaphore(%run_scoped3A_126 : memref<!tpu.dma_semaphore, #tpu.memory_space<semaphore_mem>>)
      %dma_wait3A_139 = arith.constant 0 : i32
      %dma_wait3A_140 = arith.constant 0 : i32
      %dma_wait3A_141 = tpu.memref_slice %arg9[%run_scoped3A, %dma_wait3A_139, %dma_wait3A_140] : memref<4x128x32xf32, #tpu.memory_space<vmem>> -> memref<1x128x32xf32, #tpu.memory_space<vmem>>
      %dma_wait3A_142 = tpu.memref_squeeze %dma_wait3A_141 : memref<1x128x32xf32, #tpu.memory_space<vmem>> -> memref<128x32xf32, #tpu.memory_space<vmem>>
      %dma_wait3A_143 = arith.constant 0 : i32
      %dma_wait3A_144 = tpu.memref_slice %arg10[%add3A_8, %dma_wait3A_143] : memref<10240x32xf32, #tpu.memory_space<vmem_shared>> -> memref<128x32xf32, #tpu.memory_space<vmem_shared>>
      %dma_wait3A_145 = arith.constant 0 : i32
      %dma_wait3A_146 = tpu.memref_slice %arg10[%add3A_8, %dma_wait3A_145] : memref<10240x32xf32, #tpu.memory_space<vmem_shared>> -> memref<128x32xf32, #tpu.memory_space<vmem_shared>>
      %dma_wait3A_147 = arith.constant 0 : i32
      %dma_wait3A_148 = arith.constant 0 : i32
      %dma_wait3A_149 = tpu.memref_slice %arg9[%run_scoped3A, %dma_wait3A_147, %dma_wait3A_148] : memref<4x128x32xf32, #tpu.memory_space<vmem>> -> memref<1x128x32xf32, #tpu.memory_space<vmem>>
      %dma_wait3A_150 = tpu.memref_squeeze %dma_wait3A_149 : memref<1x128x32xf32, #tpu.memory_space<vmem>> -> memref<128x32xf32, #tpu.memory_space<vmem>>
      tpu.wait_dma2 semaphore(%run_scoped3A_126 : memref<!tpu.dma_semaphore, #tpu.memory_space<semaphore_mem>>) src(%dma_wait3A_150 : memref<128x32xf32, #tpu.memory_space<vmem>>) dst(%dma_wait3A_146 : memref<128x32xf32, #tpu.memory_space<vmem_shared>>)
      tpu.yield
    }) : () -> ()
    %add3A_9 = arith.constant 128 : i32
    %add3A_10 = arith.addi %mul3A_7, %add3A_9 : i32
    %run_scoped3A_11 = arith.constant 0 : i32
    "tpu.region"() ({
      %run_scoped3A_126 = tpu.sem_alloc : memref<!tpu.dma_semaphore, #tpu.memory_space<semaphore_mem>>
      %dma_start3A_127 = arith.constant 0 : i32
      %dma_start3A_128 = arith.constant 0 : i32
      %dma_start3A_129 = tpu.memref_slice %arg9[%run_scoped3A_11, %dma_start3A_127, %dma_start3A_128] : memref<4x128x32xf32, #tpu.memory_space<vmem>> -> memref<1x128x32xf32, #tpu.memory_space<vmem>>
      %dma_start3A_130 = tpu.memref_squeeze %dma_start3A_129 : memref<1x128x32xf32, #tpu.memory_space<vmem>> -> memref<128x32xf32, #tpu.memory_space<vmem>>
      %dma_start3A_131 = arith.constant 0 : i32
      %dma_start3A_132 = tpu.memref_slice %arg10[%add3A_10, %dma_start3A_131] : memref<10240x32xf32, #tpu.memory_space<vmem_shared>> -> memref<128x32xf32, #tpu.memory_space<vmem_shared>>
      %dma_start3A_133 = arith.constant 0 : i32
      %dma_start3A_134 = tpu.memref_slice %arg10[%add3A_10, %dma_start3A_133] : memref<10240x32xf32, #tpu.memory_space<vmem_shared>> -> memref<128x32xf32, #tpu.memory_space<vmem_shared>>
      %dma_start3A_135 = arith.constant 0 : i32
      %dma_start3A_136 = arith.constant 0 : i32
      %dma_start3A_137 = tpu.memref_slice %arg9[%run_scoped3A_11, %dma_start3A_135, %dma_start3A_136] : memref<4x128x32xf32, #tpu.memory_space<vmem>> -> memref<1x128x32xf32, #tpu.memory_space<vmem>>
      %dma_start3A_138 = tpu.memref_squeeze %dma_start3A_137 : memref<1x128x32xf32, #tpu.memory_space<vmem>> -> memref<128x32xf32, #tpu.memory_space<vmem>>
      tpu.enqueue_dma source(%dma_start3A_138 : memref<128x32xf32, #tpu.memory_space<vmem>>) target(%dma_start3A_134 : memref<128x32xf32, #tpu.memory_space<vmem_shared>>) target_semaphore(%run_scoped3A_126 : memref<!tpu.dma_semaphore, #tpu.memory_space<semaphore_mem>>)
      %dma_wait3A_139 = arith.constant 0 : i32
      %dma_wait3A_140 = arith.constant 0 : i32
      %dma_wait3A_141 = tpu.memref_slice %arg9[%run_scoped3A_11, %dma_wait3A_139, %dma_wait3A_140] : memref<4x128x32xf32, #tpu.memory_space<vmem>> -> memref<1x128x32xf32, #tpu.memory_space<vmem>>
      %dma_wait3A_142 = tpu.memref_squeeze %dma_wait3A_141 : memref<1x128x32xf32, #tpu.memory_space<vmem>> -> memref<128x32xf32, #tpu.memory_space<vmem>>
      %dma_wait3A_143 = arith.constant 0 : i32
      %dma_wait3A_144 = tpu.memref_slice %arg10[%add3A_10, %dma_wait3A_143] : memref<10240x32xf32, #tpu.memory_space<vmem_shared>> -> memref<128x32xf32, #tpu.memory_space<vmem_shared>>
      %dma_wait3A_145 = arith.constant 0 : i32
      %dma_wait3A_146 = tpu.memref_slice %arg10[%add3A_10, %dma_wait3A_145] : memref<10240x32xf32, #tpu.memory_space<vmem_shared>> -> memref<128x32xf32, #tpu.memory_space<vmem_shared>>
      %dma_wait3A_147 = arith.constant 0 : i32
      %dma_wait3A_148 = arith.constant 0 : i32
      %dma_wait3A_149 = tpu.memref_slice %arg9[%run_scoped3A_11, %dma_wait3A_147, %dma_wait3A_148] : memref<4x128x32xf32, #tpu.memory_space<vmem>> -> memref<1x128x32xf32, #tpu.memory_space<vmem>>
      %dma_wait3A_150 = tpu.memref_squeeze %dma_wait3A_149 : memref<1x128x32xf32, #tpu.memory_space<vmem>> -> memref<128x32xf32, #tpu.memory_space<vmem>>
      tpu.wait_dma2 semaphore(%run_scoped3A_126 : memref<!tpu.dma_semaphore, #tpu.memory_space<semaphore_mem>>) src(%dma_wait3A_150 : memref<128x32xf32, #tpu.memory_space<vmem>>) dst(%dma_wait3A_146 : memref<128x32xf32, #tpu.memory_space<vmem_shared>>)
      tpu.yield
    }) : () -> ()
    %add3A_12 = arith.constant 256 : i32
    %add3A_13 = arith.addi %mul3A_7, %add3A_12 : i32
    %run_scoped3A_14 = arith.constant 0 : i32
    "tpu.region"() ({
      %run_scoped3A_126 = tpu.sem_alloc : memref<!tpu.dma_semaphore, #tpu.memory_space<semaphore_mem>>
      %dma_start3A_127 = arith.constant 0 : i32
      %dma_start3A_128 = arith.constant 0 : i32
      %dma_start3A_129 = tpu.memref_slice %arg9[%run_scoped3A_14, %dma_start3A_127, %dma_start3A_128] : memref<4x128x32xf32, #tpu.memory_space<vmem>> -> memref<1x128x32xf32, #tpu.memory_space<vmem>>
      %dma_start3A_130 = tpu.memref_squeeze %dma_start3A_129 : memref<1x128x32xf32, #tpu.memory_space<vmem>> -> memref<128x32xf32, #tpu.memory_space<vmem>>
      %dma_start3A_131 = arith.constant 0 : i32
      %dma_start3A_132 = tpu.memref_slice %arg10[%add3A_13, %dma_start3A_131] : memref<10240x32xf32, #tpu.memory_space<vmem_shared>> -> memref<128x32xf32, #tpu.memory_space<vmem_shared>>
      %dma_start3A_133 = arith.constant 0 : i32
      %dma_start3A_134 = tpu.memref_slice %arg10[%add3A_13, %dma_start3A_133] : memref<10240x32xf32, #tpu.memory_space<vmem_shared>> -> memref<128x32xf32, #tpu.memory_space<vmem_shared>>
      %dma_start3A_135 = arith.constant 0 : i32
      %dma_start3A_136 = arith.constant 0 : i32
      %dma_start3A_137 = tpu.memref_slice %arg9[%run_scoped3A_14, %dma_start3A_135, %dma_start3A_136] : memref<4x128x32xf32, #tpu.memory_space<vmem>> -> memref<1x128x32xf32, #tpu.memory_space<vmem>>
      %dma_start3A_138 = tpu.memref_squeeze %dma_start3A_137 : memref<1x128x32xf32, #tpu.memory_space<vmem>> -> memref<128x32xf32, #tpu.memory_space<vmem>>
      tpu.enqueue_dma source(%dma_start3A_138 : memref<128x32xf32, #tpu.memory_space<vmem>>) target(%dma_start3A_134 : memref<128x32xf32, #tpu.memory_space<vmem_shared>>) target_semaphore(%run_scoped3A_126 : memref<!tpu.dma_semaphore, #tpu.memory_space<semaphore_mem>>)
      %dma_wait3A_139 = arith.constant 0 : i32
      %dma_wait3A_140 = arith.constant 0 : i32
      %dma_wait3A_141 = tpu.memref_slice %arg9[%run_scoped3A_14, %dma_wait3A_139, %dma_wait3A_140] : memref<4x128x32xf32, #tpu.memory_space<vmem>> -> memref<1x128x32xf32, #tpu.memory_space<vmem>>
      %dma_wait3A_142 = tpu.memref_squeeze %dma_wait3A_141 : memref<1x128x32xf32, #tpu.memory_space<vmem>> -> memref<128x32xf32, #tpu.memory_space<vmem>>
      %dma_wait3A_143 = arith.constant 0 : i32
      %dma_wait3A_144 = tpu.memref_slice %arg10[%add3A_13, %dma_wait3A_143] : memref<10240x32xf32, #tpu.memory_space<vmem_shared>> -> memref<128x32xf32, #tpu.memory_space<vmem_shared>>
      %dma_wait3A_145 = arith.constant 0 : i32
      %dma_wait3A_146 = tpu.memref_slice %arg10[%add3A_13, %dma_wait3A_145] : memref<10240x32xf32, #tpu.memory_space<vmem_shared>> -> memref<128x32xf32, #tpu.memory_space<vmem_shared>>
      %dma_wait3A_147 = arith.constant 0 : i32
      %dma_wait3A_148 = arith.constant 0 : i32
      %dma_wait3A_149 = tpu.memref_slice %arg9[%run_scoped3A_14, %dma_wait3A_147, %dma_wait3A_148] : memref<4x128x32xf32, #tpu.memory_space<vmem>> -> memref<1x128x32xf32, #tpu.memory_space<vmem>>
      %dma_wait3A_150 = tpu.memref_squeeze %dma_wait3A_149 : memref<1x128x32xf32, #tpu.memory_space<vmem>> -> memref<128x32xf32, #tpu.memory_space<vmem>>
      tpu.wait_dma2 semaphore(%run_scoped3A_126 : memref<!tpu.dma_semaphore, #tpu.memory_space<semaphore_mem>>) src(%dma_wait3A_150 : memref<128x32xf32, #tpu.memory_space<vmem>>) dst(%dma_wait3A_146 : memref<128x32xf32, #tpu.memory_space<vmem_shared>>)
      tpu.yield
    }) : () -> ()
    %add3A_15 = arith.constant 384 : i32
    %add3A_16 = arith.addi %mul3A_7, %add3A_15 : i32
    %run_scoped3A_17 = arith.constant 0 : i32
    "tpu.region"() ({
      %run_scoped3A_126 = tpu.sem_alloc : memref<!tpu.dma_semaphore, #tpu.memory_space<semaphore_mem>>
      %dma_start3A_127 = arith.constant 0 : i32
      %dma_start3A_128 = arith.constant 0 : i32
      %dma_start3A_129 = tpu.memref_slice %arg9[%run_scoped3A_17, %dma_start3A_127, %dma_start3A_128] : memref<4x128x32xf32, #tpu.memory_space<vmem>> -> memref<1x128x32xf32, #tpu.memory_space<vmem>>
      %dma_start3A_130 = tpu.memref_squeeze %dma_start3A_129 : memref<1x128x32xf32, #tpu.memory_space<vmem>> -> memref<128x32xf32, #tpu.memory_space<vmem>>
      %dma_start3A_131 = arith.constant 0 : i32
      %dma_start3A_132 = tpu.memref_slice %arg10[%add3A_16, %dma_start3A_131] : memref<10240x32xf32, #tpu.memory_space<vmem_shared>> -> memref<128x32xf32, #tpu.memory_space<vmem_shared>>
      %dma_start3A_133 = arith.constant 0 : i32
      %dma_start3A_134 = tpu.memref_slice %arg10[%add3A_16, %dma_start3A_133] : memref<10240x32xf32, #tpu.memory_space<vmem_shared>> -> memref<128x32xf32, #tpu.memory_space<vmem_shared>>
      %dma_start3A_135 = arith.constant 0 : i32
      %dma_start3A_136 = arith.constant 0 : i32
      %dma_start3A_137 = tpu.memref_slice %arg9[%run_scoped3A_17, %dma_start3A_135, %dma_start3A_136] : memref<4x128x32xf32, #tpu.memory_space<vmem>> -> memref<1x128x32xf32, #tpu.memory_space<vmem>>
      %dma_start3A_138 = tpu.memref_squeeze %dma_start3A_137 : memref<1x128x32xf32, #tpu.memory_space<vmem>> -> memref<128x32xf32, #tpu.memory_space<vmem>>
      tpu.enqueue_dma source(%dma_start3A_138 : memref<128x32xf32, #tpu.memory_space<vmem>>) target(%dma_start3A_134 : memref<128x32xf32, #tpu.memory_space<vmem_shared>>) target_semaphore(%run_scoped3A_126 : memref<!tpu.dma_semaphore, #tpu.memory_space<semaphore_mem>>)
      %dma_wait3A_139 = arith.constant 0 : i32
      %dma_wait3A_140 = arith.constant 0 : i32
      %dma_wait3A_141 = tpu.memref_slice %arg9[%run_scoped3A_17, %dma_wait3A_139, %dma_wait3A_140] : memref<4x128x32xf32, #tpu.memory_space<vmem>> -> memref<1x128x32xf32, #tpu.memory_space<vmem>>
      %dma_wait3A_142 = tpu.memref_squeeze %dma_wait3A_141 : memref<1x128x32xf32, #tpu.memory_space<vmem>> -> memref<128x32xf32, #tpu.memory_space<vmem>>
      %dma_wait3A_143 = arith.constant 0 : i32
      %dma_wait3A_144 = tpu.memref_slice %arg10[%add3A_16, %dma_wait3A_143] : memref<10240x32xf32, #tpu.memory_space<vmem_shared>> -> memref<128x32xf32, #tpu.memory_space<vmem_shared>>
      %dma_wait3A_145 = arith.constant 0 : i32
      %dma_wait3A_146 = tpu.memref_slice %arg10[%add3A_16, %dma_wait3A_145] : memref<10240x32xf32, #tpu.memory_space<vmem_shared>> -> memref<128x32xf32, #tpu.memory_space<vmem_shared>>
      %dma_wait3A_147 = arith.constant 0 : i32
      %dma_wait3A_148 = arith.constant 0 : i32
      %dma_wait3A_149 = tpu.memref_slice %arg9[%run_scoped3A_17, %dma_wait3A_147, %dma_wait3A_148] : memref<4x128x32xf32, #tpu.memory_space<vmem>> -> memref<1x128x32xf32, #tpu.memory_space<vmem>>
      %dma_wait3A_150 = tpu.memref_squeeze %dma_wait3A_149 : memref<1x128x32xf32, #tpu.memory_space<vmem>> -> memref<128x32xf32, #tpu.memory_space<vmem>>
      tpu.wait_dma2 semaphore(%run_scoped3A_126 : memref<!tpu.dma_semaphore, #tpu.memory_space<semaphore_mem>>) src(%dma_wait3A_150 : memref<128x32xf32, #tpu.memory_space<vmem>>) dst(%dma_wait3A_146 : memref<128x32xf32, #tpu.memory_space<vmem_shared>>)
      tpu.yield
    }) : () -> ()
    %add3A_18 = arith.constant 512 : i32
    %add3A_19 = arith.addi %mul3A_7, %add3A_18 : i32
    %run_scoped3A_20 = arith.constant 0 : i32
    "tpu.region"() ({
      %run_scoped3A_126 = tpu.sem_alloc : memref<!tpu.dma_semaphore, #tpu.memory_space<semaphore_mem>>
      %dma_start3A_127 = arith.constant 0 : i32
      %dma_start3A_128 = arith.constant 0 : i32
      %dma_start3A_129 = tpu.memref_slice %arg9[%run_scoped3A_20, %dma_start3A_127, %dma_start3A_128] : memref<4x128x32xf32, #tpu.memory_space<vmem>> -> memref<1x128x32xf32, #tpu.memory_space<vmem>>
      %dma_start3A_130 = tpu.memref_squeeze %dma_start3A_129 : memref<1x128x32xf32, #tpu.memory_space<vmem>> -> memref<128x32xf32, #tpu.memory_space<vmem>>
      %dma_start3A_131 = arith.constant 0 : i32
      %dma_start3A_132 = tpu.memref_slice %arg10[%add3A_19, %dma_start3A_131] : memref<10240x32xf32, #tpu.memory_space<vmem_shared>> -> memref<128x32xf32, #tpu.memory_space<vmem_shared>>
      %dma_start3A_133 = arith.constant 0 : i32
      %dma_start3A_134 = tpu.memref_slice %arg10[%add3A_19, %dma_start3A_133] : memref<10240x32xf32, #tpu.memory_space<vmem_shared>> -> memref<128x32xf32, #tpu.memory_space<vmem_shared>>
      %dma_start3A_135 = arith.constant 0 : i32
      %dma_start3A_136 = arith.constant 0 : i32
      %dma_start3A_137 = tpu.memref_slice %arg9[%run_scoped3A_20, %dma_start3A_135, %dma_start3A_136] : memref<4x128x32xf32, #tpu.memory_space<vmem>> -> memref<1x128x32xf32, #tpu.memory_space<vmem>>
      %dma_start3A_138 = tpu.memref_squeeze %dma_start3A_137 : memref<1x128x32xf32, #tpu.memory_space<vmem>> -> memref<128x32xf32, #tpu.memory_space<vmem>>
      tpu.enqueue_dma source(%dma_start3A_138 : memref<128x32xf32, #tpu.memory_space<vmem>>) target(%dma_start3A_134 : memref<128x32xf32, #tpu.memory_space<vmem_shared>>) target_semaphore(%run_scoped3A_126 : memref<!tpu.dma_semaphore, #tpu.memory_space<semaphore_mem>>)
      %dma_wait3A_139 = arith.constant 0 : i32
      %dma_wait3A_140 = arith.constant 0 : i32
      %dma_wait3A_141 = tpu.memref_slice %arg9[%run_scoped3A_20, %dma_wait3A_139, %dma_wait3A_140] : memref<4x128x32xf32, #tpu.memory_space<vmem>> -> memref<1x128x32xf32, #tpu.memory_space<vmem>>
      %dma_wait3A_142 = tpu.memref_squeeze %dma_wait3A_141 : memref<1x128x32xf32, #tpu.memory_space<vmem>> -> memref<128x32xf32, #tpu.memory_space<vmem>>
      %dma_wait3A_143 = arith.constant 0 : i32
      %dma_wait3A_144 = tpu.memref_slice %arg10[%add3A_19, %dma_wait3A_143] : memref<10240x32xf32, #tpu.memory_space<vmem_shared>> -> memref<128x32xf32, #tpu.memory_space<vmem_shared>>
      %dma_wait3A_145 = arith.constant 0 : i32
      %dma_wait3A_146 = tpu.memref_slice %arg10[%add3A_19, %dma_wait3A_145] : memref<10240x32xf32, #tpu.memory_space<vmem_shared>> -> memref<128x32xf32, #tpu.memory_space<vmem_shared>>
      %dma_wait3A_147 = arith.constant 0 : i32
      %dma_wait3A_148 = arith.constant 0 : i32
      %dma_wait3A_149 = tpu.memref_slice %arg9[%run_scoped3A_20, %dma_wait3A_147, %dma_wait3A_148] : memref<4x128x32xf32, #tpu.memory_space<vmem>> -> memref<1x128x32xf32, #tpu.memory_space<vmem>>
      %dma_wait3A_150 = tpu.memref_squeeze %dma_wait3A_149 : memref<1x128x32xf32, #tpu.memory_space<vmem>> -> memref<128x32xf32, #tpu.memory_space<vmem>>
      tpu.wait_dma2 semaphore(%run_scoped3A_126 : memref<!tpu.dma_semaphore, #tpu.memory_space<semaphore_mem>>) src(%dma_wait3A_150 : memref<128x32xf32, #tpu.memory_space<vmem>>) dst(%dma_wait3A_146 : memref<128x32xf32, #tpu.memory_space<vmem_shared>>)
      tpu.yield
    }) : () -> ()
    %eq3A = arith.constant 0 : i32
    %eq3A_21 = arith.cmpi eq, %arg1, %eq3A : i32
    %eq3A_22 = arith.constant 0 : i32
    %eq3A_23 = arith.cmpi eq, %arg0, %eq3A_22 : i32
    %and3A = arith.andi %eq3A_21, %eq3A_23 : i1
    %convert_element_type3A = arith.extui %and3A : i1 to i32
    %cond3A = arith.constant 0 : i32
    %cond3A_24 = arith.cmpi ne, %convert_element_type3A, %cond3A : i32
    scf.if %cond3A_24 {
      "tpu.region"() ({
        %run_scoped3A_126 = tpu.sem_alloc : memref<!tpu.dma_semaphore, #tpu.memory_space<semaphore_mem>>
        tpu.enqueue_dma source(%arg2 : memref<10000x32xf32, #tpu.memory_space<hbm>>) target(%arg11 : memref<10000x32xf32, #tpu.memory_space<vmem_shared>>) target_semaphore(%run_scoped3A_126 : memref<!tpu.dma_semaphore, #tpu.memory_space<semaphore_mem>>)
        tpu.wait_dma2 semaphore(%run_scoped3A_126 : memref<!tpu.dma_semaphore, #tpu.memory_space<semaphore_mem>>) src(%arg2 : memref<10000x32xf32, #tpu.memory_space<hbm>>) dst(%arg11 : memref<10000x32xf32, #tpu.memory_space<vmem_shared>>)
        tpu.yield
      }) : () -> ()
    } else {
    }
    %eq3A_25 = arith.constant 0 : i32
    %eq3A_26 = arith.cmpi eq, %arg1, %eq3A_25 : i32
    %eq3A_27 = arith.constant 1 : i32
    %eq3A_28 = arith.cmpi eq, %arg0, %eq3A_27 : i32
    %and3A_29 = arith.andi %eq3A_26, %eq3A_28 : i1
    %convert_element_type3A_30 = arith.extui %and3A_29 : i1 to i32
    %cond3A_31 = arith.constant 0 : i32
    %cond3A_32 = arith.cmpi ne, %convert_element_type3A_30, %cond3A_31 : i32
    scf.if %cond3A_32 {
      "tpu.region"() ({
        %run_scoped3A_126 = tpu.sem_alloc : memref<!tpu.dma_semaphore, #tpu.memory_space<semaphore_mem>>
        tpu.enqueue_dma source(%arg3 : memref<10000x32xf32, #tpu.memory_space<hbm>>) target(%arg11 : memref<10000x32xf32, #tpu.memory_space<vmem_shared>>) target_semaphore(%run_scoped3A_126 : memref<!tpu.dma_semaphore, #tpu.memory_space<semaphore_mem>>)
        tpu.wait_dma2 semaphore(%run_scoped3A_126 : memref<!tpu.dma_semaphore, #tpu.memory_space<semaphore_mem>>) src(%arg3 : memref<10000x32xf32, #tpu.memory_space<hbm>>) dst(%arg11 : memref<10000x32xf32, #tpu.memory_space<vmem_shared>>)
        tpu.yield
      }) : () -> ()
    } else {
    }
    %barrier3A = arith.constant 0 : index
    tpu.barrier barrier_id(%barrier3A)
    %mul3A_33 = arith.constant 160 : i32
    %mul3A_34 = arith.muli %arg1, %mul3A_33 : i32
    "tpu.region"() ({
      %run_scoped3A_126 = tpu.sem_alloc : memref<!tpu.dma_semaphore, #tpu.memory_space<semaphore_mem>>
      %dma_start3A_127 = arith.constant 0 : i32
      %dma_start3A_128 = arith.constant 0 : i32
      %dma_start3A_129 = tpu.memref_slice %arg7[%dma_start3A_127, %dma_start3A_128] : memref<160x128xi32, #tpu.memory_space<vmem>> -> memref<160x128xi32, #tpu.memory_space<vmem>>
      %dma_start3A_130 = arith.constant 0 : i32
      %dma_start3A_131 = tpu.memref_slice %arg4[%mul3A_34, %dma_start3A_130] : memref<2560x128xi32, #tpu.memory_space<hbm>> -> memref<160x128xi32, #tpu.memory_space<hbm>>
      %dma_start3A_132 = arith.constant 0 : i32
      %dma_start3A_133 = arith.constant 0 : i32
      %dma_start3A_134 = tpu.memref_slice %arg7[%dma_start3A_132, %dma_start3A_133] : memref<160x128xi32, #tpu.memory_space<vmem>> -> memref<160x128xi32, #tpu.memory_space<vmem>>
      %dma_start3A_135 = arith.constant 0 : i32
      %dma_start3A_136 = tpu.memref_slice %arg4[%mul3A_34, %dma_start3A_135] : memref<2560x128xi32, #tpu.memory_space<hbm>> -> memref<160x128xi32, #tpu.memory_space<hbm>>
      tpu.enqueue_dma source(%dma_start3A_136 : memref<160x128xi32, #tpu.memory_space<hbm>>) target(%dma_start3A_134 : memref<160x128xi32, #tpu.memory_space<vmem>>) target_semaphore(%run_scoped3A_126 : memref<!tpu.dma_semaphore, #tpu.memory_space<semaphore_mem>>)
      %dma_wait3A_137 = arith.constant 0 : i32
      %dma_wait3A_138 = arith.constant 0 : i32
      %dma_wait3A_139 = tpu.memref_slice %arg7[%dma_wait3A_137, %dma_wait3A_138] : memref<160x128xi32, #tpu.memory_space<vmem>> -> memref<160x128xi32, #tpu.memory_space<vmem>>
      %dma_wait3A_140 = arith.constant 0 : i32
      %dma_wait3A_141 = tpu.memref_slice %arg4[%mul3A_34, %dma_wait3A_140] : memref<2560x128xi32, #tpu.memory_space<hbm>> -> memref<160x128xi32, #tpu.memory_space<hbm>>
      %dma_wait3A_142 = arith.constant 0 : i32
      %dma_wait3A_143 = arith.constant 0 : i32
      %dma_wait3A_144 = tpu.memref_slice %arg7[%dma_wait3A_142, %dma_wait3A_143] : memref<160x128xi32, #tpu.memory_space<vmem>> -> memref<160x128xi32, #tpu.memory_space<vmem>>
      %dma_wait3A_145 = arith.constant 0 : i32
      %dma_wait3A_146 = tpu.memref_slice %arg4[%mul3A_34, %dma_wait3A_145] : memref<2560x128xi32, #tpu.memory_space<hbm>> -> memref<160x128xi32, #tpu.memory_space<hbm>>
      tpu.wait_dma2 semaphore(%run_scoped3A_126 : memref<!tpu.dma_semaphore, #tpu.memory_space<semaphore_mem>>) src(%dma_wait3A_146 : memref<160x128xi32, #tpu.memory_space<hbm>>) dst(%dma_wait3A_144 : memref<160x128xi32, #tpu.memory_space<vmem>>)
      tpu.yield
    }) : () -> ()
    "tpu.region"() ({
      %run_scoped3A_126 = tpu.sem_alloc : memref<!tpu.dma_semaphore, #tpu.memory_space<semaphore_mem>>
      %dma_start3A_127 = arith.constant 0 : i32
      %dma_start3A_128 = arith.constant 0 : i32
      %dma_start3A_129 = tpu.memref_slice %arg8[%dma_start3A_127, %dma_start3A_128] : memref<160x128xi32, #tpu.memory_space<vmem>> -> memref<160x128xi32, #tpu.memory_space<vmem>>
      %dma_start3A_130 = arith.constant 0 : i32
      %dma_start3A_131 = tpu.memref_slice %arg5[%mul3A_34, %dma_start3A_130] : memref<2560x128xi32, #tpu.memory_space<hbm>> -> memref<160x128xi32, #tpu.memory_space<hbm>>
      %dma_start3A_132 = arith.constant 0 : i32
      %dma_start3A_133 = arith.constant 0 : i32
      %dma_start3A_134 = tpu.memref_slice %arg8[%dma_start3A_132, %dma_start3A_133] : memref<160x128xi32, #tpu.memory_space<vmem>> -> memref<160x128xi32, #tpu.memory_space<vmem>>
      %dma_start3A_135 = arith.constant 0 : i32
      %dma_start3A_136 = tpu.memref_slice %arg5[%mul3A_34, %dma_start3A_135] : memref<2560x128xi32, #tpu.memory_space<hbm>> -> memref<160x128xi32, #tpu.memory_space<hbm>>
      tpu.enqueue_dma source(%dma_start3A_136 : memref<160x128xi32, #tpu.memory_space<hbm>>) target(%dma_start3A_134 : memref<160x128xi32, #tpu.memory_space<vmem>>) target_semaphore(%run_scoped3A_126 : memref<!tpu.dma_semaphore, #tpu.memory_space<semaphore_mem>>)
      %dma_wait3A_137 = arith.constant 0 : i32
      %dma_wait3A_138 = arith.constant 0 : i32
      %dma_wait3A_139 = tpu.memref_slice %arg8[%dma_wait3A_137, %dma_wait3A_138] : memref<160x128xi32, #tpu.memory_space<vmem>> -> memref<160x128xi32, #tpu.memory_space<vmem>>
      %dma_wait3A_140 = arith.constant 0 : i32
      %dma_wait3A_141 = tpu.memref_slice %arg5[%mul3A_34, %dma_wait3A_140] : memref<2560x128xi32, #tpu.memory_space<hbm>> -> memref<160x128xi32, #tpu.memory_space<hbm>>
      %dma_wait3A_142 = arith.constant 0 : i32
      %dma_wait3A_143 = arith.constant 0 : i32
      %dma_wait3A_144 = tpu.memref_slice %arg8[%dma_wait3A_142, %dma_wait3A_143] : memref<160x128xi32, #tpu.memory_space<vmem>> -> memref<160x128xi32, #tpu.memory_space<vmem>>
      %dma_wait3A_145 = arith.constant 0 : i32
      %dma_wait3A_146 = tpu.memref_slice %arg5[%mul3A_34, %dma_wait3A_145] : memref<2560x128xi32, #tpu.memory_space<hbm>> -> memref<160x128xi32, #tpu.memory_space<hbm>>
      tpu.wait_dma2 semaphore(%run_scoped3A_126 : memref<!tpu.dma_semaphore, #tpu.memory_space<semaphore_mem>>) src(%dma_wait3A_146 : memref<160x128xi32, #tpu.memory_space<hbm>>) dst(%dma_wait3A_144 : memref<160x128xi32, #tpu.memory_space<vmem>>)
      tpu.yield
    }) : () -> ()
    %dma_start3A = arith.constant 0 : i32
    %dma_start3A_35 = arith.constant 0 : i32
    %dma_start3A_36 = arith.constant 0 : i32
    %dma_start3A_37 = arith.constant 0 : i32
    %dma_start3A_38 = tpu.memref_slice %arg9[%dma_start3A_35, %dma_start3A_36, %dma_start3A_37] : memref<4x128x32xf32, #tpu.memory_space<vmem>> -> memref<1x128x32xf32, #tpu.memory_space<vmem>>
    %dma_start3A_39 = tpu.memref_squeeze %dma_start3A_38 : memref<1x128x32xf32, #tpu.memory_space<vmem>> -> memref<128x32xf32, #tpu.memory_space<vmem>>
    %dma_start3A_40 = arith.constant 0 : i32
    %dma_start3A_41 = tpu.memref_slice %arg7[%dma_start3A, %dma_start3A_40] : memref<160x128xi32, #tpu.memory_space<vmem>> -> memref<1x128xi32, #tpu.memory_space<vmem>>
    %dma_start3A_42 = tpu.memref_squeeze %dma_start3A_41 : memref<1x128xi32, #tpu.memory_space<vmem>> -> memref<128xi32, #tpu.memory_space<vmem>>
    %dma_start3A_43 = arith.constant 0 : i32
    %dma_start3A_44 = arith.constant 0 : i32
    %dma_start3A_45 = tpu.memref_slice %arg11[%dma_start3A_43, %dma_start3A_44] : memref<10000x32xf32, #tpu.memory_space<vmem_shared>> -> memref<10000x32xf32, #tpu.memory_space<vmem_shared>>
    tpu.enqueue_indirect_dma source(%dma_start3A_45 : memref<10000x32xf32, #tpu.memory_space<vmem_shared>>) target(%dma_start3A_39 : memref<128x32xf32, #tpu.memory_space<vmem>>) offsets(%dma_start3A_42 : memref<128xi32, #tpu.memory_space<vmem>>) semaphore(%arg12 : memref<!tpu.dma_semaphore, #tpu.memory_space<semaphore_mem>>)
    %dma_start3A_46 = arith.constant 1 : i32
    %dma_start3A_47 = arith.constant 1 : i32
    %dma_start3A_48 = arith.constant 0 : i32
    %dma_start3A_49 = arith.constant 0 : i32
    %dma_start3A_50 = tpu.memref_slice %arg9[%dma_start3A_47, %dma_start3A_48, %dma_start3A_49] : memref<4x128x32xf32, #tpu.memory_space<vmem>> -> memref<1x128x32xf32, #tpu.memory_space<vmem>>
    %dma_start3A_51 = tpu.memref_squeeze %dma_start3A_50 : memref<1x128x32xf32, #tpu.memory_space<vmem>> -> memref<128x32xf32, #tpu.memory_space<vmem>>
    %dma_start3A_52 = arith.constant 0 : i32
    %dma_start3A_53 = tpu.memref_slice %arg7[%dma_start3A_46, %dma_start3A_52] : memref<160x128xi32, #tpu.memory_space<vmem>> -> memref<1x128xi32, #tpu.memory_space<vmem>>
    %dma_start3A_54 = tpu.memref_squeeze %dma_start3A_53 : memref<1x128xi32, #tpu.memory_space<vmem>> -> memref<128xi32, #tpu.memory_space<vmem>>
    %dma_start3A_55 = arith.constant 0 : i32
    %dma_start3A_56 = arith.constant 0 : i32
    %dma_start3A_57 = tpu.memref_slice %arg11[%dma_start3A_55, %dma_start3A_56] : memref<10000x32xf32, #tpu.memory_space<vmem_shared>> -> memref<10000x32xf32, #tpu.memory_space<vmem_shared>>
    tpu.enqueue_indirect_dma source(%dma_start3A_57 : memref<10000x32xf32, #tpu.memory_space<vmem_shared>>) target(%dma_start3A_51 : memref<128x32xf32, #tpu.memory_space<vmem>>) offsets(%dma_start3A_54 : memref<128xi32, #tpu.memory_space<vmem>>) semaphore(%arg13 : memref<!tpu.dma_semaphore, #tpu.memory_space<semaphore_mem>>)
    %dma_start3A_58 = arith.constant 2 : i32
    %dma_start3A_59 = arith.constant 2 : i32
    %dma_start3A_60 = arith.constant 0 : i32
    %dma_start3A_61 = arith.constant 0 : i32
    %dma_start3A_62 = tpu.memref_slice %arg9[%dma_start3A_59, %dma_start3A_60, %dma_start3A_61] : memref<4x128x32xf32, #tpu.memory_space<vmem>> -> memref<1x128x32xf32, #tpu.memory_space<vmem>>
    %dma_start3A_63 = tpu.memref_squeeze %dma_start3A_62 : memref<1x128x32xf32, #tpu.memory_space<vmem>> -> memref<128x32xf32, #tpu.memory_space<vmem>>
    %dma_start3A_64 = arith.constant 0 : i32
    %dma_start3A_65 = tpu.memref_slice %arg7[%dma_start3A_58, %dma_start3A_64] : memref<160x128xi32, #tpu.memory_space<vmem>> -> memref<1x128xi32, #tpu.memory_space<vmem>>
    %dma_start3A_66 = tpu.memref_squeeze %dma_start3A_65 : memref<1x128xi32, #tpu.memory_space<vmem>> -> memref<128xi32, #tpu.memory_space<vmem>>
    %dma_start3A_67 = arith.constant 0 : i32
    %dma_start3A_68 = arith.constant 0 : i32
    %dma_start3A_69 = tpu.memref_slice %arg11[%dma_start3A_67, %dma_start3A_68] : memref<10000x32xf32, #tpu.memory_space<vmem_shared>> -> memref<10000x32xf32, #tpu.memory_space<vmem_shared>>
    tpu.enqueue_indirect_dma source(%dma_start3A_69 : memref<10000x32xf32, #tpu.memory_space<vmem_shared>>) target(%dma_start3A_63 : memref<128x32xf32, #tpu.memory_space<vmem>>) offsets(%dma_start3A_66 : memref<128xi32, #tpu.memory_space<vmem>>) semaphore(%arg14 : memref<!tpu.dma_semaphore, #tpu.memory_space<semaphore_mem>>)
    %scan3A_70 = arith.constant 0 : i32
    %scan3A_71 = arith.constant 0 : i32
    %scan3A_72 = arith.constant 40 : i32
    %scan3A_73 = arith.addi %scan3A_71, %scan3A_72 : i32
    %scan3A_74 = arith.constant 1 : i32
    scf.for %scan3A_126 = %scan3A_71 to %scan3A_73 step %scan3A_74  : i32 {
      %mul3A_127 = arith.constant 4 : i32
      %mul3A_128 = arith.muli %scan3A_126, %mul3A_127 : i32
      %add3A_129 = arith.constant 0 : i32
      %add3A_130 = arith.addi %mul3A_128, %add3A_129 : i32
      %dma_wait3A_131 = arith.constant 0 : i32
      %dma_wait3A_132 = arith.constant 0 : i32
      %dma_wait3A_133 = arith.constant 0 : i32
      %dma_wait3A_134 = tpu.memref_slice %arg9[%dma_wait3A_131, %dma_wait3A_132, %dma_wait3A_133] : memref<4x128x32xf32, #tpu.memory_space<vmem>> -> memref<1x128x32xf32, #tpu.memory_space<vmem>>
      %dma_wait3A_135 = tpu.memref_squeeze %dma_wait3A_134 : memref<1x128x32xf32, #tpu.memory_space<vmem>> -> memref<128x32xf32, #tpu.memory_space<vmem>>
      %dma_wait3A_136 = arith.constant 0 : i32
      %dma_wait3A_137 = tpu.memref_slice %arg7[%add3A_130, %dma_wait3A_136] : memref<160x128xi32, #tpu.memory_space<vmem>> -> memref<1x128xi32, #tpu.memory_space<vmem>>
      %dma_wait3A_138 = tpu.memref_squeeze %dma_wait3A_137 : memref<1x128xi32, #tpu.memory_space<vmem>> -> memref<128xi32, #tpu.memory_space<vmem>>
      %dma_wait3A_139 = arith.constant 0 : i32
      %dma_wait3A_140 = arith.constant 0 : i32
      %dma_wait3A_141 = tpu.memref_slice %arg11[%dma_wait3A_139, %dma_wait3A_140] : memref<10000x32xf32, #tpu.memory_space<vmem_shared>> -> memref<10000x32xf32, #tpu.memory_space<vmem_shared>>
      tpu.wait_indirect_dma semaphore(%arg12 : memref<!tpu.dma_semaphore, #tpu.memory_space<semaphore_mem>>) src(%dma_wait3A_141 : memref<10000x32xf32, #tpu.memory_space<vmem_shared>>) dst(%dma_wait3A_135 : memref<128x32xf32, #tpu.memory_space<vmem>>)
      %dma_start3A_142 = arith.constant 0 : i32
      %dma_start3A_143 = arith.constant 0 : i32
      %dma_start3A_144 = arith.constant 0 : i32
      %dma_start3A_145 = tpu.memref_slice %arg9[%dma_start3A_142, %dma_start3A_143, %dma_start3A_144] : memref<4x128x32xf32, #tpu.memory_space<vmem>> -> memref<1x128x32xf32, #tpu.memory_space<vmem>>
      %dma_start3A_146 = tpu.memref_squeeze %dma_start3A_145 : memref<1x128x32xf32, #tpu.memory_space<vmem>> -> memref<128x32xf32, #tpu.memory_space<vmem>>
      %dma_start3A_147 = arith.constant 0 : i32
      %dma_start3A_148 = tpu.memref_slice %arg8[%add3A_130, %dma_start3A_147] : memref<160x128xi32, #tpu.memory_space<vmem>> -> memref<1x128xi32, #tpu.memory_space<vmem>>
      %dma_start3A_149 = tpu.memref_squeeze %dma_start3A_148 : memref<1x128xi32, #tpu.memory_space<vmem>> -> memref<128xi32, #tpu.memory_space<vmem>>
      %dma_start3A_150 = arith.constant 0 : i32
      %dma_start3A_151 = arith.constant 0 : i32
      %dma_start3A_152 = tpu.memref_slice %arg10[%dma_start3A_150, %dma_start3A_151] : memref<10240x32xf32, #tpu.memory_space<vmem_shared>> -> memref<10240x32xf32, #tpu.memory_space<vmem_shared>>
      tpu.enqueue_indirect_dma source(%dma_start3A_146 : memref<128x32xf32, #tpu.memory_space<vmem>>) target(%dma_start3A_152 : memref<10240x32xf32, #tpu.memory_space<vmem_shared>>) offsets(%dma_start3A_149 : memref<128xi32, #tpu.memory_space<vmem>>) semaphore(%arg16 : memref<!tpu.dma_semaphore, #tpu.memory_space<semaphore_mem>>) {add = true}
      %add3A_153 = arith.constant 4 : i32
      %add3A_154 = arith.addi %add3A_130, %add3A_153 : i32
      %sub3A = arith.constant 1 : i32
      %sub3A_155 = arith.subi %add3A_154, %sub3A : i32
      %lt3A = arith.constant 160 : i32
      %lt3A_156 = arith.cmpi slt, %sub3A_155, %lt3A : i32
      %gt3A = arith.constant 0 : i32
      %gt3A_157 = arith.cmpi sgt, %add3A_130, %gt3A : i32
      %and3A_158 = arith.andi %lt3A_156, %gt3A_157 : i1
      %convert_element_type3A_159 = arith.extui %and3A_158 : i1 to i32
      %cond3A_160 = arith.constant 0 : i32
      %cond3A_161 = arith.cmpi ne, %convert_element_type3A_159, %cond3A_160 : i32
      scf.if %cond3A_161 {
        %dma_wait3A_281 = arith.constant 3 : i32
        %dma_wait3A_282 = arith.constant 0 : i32
        %dma_wait3A_283 = arith.constant 0 : i32
        %dma_wait3A_284 = tpu.memref_slice %arg9[%dma_wait3A_281, %dma_wait3A_282, %dma_wait3A_283] : memref<4x128x32xf32, #tpu.memory_space<vmem>> -> memref<1x128x32xf32, #tpu.memory_space<vmem>>
        %dma_wait3A_285 = tpu.memref_squeeze %dma_wait3A_284 : memref<1x128x32xf32, #tpu.memory_space<vmem>> -> memref<128x32xf32, #tpu.memory_space<vmem>>
        %dma_wait3A_286 = arith.constant 0 : i32
        %dma_wait3A_287 = tpu.memref_slice %arg8[%add3A_130, %dma_wait3A_286] : memref<160x128xi32, #tpu.memory_space<vmem>> -> memref<1x128xi32, #tpu.memory_space<vmem>>
        %dma_wait3A_288 = tpu.memref_squeeze %dma_wait3A_287 : memref<1x128xi32, #tpu.memory_space<vmem>> -> memref<128xi32, #tpu.memory_space<vmem>>
        %dma_wait3A_289 = arith.constant 0 : i32
        %dma_wait3A_290 = arith.constant 0 : i32
        %dma_wait3A_291 = tpu.memref_slice %arg10[%dma_wait3A_289, %dma_wait3A_290] : memref<10240x32xf32, #tpu.memory_space<vmem_shared>> -> memref<10240x32xf32, #tpu.memory_space<vmem_shared>>
        tpu.wait_indirect_dma semaphore(%arg19 : memref<!tpu.dma_semaphore, #tpu.memory_space<semaphore_mem>>) src(%dma_wait3A_285 : memref<128x32xf32, #tpu.memory_space<vmem>>) dst(%dma_wait3A_291 : memref<10240x32xf32, #tpu.memory_space<vmem_shared>>)
        %dma_start3A_292 = arith.constant 3 : i32
        %dma_start3A_293 = arith.constant 0 : i32
        %dma_start3A_294 = arith.constant 0 : i32
        %dma_start3A_295 = tpu.memref_slice %arg9[%dma_start3A_292, %dma_start3A_293, %dma_start3A_294] : memref<4x128x32xf32, #tpu.memory_space<vmem>> -> memref<1x128x32xf32, #tpu.memory_space<vmem>>
        %dma_start3A_296 = tpu.memref_squeeze %dma_start3A_295 : memref<1x128x32xf32, #tpu.memory_space<vmem>> -> memref<128x32xf32, #tpu.memory_space<vmem>>
        %dma_start3A_297 = arith.constant 0 : i32
        %dma_start3A_298 = tpu.memref_slice %arg7[%sub3A_155, %dma_start3A_297] : memref<160x128xi32, #tpu.memory_space<vmem>> -> memref<1x128xi32, #tpu.memory_space<vmem>>
        %dma_start3A_299 = tpu.memref_squeeze %dma_start3A_298 : memref<1x128xi32, #tpu.memory_space<vmem>> -> memref<128xi32, #tpu.memory_space<vmem>>
        %dma_start3A_300 = arith.constant 0 : i32
        %dma_start3A_301 = arith.constant 0 : i32
        %dma_start3A_302 = tpu.memref_slice %arg11[%dma_start3A_300, %dma_start3A_301] : memref<10000x32xf32, #tpu.memory_space<vmem_shared>> -> memref<10000x32xf32, #tpu.memory_space<vmem_shared>>
        tpu.enqueue_indirect_dma source(%dma_start3A_302 : memref<10000x32xf32, #tpu.memory_space<vmem_shared>>) target(%dma_start3A_296 : memref<128x32xf32, #tpu.memory_space<vmem>>) offsets(%dma_start3A_299 : memref<128xi32, #tpu.memory_space<vmem>>) semaphore(%arg15 : memref<!tpu.dma_semaphore, #tpu.memory_space<semaphore_mem>>)
      } else {
      }
      %eq3A_162 = arith.constant 0 : i32
      %eq3A_163 = arith.cmpi eq, %add3A_130, %eq3A_162 : i32
      %convert_element_type3A_164 = arith.extui %eq3A_163 : i1 to i32
      %cond3A_165 = arith.constant 0 : i32
      %cond3A_166 = arith.cmpi ne, %convert_element_type3A_164, %cond3A_165 : i32
      scf.if %cond3A_166 {
        %dma_start3A_281 = arith.constant 3 : i32
        %dma_start3A_282 = arith.constant 3 : i32
        %dma_start3A_283 = arith.constant 0 : i32
        %dma_start3A_284 = arith.constant 0 : i32
        %dma_start3A_285 = tpu.memref_slice %arg9[%dma_start3A_282, %dma_start3A_283, %dma_start3A_284] : memref<4x128x32xf32, #tpu.memory_space<vmem>> -> memref<1x128x32xf32, #tpu.memory_space<vmem>>
        %dma_start3A_286 = tpu.memref_squeeze %dma_start3A_285 : memref<1x128x32xf32, #tpu.memory_space<vmem>> -> memref<128x32xf32, #tpu.memory_space<vmem>>
        %dma_start3A_287 = arith.constant 0 : i32
        %dma_start3A_288 = tpu.memref_slice %arg7[%dma_start3A_281, %dma_start3A_287] : memref<160x128xi32, #tpu.memory_space<vmem>> -> memref<1x128xi32, #tpu.memory_space<vmem>>
        %dma_start3A_289 = tpu.memref_squeeze %dma_start3A_288 : memref<1x128xi32, #tpu.memory_space<vmem>> -> memref<128xi32, #tpu.memory_space<vmem>>
        %dma_start3A_290 = arith.constant 0 : i32
        %dma_start3A_291 = arith.constant 0 : i32
        %dma_start3A_292 = tpu.memref_slice %arg11[%dma_start3A_290, %dma_start3A_291] : memref<10000x32xf32, #tpu.memory_space<vmem_shared>> -> memref<10000x32xf32, #tpu.memory_space<vmem_shared>>
        tpu.enqueue_indirect_dma source(%dma_start3A_292 : memref<10000x32xf32, #tpu.memory_space<vmem_shared>>) target(%dma_start3A_286 : memref<128x32xf32, #tpu.memory_space<vmem>>) offsets(%dma_start3A_289 : memref<128xi32, #tpu.memory_space<vmem>>) semaphore(%arg15 : memref<!tpu.dma_semaphore, #tpu.memory_space<semaphore_mem>>)
      } else {
      }
      %mul3A_167 = arith.constant 4 : i32
      %mul3A_168 = arith.muli %scan3A_126, %mul3A_167 : i32
      %add3A_169 = arith.constant 1 : i32
      %add3A_170 = arith.addi %mul3A_168, %add3A_169 : i32
      %dma_wait3A_171 = arith.constant 1 : i32
      %dma_wait3A_172 = arith.constant 0 : i32
      %dma_wait3A_173 = arith.constant 0 : i32
      %dma_wait3A_174 = tpu.memref_slice %arg9[%dma_wait3A_171, %dma_wait3A_172, %dma_wait3A_173] : memref<4x128x32xf32, #tpu.memory_space<vmem>> -> memref<1x128x32xf32, #tpu.memory_space<vmem>>
      %dma_wait3A_175 = tpu.memref_squeeze %dma_wait3A_174 : memref<1x128x32xf32, #tpu.memory_space<vmem>> -> memref<128x32xf32, #tpu.memory_space<vmem>>
      %dma_wait3A_176 = arith.constant 0 : i32
      %dma_wait3A_177 = tpu.memref_slice %arg7[%add3A_170, %dma_wait3A_176] : memref<160x128xi32, #tpu.memory_space<vmem>> -> memref<1x128xi32, #tpu.memory_space<vmem>>
      %dma_wait3A_178 = tpu.memref_squeeze %dma_wait3A_177 : memref<1x128xi32, #tpu.memory_space<vmem>> -> memref<128xi32, #tpu.memory_space<vmem>>
      %dma_wait3A_179 = arith.constant 0 : i32
      %dma_wait3A_180 = arith.constant 0 : i32
      %dma_wait3A_181 = tpu.memref_slice %arg11[%dma_wait3A_179, %dma_wait3A_180] : memref<10000x32xf32, #tpu.memory_space<vmem_shared>> -> memref<10000x32xf32, #tpu.memory_space<vmem_shared>>
      tpu.wait_indirect_dma semaphore(%arg13 : memref<!tpu.dma_semaphore, #tpu.memory_space<semaphore_mem>>) src(%dma_wait3A_181 : memref<10000x32xf32, #tpu.memory_space<vmem_shared>>) dst(%dma_wait3A_175 : memref<128x32xf32, #tpu.memory_space<vmem>>)
      %dma_start3A_182 = arith.constant 1 : i32
      %dma_start3A_183 = arith.constant 0 : i32
      %dma_start3A_184 = arith.constant 0 : i32
      %dma_start3A_185 = tpu.memref_slice %arg9[%dma_start3A_182, %dma_start3A_183, %dma_start3A_184] : memref<4x128x32xf32, #tpu.memory_space<vmem>> -> memref<1x128x32xf32, #tpu.memory_space<vmem>>
      %dma_start3A_186 = tpu.memref_squeeze %dma_start3A_185 : memref<1x128x32xf32, #tpu.memory_space<vmem>> -> memref<128x32xf32, #tpu.memory_space<vmem>>
      %dma_start3A_187 = arith.constant 0 : i32
      %dma_start3A_188 = tpu.memref_slice %arg8[%add3A_170, %dma_start3A_187] : memref<160x128xi32, #tpu.memory_space<vmem>> -> memref<1x128xi32, #tpu.memory_space<vmem>>
      %dma_start3A_189 = tpu.memref_squeeze %dma_start3A_188 : memref<1x128xi32, #tpu.memory_space<vmem>> -> memref<128xi32, #tpu.memory_space<vmem>>
      %dma_start3A_190 = arith.constant 0 : i32
      %dma_start3A_191 = arith.constant 0 : i32
      %dma_start3A_192 = tpu.memref_slice %arg10[%dma_start3A_190, %dma_start3A_191] : memref<10240x32xf32, #tpu.memory_space<vmem_shared>> -> memref<10240x32xf32, #tpu.memory_space<vmem_shared>>
      tpu.enqueue_indirect_dma source(%dma_start3A_186 : memref<128x32xf32, #tpu.memory_space<vmem>>) target(%dma_start3A_192 : memref<10240x32xf32, #tpu.memory_space<vmem_shared>>) offsets(%dma_start3A_189 : memref<128xi32, #tpu.memory_space<vmem>>) semaphore(%arg17 : memref<!tpu.dma_semaphore, #tpu.memory_space<semaphore_mem>>) {add = true}
      %add3A_193 = arith.constant 4 : i32
      %add3A_194 = arith.addi %add3A_170, %add3A_193 : i32
      %sub3A_195 = arith.constant 1 : i32
      %sub3A_196 = arith.subi %add3A_194, %sub3A_195 : i32
      %lt3A_197 = arith.constant 160 : i32
      %lt3A_198 = arith.cmpi slt, %sub3A_196, %lt3A_197 : i32
      %gt3A_199 = arith.constant 0 : i32
      %gt3A_200 = arith.cmpi sgt, %add3A_170, %gt3A_199 : i32
      %and3A_201 = arith.andi %lt3A_198, %gt3A_200 : i1
      %convert_element_type3A_202 = arith.extui %and3A_201 : i1 to i32
      %cond3A_203 = arith.constant 0 : i32
      %cond3A_204 = arith.cmpi ne, %convert_element_type3A_202, %cond3A_203 : i32
      scf.if %cond3A_204 {
        %dma_wait3A_281 = arith.constant 0 : i32
        %dma_wait3A_282 = arith.constant 0 : i32
        %dma_wait3A_283 = arith.constant 0 : i32
        %dma_wait3A_284 = tpu.memref_slice %arg9[%dma_wait3A_281, %dma_wait3A_282, %dma_wait3A_283] : memref<4x128x32xf32, #tpu.memory_space<vmem>> -> memref<1x128x32xf32, #tpu.memory_space<vmem>>
        %dma_wait3A_285 = tpu.memref_squeeze %dma_wait3A_284 : memref<1x128x32xf32, #tpu.memory_space<vmem>> -> memref<128x32xf32, #tpu.memory_space<vmem>>
        %dma_wait3A_286 = arith.constant 0 : i32
        %dma_wait3A_287 = tpu.memref_slice %arg8[%add3A_170, %dma_wait3A_286] : memref<160x128xi32, #tpu.memory_space<vmem>> -> memref<1x128xi32, #tpu.memory_space<vmem>>
        %dma_wait3A_288 = tpu.memref_squeeze %dma_wait3A_287 : memref<1x128xi32, #tpu.memory_space<vmem>> -> memref<128xi32, #tpu.memory_space<vmem>>
        %dma_wait3A_289 = arith.constant 0 : i32
        %dma_wait3A_290 = arith.constant 0 : i32
        %dma_wait3A_291 = tpu.memref_slice %arg10[%dma_wait3A_289, %dma_wait3A_290] : memref<10240x32xf32, #tpu.memory_space<vmem_shared>> -> memref<10240x32xf32, #tpu.memory_space<vmem_shared>>
        tpu.wait_indirect_dma semaphore(%arg16 : memref<!tpu.dma_semaphore, #tpu.memory_space<semaphore_mem>>) src(%dma_wait3A_285 : memref<128x32xf32, #tpu.memory_space<vmem>>) dst(%dma_wait3A_291 : memref<10240x32xf32, #tpu.memory_space<vmem_shared>>)
        %dma_start3A_292 = arith.constant 0 : i32
        %dma_start3A_293 = arith.constant 0 : i32
        %dma_start3A_294 = arith.constant 0 : i32
        %dma_start3A_295 = tpu.memref_slice %arg9[%dma_start3A_292, %dma_start3A_293, %dma_start3A_294] : memref<4x128x32xf32, #tpu.memory_space<vmem>> -> memref<1x128x32xf32, #tpu.memory_space<vmem>>
        %dma_start3A_296 = tpu.memref_squeeze %dma_start3A_295 : memref<1x128x32xf32, #tpu.memory_space<vmem>> -> memref<128x32xf32, #tpu.memory_space<vmem>>
        %dma_start3A_297 = arith.constant 0 : i32
        %dma_start3A_298 = tpu.memref_slice %arg7[%sub3A_196, %dma_start3A_297] : memref<160x128xi32, #tpu.memory_space<vmem>> -> memref<1x128xi32, #tpu.memory_space<vmem>>
        %dma_start3A_299 = tpu.memref_squeeze %dma_start3A_298 : memref<1x128xi32, #tpu.memory_space<vmem>> -> memref<128xi32, #tpu.memory_space<vmem>>
        %dma_start3A_300 = arith.constant 0 : i32
        %dma_start3A_301 = arith.constant 0 : i32
        %dma_start3A_302 = tpu.memref_slice %arg11[%dma_start3A_300, %dma_start3A_301] : memref<10000x32xf32, #tpu.memory_space<vmem_shared>> -> memref<10000x32xf32, #tpu.memory_space<vmem_shared>>
        tpu.enqueue_indirect_dma source(%dma_start3A_302 : memref<10000x32xf32, #tpu.memory_space<vmem_shared>>) target(%dma_start3A_296 : memref<128x32xf32, #tpu.memory_space<vmem>>) offsets(%dma_start3A_299 : memref<128xi32, #tpu.memory_space<vmem>>) semaphore(%arg12 : memref<!tpu.dma_semaphore, #tpu.memory_space<semaphore_mem>>)
      } else {
      }
      %mul3A_205 = arith.constant 4 : i32
      %mul3A_206 = arith.muli %scan3A_126, %mul3A_205 : i32
      %add3A_207 = arith.constant 2 : i32
      %add3A_208 = arith.addi %mul3A_206, %add3A_207 : i32
      %dma_wait3A_209 = arith.constant 2 : i32
      %dma_wait3A_210 = arith.constant 0 : i32
      %dma_wait3A_211 = arith.constant 0 : i32
      %dma_wait3A_212 = tpu.memref_slice %arg9[%dma_wait3A_209, %dma_wait3A_210, %dma_wait3A_211] : memref<4x128x32xf32, #tpu.memory_space<vmem>> -> memref<1x128x32xf32, #tpu.memory_space<vmem>>
      %dma_wait3A_213 = tpu.memref_squeeze %dma_wait3A_212 : memref<1x128x32xf32, #tpu.memory_space<vmem>> -> memref<128x32xf32, #tpu.memory_space<vmem>>
      %dma_wait3A_214 = arith.constant 0 : i32
      %dma_wait3A_215 = tpu.memref_slice %arg7[%add3A_208, %dma_wait3A_214] : memref<160x128xi32, #tpu.memory_space<vmem>> -> memref<1x128xi32, #tpu.memory_space<vmem>>
      %dma_wait3A_216 = tpu.memref_squeeze %dma_wait3A_215 : memref<1x128xi32, #tpu.memory_space<vmem>> -> memref<128xi32, #tpu.memory_space<vmem>>
      %dma_wait3A_217 = arith.constant 0 : i32
      %dma_wait3A_218 = arith.constant 0 : i32
      %dma_wait3A_219 = tpu.memref_slice %arg11[%dma_wait3A_217, %dma_wait3A_218] : memref<10000x32xf32, #tpu.memory_space<vmem_shared>> -> memref<10000x32xf32, #tpu.memory_space<vmem_shared>>
      tpu.wait_indirect_dma semaphore(%arg14 : memref<!tpu.dma_semaphore, #tpu.memory_space<semaphore_mem>>) src(%dma_wait3A_219 : memref<10000x32xf32, #tpu.memory_space<vmem_shared>>) dst(%dma_wait3A_213 : memref<128x32xf32, #tpu.memory_space<vmem>>)
      %dma_start3A_220 = arith.constant 2 : i32
      %dma_start3A_221 = arith.constant 0 : i32
      %dma_start3A_222 = arith.constant 0 : i32
      %dma_start3A_223 = tpu.memref_slice %arg9[%dma_start3A_220, %dma_start3A_221, %dma_start3A_222] : memref<4x128x32xf32, #tpu.memory_space<vmem>> -> memref<1x128x32xf32, #tpu.memory_space<vmem>>
      %dma_start3A_224 = tpu.memref_squeeze %dma_start3A_223 : memref<1x128x32xf32, #tpu.memory_space<vmem>> -> memref<128x32xf32, #tpu.memory_space<vmem>>
      %dma_start3A_225 = arith.constant 0 : i32
      %dma_start3A_226 = tpu.memref_slice %arg8[%add3A_208, %dma_start3A_225] : memref<160x128xi32, #tpu.memory_space<vmem>> -> memref<1x128xi32, #tpu.memory_space<vmem>>
      %dma_start3A_227 = tpu.memref_squeeze %dma_start3A_226 : memref<1x128xi32, #tpu.memory_space<vmem>> -> memref<128xi32, #tpu.memory_space<vmem>>
      %dma_start3A_228 = arith.constant 0 : i32
      %dma_start3A_229 = arith.constant 0 : i32
      %dma_start3A_230 = tpu.memref_slice %arg10[%dma_start3A_228, %dma_start3A_229] : memref<10240x32xf32, #tpu.memory_space<vmem_shared>> -> memref<10240x32xf32, #tpu.memory_space<vmem_shared>>
      tpu.enqueue_indirect_dma source(%dma_start3A_224 : memref<128x32xf32, #tpu.memory_space<vmem>>) target(%dma_start3A_230 : memref<10240x32xf32, #tpu.memory_space<vmem_shared>>) offsets(%dma_start3A_227 : memref<128xi32, #tpu.memory_space<vmem>>) semaphore(%arg18 : memref<!tpu.dma_semaphore, #tpu.memory_space<semaphore_mem>>) {add = true}
      %add3A_231 = arith.constant 4 : i32
      %add3A_232 = arith.addi %add3A_208, %add3A_231 : i32
      %sub3A_233 = arith.constant 1 : i32
      %sub3A_234 = arith.subi %add3A_232, %sub3A_233 : i32
      %lt3A_235 = arith.constant 160 : i32
      %lt3A_236 = arith.cmpi slt, %sub3A_234, %lt3A_235 : i32
      %gt3A_237 = arith.constant 0 : i32
      %gt3A_238 = arith.cmpi sgt, %add3A_208, %gt3A_237 : i32
      %and3A_239 = arith.andi %lt3A_236, %gt3A_238 : i1
      %convert_element_type3A_240 = arith.extui %and3A_239 : i1 to i32
      %cond3A_241 = arith.constant 0 : i32
      %cond3A_242 = arith.cmpi ne, %convert_element_type3A_240, %cond3A_241 : i32
      scf.if %cond3A_242 {
        %dma_wait3A_281 = arith.constant 1 : i32
        %dma_wait3A_282 = arith.constant 0 : i32
        %dma_wait3A_283 = arith.constant 0 : i32
        %dma_wait3A_284 = tpu.memref_slice %arg9[%dma_wait3A_281, %dma_wait3A_282, %dma_wait3A_283] : memref<4x128x32xf32, #tpu.memory_space<vmem>> -> memref<1x128x32xf32, #tpu.memory_space<vmem>>
        %dma_wait3A_285 = tpu.memref_squeeze %dma_wait3A_284 : memref<1x128x32xf32, #tpu.memory_space<vmem>> -> memref<128x32xf32, #tpu.memory_space<vmem>>
        %dma_wait3A_286 = arith.constant 0 : i32
        %dma_wait3A_287 = tpu.memref_slice %arg8[%add3A_208, %dma_wait3A_286] : memref<160x128xi32, #tpu.memory_space<vmem>> -> memref<1x128xi32, #tpu.memory_space<vmem>>
        %dma_wait3A_288 = tpu.memref_squeeze %dma_wait3A_287 : memref<1x128xi32, #tpu.memory_space<vmem>> -> memref<128xi32, #tpu.memory_space<vmem>>
        %dma_wait3A_289 = arith.constant 0 : i32
        %dma_wait3A_290 = arith.constant 0 : i32
        %dma_wait3A_291 = tpu.memref_slice %arg10[%dma_wait3A_289, %dma_wait3A_290] : memref<10240x32xf32, #tpu.memory_space<vmem_shared>> -> memref<10240x32xf32, #tpu.memory_space<vmem_shared>>
        tpu.wait_indirect_dma semaphore(%arg17 : memref<!tpu.dma_semaphore, #tpu.memory_space<semaphore_mem>>) src(%dma_wait3A_285 : memref<128x32xf32, #tpu.memory_space<vmem>>) dst(%dma_wait3A_291 : memref<10240x32xf32, #tpu.memory_space<vmem_shared>>)
        %dma_start3A_292 = arith.constant 1 : i32
        %dma_start3A_293 = arith.constant 0 : i32
        %dma_start3A_294 = arith.constant 0 : i32
        %dma_start3A_295 = tpu.memref_slice %arg9[%dma_start3A_292, %dma_start3A_293, %dma_start3A_294] : memref<4x128x32xf32, #tpu.memory_space<vmem>> -> memref<1x128x32xf32, #tpu.memory_space<vmem>>
        %dma_start3A_296 = tpu.memref_squeeze %dma_start3A_295 : memref<1x128x32xf32, #tpu.memory_space<vmem>> -> memref<128x32xf32, #tpu.memory_space<vmem>>
        %dma_start3A_297 = arith.constant 0 : i32
        %dma_start3A_298 = tpu.memref_slice %arg7[%sub3A_234, %dma_start3A_297] : memref<160x128xi32, #tpu.memory_space<vmem>> -> memref<1x128xi32, #tpu.memory_space<vmem>>
        %dma_start3A_299 = tpu.memref_squeeze %dma_start3A_298 : memref<1x128xi32, #tpu.memory_space<vmem>> -> memref<128xi32, #tpu.memory_space<vmem>>
        %dma_start3A_300 = arith.constant 0 : i32
        %dma_start3A_301 = arith.constant 0 : i32
        %dma_start3A_302 = tpu.memref_slice %arg11[%dma_start3A_300, %dma_start3A_301] : memref<10000x32xf32, #tpu.memory_space<vmem_shared>> -> memref<10000x32xf32, #tpu.memory_space<vmem_shared>>
        tpu.enqueue_indirect_dma source(%dma_start3A_302 : memref<10000x32xf32, #tpu.memory_space<vmem_shared>>) target(%dma_start3A_296 : memref<128x32xf32, #tpu.memory_space<vmem>>) offsets(%dma_start3A_299 : memref<128xi32, #tpu.memory_space<vmem>>) semaphore(%arg13 : memref<!tpu.dma_semaphore, #tpu.memory_space<semaphore_mem>>)
      } else {
      }
      %mul3A_243 = arith.constant 4 : i32
      %mul3A_244 = arith.muli %scan3A_126, %mul3A_243 : i32
      %add3A_245 = arith.constant 3 : i32
      %add3A_246 = arith.addi %mul3A_244, %add3A_245 : i32
      %dma_wait3A_247 = arith.constant 3 : i32
      %dma_wait3A_248 = arith.constant 0 : i32
      %dma_wait3A_249 = arith.constant 0 : i32
      %dma_wait3A_250 = tpu.memref_slice %arg9[%dma_wait3A_247, %dma_wait3A_248, %dma_wait3A_249] : memref<4x128x32xf32, #tpu.memory_space<vmem>> -> memref<1x128x32xf32, #tpu.memory_space<vmem>>
      %dma_wait3A_251 = tpu.memref_squeeze %dma_wait3A_250 : memref<1x128x32xf32, #tpu.memory_space<vmem>> -> memref<128x32xf32, #tpu.memory_space<vmem>>
      %dma_wait3A_252 = arith.constant 0 : i32
      %dma_wait3A_253 = tpu.memref_slice %arg7[%add3A_246, %dma_wait3A_252] : memref<160x128xi32, #tpu.memory_space<vmem>> -> memref<1x128xi32, #tpu.memory_space<vmem>>
      %dma_wait3A_254 = tpu.memref_squeeze %dma_wait3A_253 : memref<1x128xi32, #tpu.memory_space<vmem>> -> memref<128xi32, #tpu.memory_space<vmem>>
      %dma_wait3A_255 = arith.constant 0 : i32
      %dma_wait3A_256 = arith.constant 0 : i32
      %dma_wait3A_257 = tpu.memref_slice %arg11[%dma_wait3A_255, %dma_wait3A_256] : memref<10000x32xf32, #tpu.memory_space<vmem_shared>> -> memref<10000x32xf32, #tpu.memory_space<vmem_shared>>
      tpu.wait_indirect_dma semaphore(%arg15 : memref<!tpu.dma_semaphore, #tpu.memory_space<semaphore_mem>>) src(%dma_wait3A_257 : memref<10000x32xf32, #tpu.memory_space<vmem_shared>>) dst(%dma_wait3A_251 : memref<128x32xf32, #tpu.memory_space<vmem>>)
      %dma_start3A_258 = arith.constant 3 : i32
      %dma_start3A_259 = arith.constant 0 : i32
      %dma_start3A_260 = arith.constant 0 : i32
      %dma_start3A_261 = tpu.memref_slice %arg9[%dma_start3A_258, %dma_start3A_259, %dma_start3A_260] : memref<4x128x32xf32, #tpu.memory_space<vmem>> -> memref<1x128x32xf32, #tpu.memory_space<vmem>>
      %dma_start3A_262 = tpu.memref_squeeze %dma_start3A_261 : memref<1x128x32xf32, #tpu.memory_space<vmem>> -> memref<128x32xf32, #tpu.memory_space<vmem>>
      %dma_start3A_263 = arith.constant 0 : i32
      %dma_start3A_264 = tpu.memref_slice %arg8[%add3A_246, %dma_start3A_263] : memref<160x128xi32, #tpu.memory_space<vmem>> -> memref<1x128xi32, #tpu.memory_space<vmem>>
      %dma_start3A_265 = tpu.memref_squeeze %dma_start3A_264 : memref<1x128xi32, #tpu.memory_space<vmem>> -> memref<128xi32, #tpu.memory_space<vmem>>
      %dma_start3A_266 = arith.constant 0 : i32
      %dma_start3A_267 = arith.constant 0 : i32
      %dma_start3A_268 = tpu.memref_slice %arg10[%dma_start3A_266, %dma_start3A_267] : memref<10240x32xf32, #tpu.memory_space<vmem_shared>> -> memref<10240x32xf32, #tpu.memory_space<vmem_shared>>
      tpu.enqueue_indirect_dma source(%dma_start3A_262 : memref<128x32xf32, #tpu.memory_space<vmem>>) target(%dma_start3A_268 : memref<10240x32xf32, #tpu.memory_space<vmem_shared>>) offsets(%dma_start3A_265 : memref<128xi32, #tpu.memory_space<vmem>>) semaphore(%arg19 : memref<!tpu.dma_semaphore, #tpu.memory_space<semaphore_mem>>) {add = true}
      %add3A_269 = arith.constant 4 : i32
      %add3A_270 = arith.addi %add3A_246, %add3A_269 : i32
      %sub3A_271 = arith.constant 1 : i32
      %sub3A_272 = arith.subi %add3A_270, %sub3A_271 : i32
      %lt3A_273 = arith.constant 160 : i32
      %lt3A_274 = arith.cmpi slt, %sub3A_272, %lt3A_273 : i32
      %gt3A_275 = arith.constant 0 : i32
      %gt3A_276 = arith.cmpi sgt, %add3A_246, %gt3A_275 : i32
      %and3A_277 = arith.andi %lt3A_274, %gt3A_276 : i1
      %convert_element_type3A_278 = arith.extui %and3A_277 : i1 to i32
      %cond3A_279 = arith.constant 0 : i32
      %cond3A_280 = arith.cmpi ne, %convert_element_type3A_278, %cond3A_279 : i32
      scf.if %cond3A_280 {
        %dma_wait3A_281 = arith.constant 2 : i32
        %dma_wait3A_282 = arith.constant 0 : i32
        %dma_wait3A_283 = arith.constant 0 : i32
        %dma_wait3A_284 = tpu.memref_slice %arg9[%dma_wait3A_281, %dma_wait3A_282, %dma_wait3A_283] : memref<4x128x32xf32, #tpu.memory_space<vmem>> -> memref<1x128x32xf32, #tpu.memory_space<vmem>>
        %dma_wait3A_285 = tpu.memref_squeeze %dma_wait3A_284 : memref<1x128x32xf32, #tpu.memory_space<vmem>> -> memref<128x32xf32, #tpu.memory_space<vmem>>
        %dma_wait3A_286 = arith.constant 0 : i32
        %dma_wait3A_287 = tpu.memref_slice %arg8[%add3A_246, %dma_wait3A_286] : memref<160x128xi32, #tpu.memory_space<vmem>> -> memref<1x128xi32, #tpu.memory_space<vmem>>
        %dma_wait3A_288 = tpu.memref_squeeze %dma_wait3A_287 : memref<1x128xi32, #tpu.memory_space<vmem>> -> memref<128xi32, #tpu.memory_space<vmem>>
        %dma_wait3A_289 = arith.constant 0 : i32
        %dma_wait3A_290 = arith.constant 0 : i32
        %dma_wait3A_291 = tpu.memref_slice %arg10[%dma_wait3A_289, %dma_wait3A_290] : memref<10240x32xf32, #tpu.memory_space<vmem_shared>> -> memref<10240x32xf32, #tpu.memory_space<vmem_shared>>
        tpu.wait_indirect_dma semaphore(%arg18 : memref<!tpu.dma_semaphore, #tpu.memory_space<semaphore_mem>>) src(%dma_wait3A_285 : memref<128x32xf32, #tpu.memory_space<vmem>>) dst(%dma_wait3A_291 : memref<10240x32xf32, #tpu.memory_space<vmem_shared>>)
        %dma_start3A_292 = arith.constant 2 : i32
        %dma_start3A_293 = arith.constant 0 : i32
        %dma_start3A_294 = arith.constant 0 : i32
        %dma_start3A_295 = tpu.memref_slice %arg9[%dma_start3A_292, %dma_start3A_293, %dma_start3A_294] : memref<4x128x32xf32, #tpu.memory_space<vmem>> -> memref<1x128x32xf32, #tpu.memory_space<vmem>>
        %dma_start3A_296 = tpu.memref_squeeze %dma_start3A_295 : memref<1x128x32xf32, #tpu.memory_space<vmem>> -> memref<128x32xf32, #tpu.memory_space<vmem>>
        %dma_start3A_297 = arith.constant 0 : i32
        %dma_start3A_298 = tpu.memref_slice %arg7[%sub3A_272, %dma_start3A_297] : memref<160x128xi32, #tpu.memory_space<vmem>> -> memref<1x128xi32, #tpu.memory_space<vmem>>
        %dma_start3A_299 = tpu.memref_squeeze %dma_start3A_298 : memref<1x128xi32, #tpu.memory_space<vmem>> -> memref<128xi32, #tpu.memory_space<vmem>>
        %dma_start3A_300 = arith.constant 0 : i32
        %dma_start3A_301 = arith.constant 0 : i32
        %dma_start3A_302 = tpu.memref_slice %arg11[%dma_start3A_300, %dma_start3A_301] : memref<10000x32xf32, #tpu.memory_space<vmem_shared>> -> memref<10000x32xf32, #tpu.memory_space<vmem_shared>>
        tpu.enqueue_indirect_dma source(%dma_start3A_302 : memref<10000x32xf32, #tpu.memory_space<vmem_shared>>) target(%dma_start3A_296 : memref<128x32xf32, #tpu.memory_space<vmem>>) offsets(%dma_start3A_299 : memref<128xi32, #tpu.memory_space<vmem>>) semaphore(%arg14 : memref<!tpu.dma_semaphore, #tpu.memory_space<semaphore_mem>>)
      } else {
      }
    }
    %scan3A_75 = arith.constant 40 : i32
    %dma_wait3A = arith.constant 0 : i32
    %dma_wait3A_76 = arith.constant 0 : i32
    %dma_wait3A_77 = arith.constant 0 : i32
    %dma_wait3A_78 = arith.constant 0 : i32
    %dma_wait3A_79 = tpu.memref_slice %arg9[%dma_wait3A, %dma_wait3A_77, %dma_wait3A_78] : memref<4x128x32xf32, #tpu.memory_space<vmem>> -> memref<1x128x32xf32, #tpu.memory_space<vmem>>
    %dma_wait3A_80 = tpu.memref_squeeze %dma_wait3A_79 : memref<1x128x32xf32, #tpu.memory_space<vmem>> -> memref<128x32xf32, #tpu.memory_space<vmem>>
    %dma_wait3A_81 = arith.constant 0 : i32
    %dma_wait3A_82 = tpu.memref_slice %arg8[%dma_wait3A_76, %dma_wait3A_81] : memref<160x128xi32, #tpu.memory_space<vmem>> -> memref<1x128xi32, #tpu.memory_space<vmem>>
    %dma_wait3A_83 = tpu.memref_squeeze %dma_wait3A_82 : memref<1x128xi32, #tpu.memory_space<vmem>> -> memref<128xi32, #tpu.memory_space<vmem>>
    %dma_wait3A_84 = arith.constant 0 : i32
    %dma_wait3A_85 = arith.constant 0 : i32
    %dma_wait3A_86 = tpu.memref_slice %arg10[%dma_wait3A_84, %dma_wait3A_85] : memref<10240x32xf32, #tpu.memory_space<vmem_shared>> -> memref<10240x32xf32, #tpu.memory_space<vmem_shared>>
    tpu.wait_indirect_dma semaphore(%arg16 : memref<!tpu.dma_semaphore, #tpu.memory_space<semaphore_mem>>) src(%dma_wait3A_80 : memref<128x32xf32, #tpu.memory_space<vmem>>) dst(%dma_wait3A_86 : memref<10240x32xf32, #tpu.memory_space<vmem_shared>>)
    %dma_wait3A_87 = arith.constant 1 : i32
    %dma_wait3A_88 = arith.constant 0 : i32
    %dma_wait3A_89 = arith.constant 0 : i32
    %dma_wait3A_90 = arith.constant 0 : i32
    %dma_wait3A_91 = tpu.memref_slice %arg9[%dma_wait3A_87, %dma_wait3A_89, %dma_wait3A_90] : memref<4x128x32xf32, #tpu.memory_space<vmem>> -> memref<1x128x32xf32, #tpu.memory_space<vmem>>
    %dma_wait3A_92 = tpu.memref_squeeze %dma_wait3A_91 : memref<1x128x32xf32, #tpu.memory_space<vmem>> -> memref<128x32xf32, #tpu.memory_space<vmem>>
    %dma_wait3A_93 = arith.constant 0 : i32
    %dma_wait3A_94 = tpu.memref_slice %arg8[%dma_wait3A_88, %dma_wait3A_93] : memref<160x128xi32, #tpu.memory_space<vmem>> -> memref<1x128xi32, #tpu.memory_space<vmem>>
    %dma_wait3A_95 = tpu.memref_squeeze %dma_wait3A_94 : memref<1x128xi32, #tpu.memory_space<vmem>> -> memref<128xi32, #tpu.memory_space<vmem>>
    %dma_wait3A_96 = arith.constant 0 : i32
    %dma_wait3A_97 = arith.constant 0 : i32
    %dma_wait3A_98 = tpu.memref_slice %arg10[%dma_wait3A_96, %dma_wait3A_97] : memref<10240x32xf32, #tpu.memory_space<vmem_shared>> -> memref<10240x32xf32, #tpu.memory_space<vmem_shared>>
    tpu.wait_indirect_dma semaphore(%arg17 : memref<!tpu.dma_semaphore, #tpu.memory_space<semaphore_mem>>) src(%dma_wait3A_92 : memref<128x32xf32, #tpu.memory_space<vmem>>) dst(%dma_wait3A_98 : memref<10240x32xf32, #tpu.memory_space<vmem_shared>>)
    %dma_wait3A_99 = arith.constant 2 : i32
    %dma_wait3A_100 = arith.constant 0 : i32
    %dma_wait3A_101 = arith.constant 0 : i32
    %dma_wait3A_102 = arith.constant 0 : i32
    %dma_wait3A_103 = tpu.memref_slice %arg9[%dma_wait3A_99, %dma_wait3A_101, %dma_wait3A_102] : memref<4x128x32xf32, #tpu.memory_space<vmem>> -> memref<1x128x32xf32, #tpu.memory_space<vmem>>
    %dma_wait3A_104 = tpu.memref_squeeze %dma_wait3A_103 : memref<1x128x32xf32, #tpu.memory_space<vmem>> -> memref<128x32xf32, #tpu.memory_space<vmem>>
    %dma_wait3A_105 = arith.constant 0 : i32
    %dma_wait3A_106 = tpu.memref_slice %arg8[%dma_wait3A_100, %dma_wait3A_105] : memref<160x128xi32, #tpu.memory_space<vmem>> -> memref<1x128xi32, #tpu.memory_space<vmem>>
    %dma_wait3A_107 = tpu.memref_squeeze %dma_wait3A_106 : memref<1x128xi32, #tpu.memory_space<vmem>> -> memref<128xi32, #tpu.memory_space<vmem>>
    %dma_wait3A_108 = arith.constant 0 : i32
    %dma_wait3A_109 = arith.constant 0 : i32
    %dma_wait3A_110 = tpu.memref_slice %arg10[%dma_wait3A_108, %dma_wait3A_109] : memref<10240x32xf32, #tpu.memory_space<vmem_shared>> -> memref<10240x32xf32, #tpu.memory_space<vmem_shared>>
    tpu.wait_indirect_dma semaphore(%arg18 : memref<!tpu.dma_semaphore, #tpu.memory_space<semaphore_mem>>) src(%dma_wait3A_104 : memref<128x32xf32, #tpu.memory_space<vmem>>) dst(%dma_wait3A_110 : memref<10240x32xf32, #tpu.memory_space<vmem_shared>>)
    %dma_wait3A_111 = arith.constant 3 : i32
    %dma_wait3A_112 = arith.constant 0 : i32
    %dma_wait3A_113 = arith.constant 0 : i32
    %dma_wait3A_114 = arith.constant 0 : i32
    %dma_wait3A_115 = tpu.memref_slice %arg9[%dma_wait3A_111, %dma_wait3A_113, %dma_wait3A_114] : memref<4x128x32xf32, #tpu.memory_space<vmem>> -> memref<1x128x32xf32, #tpu.memory_space<vmem>>
    %dma_wait3A_116 = tpu.memref_squeeze %dma_wait3A_115 : memref<1x128x32xf32, #tpu.memory_space<vmem>> -> memref<128x32xf32, #tpu.memory_space<vmem>>
    %dma_wait3A_117 = arith.constant 0 : i32
    %dma_wait3A_118 = tpu.memref_slice %arg8[%dma_wait3A_112, %dma_wait3A_117] : memref<160x128xi32, #tpu.memory_space<vmem>> -> memref<1x128xi32, #tpu.memory_space<vmem>>
    %dma_wait3A_119 = tpu.memref_squeeze %dma_wait3A_118 : memref<1x128xi32, #tpu.memory_space<vmem>> -> memref<128xi32, #tpu.memory_space<vmem>>
    %dma_wait3A_120 = arith.constant 0 : i32
    %dma_wait3A_121 = arith.constant 0 : i32
    %dma_wait3A_122 = tpu.memref_slice %arg10[%dma_wait3A_120, %dma_wait3A_121] : memref<10240x32xf32, #tpu.memory_space<vmem_shared>> -> memref<10240x32xf32, #tpu.memory_space<vmem_shared>>
    tpu.wait_indirect_dma semaphore(%arg19 : memref<!tpu.dma_semaphore, #tpu.memory_space<semaphore_mem>>) src(%dma_wait3A_116 : memref<128x32xf32, #tpu.memory_space<vmem>>) dst(%dma_wait3A_122 : memref<10240x32xf32, #tpu.memory_space<vmem_shared>>)
    %barrier3A_123 = arith.constant 0 : index
    tpu.barrier barrier_id(%barrier3A_123)
    %mul3A_124 = arith.constant 640 : i32
    %mul3A_125 = arith.muli %arg1, %mul3A_124 : i32
    "tpu.region"() ({
      %run_scoped3A_126 = tpu.sem_alloc : memref<!tpu.dma_semaphore, #tpu.memory_space<semaphore_mem>>
      %dma_start3A_127 = arith.constant 0 : i32
      %dma_start3A_128 = tpu.memref_slice %arg6[%arg0, %mul3A_125, %dma_start3A_127] : memref<2x10240x32xf32, #tpu.memory_space<hbm>> -> memref<1x640x32xf32, #tpu.memory_space<hbm>>
      %dma_start3A_129 = tpu.memref_squeeze %dma_start3A_128 : memref<1x640x32xf32, #tpu.memory_space<hbm>> -> memref<640x32xf32, #tpu.memory_space<hbm>>
      %dma_start3A_130 = arith.constant 0 : i32
      %dma_start3A_131 = tpu.memref_slice %arg10[%mul3A_125, %dma_start3A_130] : memref<10240x32xf32, #tpu.memory_space<vmem_shared>> -> memref<640x32xf32, #tpu.memory_space<vmem_shared>>
      tpu.enqueue_dma source(%dma_start3A_131 : memref<640x32xf32, #tpu.memory_space<vmem_shared>>) target(%dma_start3A_129 : memref<640x32xf32, #tpu.memory_space<hbm>>) target_semaphore(%run_scoped3A_126 : memref<!tpu.dma_semaphore, #tpu.memory_space<semaphore_mem>>)
      %dma_wait3A_132 = arith.constant 0 : i32
      %dma_wait3A_133 = tpu.memref_slice %arg6[%arg0, %mul3A_125, %dma_wait3A_132] : memref<2x10240x32xf32, #tpu.memory_space<hbm>> -> memref<1x640x32xf32, #tpu.memory_space<hbm>>
      %dma_wait3A_134 = tpu.memref_squeeze %dma_wait3A_133 : memref<1x640x32xf32, #tpu.memory_space<hbm>> -> memref<640x32xf32, #tpu.memory_space<hbm>>
      %dma_wait3A_135 = arith.constant 0 : i32
      %dma_wait3A_136 = tpu.memref_slice %arg10[%mul3A_125, %dma_wait3A_135] : memref<10240x32xf32, #tpu.memory_space<vmem_shared>> -> memref<640x32xf32, #tpu.memory_space<vmem_shared>>
      tpu.wait_dma2 semaphore(%run_scoped3A_126 : memref<!tpu.dma_semaphore, #tpu.memory_space<semaphore_mem>>) src(%dma_wait3A_136 : memref<640x32xf32, #tpu.memory_space<vmem_shared>>) dst(%dma_wait3A_134 : memref<640x32xf32, #tpu.memory_space<hbm>>)
      tpu.yield
    }) : () -> ()
    return
  }
}

#map = affine_map<(d0, d1) -> (0, 0)>
#map1 = affine_map<(d0, d1) -> (0, 0, 0)>
module attributes {stable_mosaic.version = 14 : i64} {
  func.func @deg_kernel(%arg0: i32, %arg1: i32, %arg2: memref<2560x128xi32, #tpu.memory_space<hbm>>, %arg3: memref<2x10240x16xf32, #tpu.memory_space<hbm>>, %arg4: memref<80x128xi32, #tpu.memory_space<vmem>>, %arg5: memref<128x16xf32, #tpu.memory_space<vmem>>, %arg6: memref<10240x16xf32, #tpu.memory_space<vmem_shared>>, %arg7: memref<!tpu.dma_semaphore, #tpu.memory_space<semaphore_mem>>) attributes {dimension_semantics = [#tpu.dimension_semantics<core_parallel>, #tpu.dimension_semantics<subcore_parallel>], iteration_bounds = array<i64: 2, 16>, scalar_prefetch = 0 : i64, scratch_operands = 4 : i64, tpu.core_type = #tpu.core_type<sc_vector_subcore>, window_params = [{transform_indices = #map}, {transform_indices = #map1}]} {
    %mul3A = arith.constant 16 : i32
    %mul3A_0 = arith.muli %arg0, %mul3A : i32
    %add3A = arith.addi %mul3A_0, %arg1 : i32
    %mul3A_1 = arith.constant 80 : i32
    %mul3A_2 = arith.muli %add3A, %mul3A_1 : i32
    "tpu.region"() ({
      %run_scoped3A = tpu.sem_alloc : memref<!tpu.dma_semaphore, #tpu.memory_space<semaphore_mem>>
      %dma_start3A = arith.constant 0 : i32
      %dma_start3A_44 = tpu.memref_slice %arg2[%mul3A_2, %dma_start3A] : memref<2560x128xi32, #tpu.memory_space<hbm>> -> memref<80x128xi32, #tpu.memory_space<hbm>>
      %dma_start3A_45 = arith.constant 0 : i32
      %dma_start3A_46 = tpu.memref_slice %arg2[%mul3A_2, %dma_start3A_45] : memref<2560x128xi32, #tpu.memory_space<hbm>> -> memref<80x128xi32, #tpu.memory_space<hbm>>
      tpu.enqueue_dma source(%dma_start3A_46 : memref<80x128xi32, #tpu.memory_space<hbm>>) target(%arg4 : memref<80x128xi32, #tpu.memory_space<vmem>>) target_semaphore(%run_scoped3A : memref<!tpu.dma_semaphore, #tpu.memory_space<semaphore_mem>>)
      %dma_wait3A = arith.constant 0 : i32
      %dma_wait3A_47 = tpu.memref_slice %arg2[%mul3A_2, %dma_wait3A] : memref<2560x128xi32, #tpu.memory_space<hbm>> -> memref<80x128xi32, #tpu.memory_space<hbm>>
      %dma_wait3A_48 = arith.constant 0 : i32
      %dma_wait3A_49 = tpu.memref_slice %arg2[%mul3A_2, %dma_wait3A_48] : memref<2560x128xi32, #tpu.memory_space<hbm>> -> memref<80x128xi32, #tpu.memory_space<hbm>>
      tpu.wait_dma2 semaphore(%run_scoped3A : memref<!tpu.dma_semaphore, #tpu.memory_space<semaphore_mem>>) src(%dma_wait3A_49 : memref<80x128xi32, #tpu.memory_space<hbm>>) dst(%arg4 : memref<80x128xi32, #tpu.memory_space<vmem>>)
      tpu.yield
    }) : () -> ()
    %broadcast_in_dim3A = arith.constant 0.000000e+00 : f32
    %broadcast_in_dim3A_3 = vector.broadcast %broadcast_in_dim3A : f32 to vector<16xf32>
    %scan3A = arith.constant 0 : i32
    %scan3A_4 = arith.constant 0 : i32
    %scan3A_5 = arith.constant 128 : i32
    %scan3A_6 = arith.addi %scan3A_4, %scan3A_5 : i32
    %scan3A_7 = arith.constant 1 : i32
    scf.for %scan3A_44 = %scan3A_4 to %scan3A_6 step %scan3A_7  : i32 {
      %swap3A = arith.index_cast %scan3A_44 : i32 to index
      %swap3A_45 = arith.constant 0 : index
      %swap3A_46 = tpu.vector_load %arg5[%swap3A, %swap3A_45] {strides = array<i32>} : memref<128x16xf32, #tpu.memory_space<vmem>>, vector<1x16xf32>,
      %swap3A_47 = vector.shape_cast %swap3A_46 : vector<1x16xf32> to vector<16xf32>
      %swap3A_48 = vector.shape_cast %broadcast_in_dim3A_3 : vector<16xf32> to vector<1x16xf32>
      tpu.vector_store %arg5[%swap3A, %swap3A_45], %swap3A_48 {strides = array<i32>} : memref<128x16xf32, #tpu.memory_space<vmem>>, vector<1x16xf32>,
    }
    %scan3A_8 = arith.constant 128 : i32
    %mul3A_9 = arith.constant 640 : i32
    %mul3A_10 = arith.muli %arg1, %mul3A_9 : i32
    %add3A_11 = arith.constant 0 : i32
    %add3A_12 = arith.addi %mul3A_10, %add3A_11 : i32
    "tpu.region"() ({
      %run_scoped3A = tpu.sem_alloc : memref<!tpu.dma_semaphore, #tpu.memory_space<semaphore_mem>>
      %dma_start3A = arith.constant 0 : i32
      %dma_start3A_44 = tpu.memref_slice %arg6[%add3A_12, %dma_start3A] : memref<10240x16xf32, #tpu.memory_space<vmem_shared>> -> memref<128x16xf32, #tpu.memory_space<vmem_shared>>
      %dma_start3A_45 = arith.constant 0 : i32
      %dma_start3A_46 = tpu.memref_slice %arg6[%add3A_12, %dma_start3A_45] : memref<10240x16xf32, #tpu.memory_space<vmem_shared>> -> memref<128x16xf32, #tpu.memory_space<vmem_shared>>
      tpu.enqueue_dma source(%arg5 : memref<128x16xf32, #tpu.memory_space<vmem>>) target(%dma_start3A_46 : memref<128x16xf32, #tpu.memory_space<vmem_shared>>) target_semaphore(%run_scoped3A : memref<!tpu.dma_semaphore, #tpu.memory_space<semaphore_mem>>)
      %dma_wait3A = arith.constant 0 : i32
      %dma_wait3A_47 = tpu.memref_slice %arg6[%add3A_12, %dma_wait3A] : memref<10240x16xf32, #tpu.memory_space<vmem_shared>> -> memref<128x16xf32, #tpu.memory_space<vmem_shared>>
      %dma_wait3A_48 = arith.constant 0 : i32
      %dma_wait3A_49 = tpu.memref_slice %arg6[%add3A_12, %dma_wait3A_48] : memref<10240x16xf32, #tpu.memory_space<vmem_shared>> -> memref<128x16xf32, #tpu.memory_space<vmem_shared>>
      tpu.wait_dma2 semaphore(%run_scoped3A : memref<!tpu.dma_semaphore, #tpu.memory_space<semaphore_mem>>) src(%arg5 : memref<128x16xf32, #tpu.memory_space<vmem>>) dst(%dma_wait3A_49 : memref<128x16xf32, #tpu.memory_space<vmem_shared>>)
      tpu.yield
    }) : () -> ()
    %add3A_13 = arith.constant 128 : i32
    %add3A_14 = arith.addi %mul3A_10, %add3A_13 : i32
    "tpu.region"() ({
      %run_scoped3A = tpu.sem_alloc : memref<!tpu.dma_semaphore, #tpu.memory_space<semaphore_mem>>
      %dma_start3A = arith.constant 0 : i32
      %dma_start3A_44 = tpu.memref_slice %arg6[%add3A_14, %dma_start3A] : memref<10240x16xf32, #tpu.memory_space<vmem_shared>> -> memref<128x16xf32, #tpu.memory_space<vmem_shared>>
      %dma_start3A_45 = arith.constant 0 : i32
      %dma_start3A_46 = tpu.memref_slice %arg6[%add3A_14, %dma_start3A_45] : memref<10240x16xf32, #tpu.memory_space<vmem_shared>> -> memref<128x16xf32, #tpu.memory_space<vmem_shared>>
      tpu.enqueue_dma source(%arg5 : memref<128x16xf32, #tpu.memory_space<vmem>>) target(%dma_start3A_46 : memref<128x16xf32, #tpu.memory_space<vmem_shared>>) target_semaphore(%run_scoped3A : memref<!tpu.dma_semaphore, #tpu.memory_space<semaphore_mem>>)
      %dma_wait3A = arith.constant 0 : i32
      %dma_wait3A_47 = tpu.memref_slice %arg6[%add3A_14, %dma_wait3A] : memref<10240x16xf32, #tpu.memory_space<vmem_shared>> -> memref<128x16xf32, #tpu.memory_space<vmem_shared>>
      %dma_wait3A_48 = arith.constant 0 : i32
      %dma_wait3A_49 = tpu.memref_slice %arg6[%add3A_14, %dma_wait3A_48] : memref<10240x16xf32, #tpu.memory_space<vmem_shared>> -> memref<128x16xf32, #tpu.memory_space<vmem_shared>>
      tpu.wait_dma2 semaphore(%run_scoped3A : memref<!tpu.dma_semaphore, #tpu.memory_space<semaphore_mem>>) src(%arg5 : memref<128x16xf32, #tpu.memory_space<vmem>>) dst(%dma_wait3A_49 : memref<128x16xf32, #tpu.memory_space<vmem_shared>>)
      tpu.yield
    }) : () -> ()
    %add3A_15 = arith.constant 256 : i32
    %add3A_16 = arith.addi %mul3A_10, %add3A_15 : i32
    "tpu.region"() ({
      %run_scoped3A = tpu.sem_alloc : memref<!tpu.dma_semaphore, #tpu.memory_space<semaphore_mem>>
      %dma_start3A = arith.constant 0 : i32
      %dma_start3A_44 = tpu.memref_slice %arg6[%add3A_16, %dma_start3A] : memref<10240x16xf32, #tpu.memory_space<vmem_shared>> -> memref<128x16xf32, #tpu.memory_space<vmem_shared>>
      %dma_start3A_45 = arith.constant 0 : i32
      %dma_start3A_46 = tpu.memref_slice %arg6[%add3A_16, %dma_start3A_45] : memref<10240x16xf32, #tpu.memory_space<vmem_shared>> -> memref<128x16xf32, #tpu.memory_space<vmem_shared>>
      tpu.enqueue_dma source(%arg5 : memref<128x16xf32, #tpu.memory_space<vmem>>) target(%dma_start3A_46 : memref<128x16xf32, #tpu.memory_space<vmem_shared>>) target_semaphore(%run_scoped3A : memref<!tpu.dma_semaphore, #tpu.memory_space<semaphore_mem>>)
      %dma_wait3A = arith.constant 0 : i32
      %dma_wait3A_47 = tpu.memref_slice %arg6[%add3A_16, %dma_wait3A] : memref<10240x16xf32, #tpu.memory_space<vmem_shared>> -> memref<128x16xf32, #tpu.memory_space<vmem_shared>>
      %dma_wait3A_48 = arith.constant 0 : i32
      %dma_wait3A_49 = tpu.memref_slice %arg6[%add3A_16, %dma_wait3A_48] : memref<10240x16xf32, #tpu.memory_space<vmem_shared>> -> memref<128x16xf32, #tpu.memory_space<vmem_shared>>
      tpu.wait_dma2 semaphore(%run_scoped3A : memref<!tpu.dma_semaphore, #tpu.memory_space<semaphore_mem>>) src(%arg5 : memref<128x16xf32, #tpu.memory_space<vmem>>) dst(%dma_wait3A_49 : memref<128x16xf32, #tpu.memory_space<vmem_shared>>)
      tpu.yield
    }) : () -> ()
    %add3A_17 = arith.constant 384 : i32
    %add3A_18 = arith.addi %mul3A_10, %add3A_17 : i32
    "tpu.region"() ({
      %run_scoped3A = tpu.sem_alloc : memref<!tpu.dma_semaphore, #tpu.memory_space<semaphore_mem>>
      %dma_start3A = arith.constant 0 : i32
      %dma_start3A_44 = tpu.memref_slice %arg6[%add3A_18, %dma_start3A] : memref<10240x16xf32, #tpu.memory_space<vmem_shared>> -> memref<128x16xf32, #tpu.memory_space<vmem_shared>>
      %dma_start3A_45 = arith.constant 0 : i32
      %dma_start3A_46 = tpu.memref_slice %arg6[%add3A_18, %dma_start3A_45] : memref<10240x16xf32, #tpu.memory_space<vmem_shared>> -> memref<128x16xf32, #tpu.memory_space<vmem_shared>>
      tpu.enqueue_dma source(%arg5 : memref<128x16xf32, #tpu.memory_space<vmem>>) target(%dma_start3A_46 : memref<128x16xf32, #tpu.memory_space<vmem_shared>>) target_semaphore(%run_scoped3A : memref<!tpu.dma_semaphore, #tpu.memory_space<semaphore_mem>>)
      %dma_wait3A = arith.constant 0 : i32
      %dma_wait3A_47 = tpu.memref_slice %arg6[%add3A_18, %dma_wait3A] : memref<10240x16xf32, #tpu.memory_space<vmem_shared>> -> memref<128x16xf32, #tpu.memory_space<vmem_shared>>
      %dma_wait3A_48 = arith.constant 0 : i32
      %dma_wait3A_49 = tpu.memref_slice %arg6[%add3A_18, %dma_wait3A_48] : memref<10240x16xf32, #tpu.memory_space<vmem_shared>> -> memref<128x16xf32, #tpu.memory_space<vmem_shared>>
      tpu.wait_dma2 semaphore(%run_scoped3A : memref<!tpu.dma_semaphore, #tpu.memory_space<semaphore_mem>>) src(%arg5 : memref<128x16xf32, #tpu.memory_space<vmem>>) dst(%dma_wait3A_49 : memref<128x16xf32, #tpu.memory_space<vmem_shared>>)
      tpu.yield
    }) : () -> ()
    %add3A_19 = arith.constant 512 : i32
    %add3A_20 = arith.addi %mul3A_10, %add3A_19 : i32
    "tpu.region"() ({
      %run_scoped3A = tpu.sem_alloc : memref<!tpu.dma_semaphore, #tpu.memory_space<semaphore_mem>>
      %dma_start3A = arith.constant 0 : i32
      %dma_start3A_44 = tpu.memref_slice %arg6[%add3A_20, %dma_start3A] : memref<10240x16xf32, #tpu.memory_space<vmem_shared>> -> memref<128x16xf32, #tpu.memory_space<vmem_shared>>
      %dma_start3A_45 = arith.constant 0 : i32
      %dma_start3A_46 = tpu.memref_slice %arg6[%add3A_20, %dma_start3A_45] : memref<10240x16xf32, #tpu.memory_space<vmem_shared>> -> memref<128x16xf32, #tpu.memory_space<vmem_shared>>
      tpu.enqueue_dma source(%arg5 : memref<128x16xf32, #tpu.memory_space<vmem>>) target(%dma_start3A_46 : memref<128x16xf32, #tpu.memory_space<vmem_shared>>) target_semaphore(%run_scoped3A : memref<!tpu.dma_semaphore, #tpu.memory_space<semaphore_mem>>)
      %dma_wait3A = arith.constant 0 : i32
      %dma_wait3A_47 = tpu.memref_slice %arg6[%add3A_20, %dma_wait3A] : memref<10240x16xf32, #tpu.memory_space<vmem_shared>> -> memref<128x16xf32, #tpu.memory_space<vmem_shared>>
      %dma_wait3A_48 = arith.constant 0 : i32
      %dma_wait3A_49 = tpu.memref_slice %arg6[%add3A_20, %dma_wait3A_48] : memref<10240x16xf32, #tpu.memory_space<vmem_shared>> -> memref<128x16xf32, #tpu.memory_space<vmem_shared>>
      tpu.wait_dma2 semaphore(%run_scoped3A : memref<!tpu.dma_semaphore, #tpu.memory_space<semaphore_mem>>) src(%arg5 : memref<128x16xf32, #tpu.memory_space<vmem>>) dst(%dma_wait3A_49 : memref<128x16xf32, #tpu.memory_space<vmem_shared>>)
      tpu.yield
    }) : () -> ()
    %broadcast_in_dim3A_21 = arith.constant 1.000000e+00 : f32
    %broadcast_in_dim3A_22 = vector.broadcast %broadcast_in_dim3A_21 : f32 to vector<16xf32>
    %scan3A_23 = arith.constant 0 : i32
    %scan3A_24 = arith.constant 0 : i32
    %scan3A_25 = arith.constant 128 : i32
    %scan3A_26 = arith.addi %scan3A_24, %scan3A_25 : i32
    %scan3A_27 = arith.constant 1 : i32
    scf.for %scan3A_44 = %scan3A_24 to %scan3A_26 step %scan3A_27  : i32 {
      %swap3A = arith.index_cast %scan3A_44 : i32 to index
      %swap3A_45 = arith.constant 0 : index
      %swap3A_46 = tpu.vector_load %arg5[%swap3A, %swap3A_45] {strides = array<i32>} : memref<128x16xf32, #tpu.memory_space<vmem>>, vector<1x16xf32>,
      %swap3A_47 = vector.shape_cast %swap3A_46 : vector<1x16xf32> to vector<16xf32>
      %swap3A_48 = vector.shape_cast %broadcast_in_dim3A_22 : vector<16xf32> to vector<1x16xf32>
      tpu.vector_store %arg5[%swap3A, %swap3A_45], %swap3A_48 {strides = array<i32>} : memref<128x16xf32, #tpu.memory_space<vmem>>, vector<1x16xf32>,
    }
    %scan3A_28 = arith.constant 128 : i32
    %barrier3A = arith.constant 0 : index
    tpu.barrier barrier_id(%barrier3A)
    %scan3A_29 = arith.constant 0 : i32
    %scan3A_30 = arith.constant 0 : i32
    %scan3A_31 = arith.constant 80 : i32
    %scan3A_32 = arith.addi %scan3A_30, %scan3A_31 : i32
    %scan3A_33 = arith.constant 1 : i32
    scf.for %scan3A_44 = %scan3A_30 to %scan3A_32 step %scan3A_33  : i32 {
      %dma_start3A = arith.constant 0 : i32
      %dma_start3A_45 = tpu.memref_slice %arg4[%scan3A_44, %dma_start3A] : memref<80x128xi32, #tpu.memory_space<vmem>> -> memref<1x128xi32, #tpu.memory_space<vmem>>
      %dma_start3A_46 = tpu.memref_squeeze %dma_start3A_45 : memref<1x128xi32, #tpu.memory_space<vmem>> -> memref<128xi32, #tpu.memory_space<vmem>>
      %dma_start3A_47 = arith.constant 0 : i32
      %dma_start3A_48 = arith.constant 0 : i32
      %dma_start3A_49 = tpu.memref_slice %arg6[%dma_start3A_47, %dma_start3A_48] : memref<10240x16xf32, #tpu.memory_space<vmem_shared>> -> memref<10240x16xf32, #tpu.memory_space<vmem_shared>>
      tpu.enqueue_indirect_dma source(%arg5 : memref<128x16xf32, #tpu.memory_space<vmem>>) target(%dma_start3A_49 : memref<10240x16xf32, #tpu.memory_space<vmem_shared>>) offsets(%dma_start3A_46 : memref<128xi32, #tpu.memory_space<vmem>>) semaphore(%arg7 : memref<!tpu.dma_semaphore, #tpu.memory_space<semaphore_mem>>) {add = true}
    }
    %scan3A_34 = arith.constant 80 : i32
    %scan3A_35 = arith.constant 0 : i32
    %scan3A_36 = arith.constant 0 : i32
    %scan3A_37 = arith.constant 80 : i32
    %scan3A_38 = arith.addi %scan3A_36, %scan3A_37 : i32
    %scan3A_39 = arith.constant 1 : i32
    scf.for %scan3A_44 = %scan3A_36 to %scan3A_38 step %scan3A_39  : i32 {
      %dma_wait3A = arith.constant 0 : i32
      %dma_wait3A_45 = arith.constant 0 : i32
      %dma_wait3A_46 = tpu.memref_slice %arg4[%dma_wait3A, %dma_wait3A_45] : memref<80x128xi32, #tpu.memory_space<vmem>> -> memref<1x128xi32, #tpu.memory_space<vmem>>
      %dma_wait3A_47 = tpu.memref_squeeze %dma_wait3A_46 : memref<1x128xi32, #tpu.memory_space<vmem>> -> memref<128xi32, #tpu.memory_space<vmem>>
      %dma_wait3A_48 = arith.constant 0 : i32
      %dma_wait3A_49 = arith.constant 0 : i32
      %dma_wait3A_50 = tpu.memref_slice %arg6[%dma_wait3A_48, %dma_wait3A_49] : memref<10240x16xf32, #tpu.memory_space<vmem_shared>> -> memref<10240x16xf32, #tpu.memory_space<vmem_shared>>
      tpu.wait_indirect_dma semaphore(%arg7 : memref<!tpu.dma_semaphore, #tpu.memory_space<semaphore_mem>>) src(%arg5 : memref<128x16xf32, #tpu.memory_space<vmem>>) dst(%dma_wait3A_50 : memref<10240x16xf32, #tpu.memory_space<vmem_shared>>)
    }
    %scan3A_40 = arith.constant 80 : i32
    %barrier3A_41 = arith.constant 0 : index
    tpu.barrier barrier_id(%barrier3A_41)
    %mul3A_42 = arith.constant 640 : i32
    %mul3A_43 = arith.muli %arg1, %mul3A_42 : i32
    "tpu.region"() ({
      %run_scoped3A = tpu.sem_alloc : memref<!tpu.dma_semaphore, #tpu.memory_space<semaphore_mem>>
      %dma_start3A = arith.constant 0 : i32
      %dma_start3A_44 = tpu.memref_slice %arg3[%arg0, %mul3A_43, %dma_start3A] : memref<2x10240x16xf32, #tpu.memory_space<hbm>> -> memref<1x640x16xf32, #tpu.memory_space<hbm>>
      %dma_start3A_45 = tpu.memref_squeeze %dma_start3A_44 : memref<1x640x16xf32, #tpu.memory_space<hbm>> -> memref<640x16xf32, #tpu.memory_space<hbm>>
      %dma_start3A_46 = arith.constant 0 : i32
      %dma_start3A_47 = tpu.memref_slice %arg6[%mul3A_43, %dma_start3A_46] : memref<10240x16xf32, #tpu.memory_space<vmem_shared>> -> memref<640x16xf32, #tpu.memory_space<vmem_shared>>
      tpu.enqueue_dma source(%dma_start3A_47 : memref<640x16xf32, #tpu.memory_space<vmem_shared>>) target(%dma_start3A_45 : memref<640x16xf32, #tpu.memory_space<hbm>>) target_semaphore(%run_scoped3A : memref<!tpu.dma_semaphore, #tpu.memory_space<semaphore_mem>>)
      %dma_wait3A = arith.constant 0 : i32
      %dma_wait3A_48 = tpu.memref_slice %arg3[%arg0, %mul3A_43, %dma_wait3A] : memref<2x10240x16xf32, #tpu.memory_space<hbm>> -> memref<1x640x16xf32, #tpu.memory_space<hbm>>
      %dma_wait3A_49 = tpu.memref_squeeze %dma_wait3A_48 : memref<1x640x16xf32, #tpu.memory_space<hbm>> -> memref<640x16xf32, #tpu.memory_space<hbm>>
      %dma_wait3A_50 = arith.constant 0 : i32
      %dma_wait3A_51 = tpu.memref_slice %arg6[%mul3A_43, %dma_wait3A_50] : memref<10240x16xf32, #tpu.memory_space<vmem_shared>> -> memref<640x16xf32, #tpu.memory_space<vmem_shared>>
      tpu.wait_dma2 semaphore(%run_scoped3A : memref<!tpu.dma_semaphore, #tpu.memory_space<semaphore_mem>>) src(%dma_wait3A_51 : memref<640x16xf32, #tpu.memory_space<vmem_shared>>) dst(%dma_wait3A_49 : memref<640x16xf32, #tpu.memory_space<hbm>>)
      tpu.yield
    }) : () -> ()
    return
  }
}

#map = affine_map<(d0, d1) -> (0, 0)>
#map1 = affine_map<(d0, d1) -> (0, 0, 0)>
module attributes {stable_mosaic.version = 14 : i64} {
  func.func @scat_kernel(%arg0: i32, %arg1: i32, %arg2: memref<10000x32xf32, #tpu.memory_space<hbm>>, %arg3: memref<10000x32xf32, #tpu.memory_space<hbm>>, %arg4: memref<2560x128xi32, #tpu.memory_space<hbm>>, %arg5: memref<2560x128xi32, #tpu.memory_space<hbm>>, %arg6: memref<2x10240x32xf32, #tpu.memory_space<hbm>>, %arg7: memref<160x128xi32, #tpu.memory_space<vmem>>, %arg8: memref<160x128xi32, #tpu.memory_space<vmem>>, %arg9: memref<4x128x32xf32, #tpu.memory_space<vmem>>, %arg10: memref<10240x32xf32, #tpu.memory_space<vmem_shared>>, %arg11: memref<10000x32xf32, #tpu.memory_space<vmem_shared>>, %arg12: memref<!tpu.dma_semaphore, #tpu.memory_space<semaphore_mem>>, %arg13: memref<!tpu.dma_semaphore, #tpu.memory_space<semaphore_mem>>, %arg14: memref<!tpu.dma_semaphore, #tpu.memory_space<semaphore_mem>>, %arg15: memref<!tpu.dma_semaphore, #tpu.memory_space<semaphore_mem>>, %arg16: memref<!tpu.dma_semaphore, #tpu.memory_space<semaphore_mem>>, %arg17: memref<!tpu.dma_semaphore, #tpu.memory_space<semaphore_mem>>, %arg18: memref<!tpu.dma_semaphore, #tpu.memory_space<semaphore_mem>>, %arg19: memref<!tpu.dma_semaphore, #tpu.memory_space<semaphore_mem>>) attributes {dimension_semantics = [#tpu.dimension_semantics<core_parallel>, #tpu.dimension_semantics<subcore_parallel>], iteration_bounds = array<i64: 2, 16>, scalar_prefetch = 0 : i64, scratch_operands = 13 : i64, tpu.core_type = #tpu.core_type<sc_vector_subcore>, window_params = [{transform_indices = #map}, {transform_indices = #map}, {transform_indices = #map}, {transform_indices = #map}, {transform_indices = #map1}]} {
    %broadcast_in_dim3A = arith.constant 0.000000e+00 : f32
    %broadcast_in_dim3A_0 = vector.broadcast %broadcast_in_dim3A : f32 to vector<16xf32>
    %scan3A = arith.constant 0 : i32
    %scan3A_1 = arith.constant 0 : i32
    %scan3A_2 = arith.constant 0 : i32
    %scan3A_3 = arith.constant 128 : i32
    %scan3A_4 = arith.addi %scan3A_2, %scan3A_3 : i32
    %scan3A_5 = arith.constant 1 : i32
    scf.for %scan3A_126 = %scan3A_2 to %scan3A_4 step %scan3A_5  : i32 {
      %swap3A = arith.constant 0 : i32
      %swap3A_127 = arith.constant 0 : i32
      %swap3A_128 = tpu.memref_slice %arg9[%scan3A_1, %swap3A, %swap3A_127] : memref<4x128x32xf32, #tpu.memory_space<vmem>> -> memref<1x128x32xf32, #tpu.memory_space<vmem>>
      %swap3A_129 = tpu.memref_squeeze %swap3A_128 : memref<1x128x32xf32, #tpu.memory_space<vmem>> -> memref<128x32xf32, #tpu.memory_space<vmem>>
      %swap3A_130 = arith.index_cast %scan3A_126 : i32 to index
      %swap3A_131 = arith.constant 0 : index
      %swap3A_132 = tpu.vector_load %swap3A_129[%swap3A_130, %swap3A_131] {strides = array<i32>} : memref<128x32xf32, #tpu.memory_space<vmem>>, vector<1x16xf32>,
      %swap3A_133 = vector.shape_cast %swap3A_132 : vector<1x16xf32> to vector<16xf32>
      %swap3A_134 = vector.shape_cast %broadcast_in_dim3A_0 : vector<16xf32> to vector<1x16xf32>
      tpu.vector_store %swap3A_129[%swap3A_130, %swap3A_131], %swap3A_134 {strides = array<i32>} : memref<128x32xf32, #tpu.memory_space<vmem>>, vector<1x16xf32>,
      %swap3A_135 = arith.constant 0 : i32
      %swap3A_136 = arith.constant 0 : i32
      %swap3A_137 = tpu.memref_slice %arg9[%scan3A_1, %swap3A_135, %swap3A_136] : memref<4x128x32xf32, #tpu.memory_space<vmem>> -> memref<1x128x32xf32, #tpu.memory_space<vmem>>
      %swap3A_138 = tpu.memref_squeeze %swap3A_137 : memref<1x128x32xf32, #tpu.memory_space<vmem>> -> memref<128x32xf32, #tpu.memory_space<vmem>>
      %swap3A_139 = arith.index_cast %scan3A_126 : i32 to index
      %swap3A_140 = arith.constant 16 : index
      %swap3A_141 = tpu.vector_load %swap3A_138[%swap3A_139, %swap3A_140] {strides = array<i32>} : memref<128x32xf32, #tpu.memory_space<vmem>>, vector<1x16xf32>,
      %swap3A_142 = vector.shape_cast %swap3A_141 : vector<1x16xf32> to vector<16xf32>
      %swap3A_143 = vector.shape_cast %broadcast_in_dim3A_0 : vector<16xf32> to vector<1x16xf32>
      tpu.vector_store %swap3A_138[%swap3A_139, %swap3A_140], %swap3A_143 {strides = array<i32>} : memref<128x32xf32, #tpu.memory_space<vmem>>, vector<1x16xf32>,
    }
    %scan3A_6 = arith.constant 128 : i32
    %mul3A = arith.constant 640 : i32
    %mul3A_7 = arith.muli %arg1, %mul3A : i32
    %add3A = arith.constant 0 : i32
    %add3A_8 = arith.addi %mul3A_7, %add3A : i32
    %run_scoped3A = arith.constant 0 : i32
    "tpu.region"() ({
      %run_scoped3A_126 = tpu.sem_alloc : memref<!tpu.dma_semaphore, #tpu.memory_space<semaphore_mem>>
      %dma_start3A_127 = arith.constant 0 : i32
      %dma_start3A_128 = arith.constant 0 : i32
      %dma_start3A_129 = tpu.memref_slice %arg9[%run_scoped3A, %dma_start3A_127, %dma_start3A_128] : memref<4x128x32xf32, #tpu.memory_space<vmem>> -> memref<1x128x32xf32, #tpu.memory_space<vmem>>
      %dma_start3A_130 = tpu.memref_squeeze %dma_start3A_129 : memref<1x128x32xf32, #tpu.memory_space<vmem>> -> memref<128x32xf32, #tpu.memory_space<vmem>>
      %dma_start3A_131 = arith.constant 0 : i32
      %dma_start3A_132 = tpu.memref_slice %arg10[%add3A_8, %dma_start3A_131] : memref<10240x32xf32, #tpu.memory_space<vmem_shared>> -> memref<128x32xf32, #tpu.memory_space<vmem_shared>>
      %dma_start3A_133 = arith.constant 0 : i32
      %dma_start3A_134 = tpu.memref_slice %arg10[%add3A_8, %dma_start3A_133] : memref<10240x32xf32, #tpu.memory_space<vmem_shared>> -> memref<128x32xf32, #tpu.memory_space<vmem_shared>>
      %dma_start3A_135 = arith.constant 0 : i32
      %dma_start3A_136 = arith.constant 0 : i32
      %dma_start3A_137 = tpu.memref_slice %arg9[%run_scoped3A, %dma_start3A_135, %dma_start3A_136] : memref<4x128x32xf32, #tpu.memory_space<vmem>> -> memref<1x128x32xf32, #tpu.memory_space<vmem>>
      %dma_start3A_138 = tpu.memref_squeeze %dma_start3A_137 : memref<1x128x32xf32, #tpu.memory_space<vmem>> -> memref<128x32xf32, #tpu.memory_space<vmem>>
      tpu.enqueue_dma source(%dma_start3A_138 : memref<128x32xf32, #tpu.memory_space<vmem>>) target(%dma_start3A_134 : memref<128x32xf32, #tpu.memory_space<vmem_shared>>) target_semaphore(%run_scoped3A_126 : memref<!tpu.dma_semaphore, #tpu.memory_space<semaphore_mem>>)
      %dma_wait3A_139 = arith.constant 0 : i32
      %dma_wait3A_140 = arith.constant 0 : i32
      %dma_wait3A_141 = tpu.memref_slice %arg9[%run_scoped3A, %dma_wait3A_139, %dma_wait3A_140] : memref<4x128x32xf32, #tpu.memory_space<vmem>> -> memref<1x128x32xf32, #tpu.memory_space<vmem>>
      %dma_wait3A_142 = tpu.memref_squeeze %dma_wait3A_141 : memref<1x128x32xf32, #tpu.memory_space<vmem>> -> memref<128x32xf32, #tpu.memory_space<vmem>>
      %dma_wait3A_143 = arith.constant 0 : i32
      %dma_wait3A_144 = tpu.memref_slice %arg10[%add3A_8, %dma_wait3A_143] : memref<10240x32xf32, #tpu.memory_space<vmem_shared>> -> memref<128x32xf32, #tpu.memory_space<vmem_shared>>
      %dma_wait3A_145 = arith.constant 0 : i32
      %dma_wait3A_146 = tpu.memref_slice %arg10[%add3A_8, %dma_wait3A_145] : memref<10240x32xf32, #tpu.memory_space<vmem_shared>> -> memref<128x32xf32, #tpu.memory_space<vmem_shared>>
      %dma_wait3A_147 = arith.constant 0 : i32
      %dma_wait3A_148 = arith.constant 0 : i32
      %dma_wait3A_149 = tpu.memref_slice %arg9[%run_scoped3A, %dma_wait3A_147, %dma_wait3A_148] : memref<4x128x32xf32, #tpu.memory_space<vmem>> -> memref<1x128x32xf32, #tpu.memory_space<vmem>>
      %dma_wait3A_150 = tpu.memref_squeeze %dma_wait3A_149 : memref<1x128x32xf32, #tpu.memory_space<vmem>> -> memref<128x32xf32, #tpu.memory_space<vmem>>
      tpu.wait_dma2 semaphore(%run_scoped3A_126 : memref<!tpu.dma_semaphore, #tpu.memory_space<semaphore_mem>>) src(%dma_wait3A_150 : memref<128x32xf32, #tpu.memory_space<vmem>>) dst(%dma_wait3A_146 : memref<128x32xf32, #tpu.memory_space<vmem_shared>>)
      tpu.yield
    }) : () -> ()
    %add3A_9 = arith.constant 128 : i32
    %add3A_10 = arith.addi %mul3A_7, %add3A_9 : i32
    %run_scoped3A_11 = arith.constant 0 : i32
    "tpu.region"() ({
      %run_scoped3A_126 = tpu.sem_alloc : memref<!tpu.dma_semaphore, #tpu.memory_space<semaphore_mem>>
      %dma_start3A_127 = arith.constant 0 : i32
      %dma_start3A_128 = arith.constant 0 : i32
      %dma_start3A_129 = tpu.memref_slice %arg9[%run_scoped3A_11, %dma_start3A_127, %dma_start3A_128] : memref<4x128x32xf32, #tpu.memory_space<vmem>> -> memref<1x128x32xf32, #tpu.memory_space<vmem>>
      %dma_start3A_130 = tpu.memref_squeeze %dma_start3A_129 : memref<1x128x32xf32, #tpu.memory_space<vmem>> -> memref<128x32xf32, #tpu.memory_space<vmem>>
      %dma_start3A_131 = arith.constant 0 : i32
      %dma_start3A_132 = tpu.memref_slice %arg10[%add3A_10, %dma_start3A_131] : memref<10240x32xf32, #tpu.memory_space<vmem_shared>> -> memref<128x32xf32, #tpu.memory_space<vmem_shared>>
      %dma_start3A_133 = arith.constant 0 : i32
      %dma_start3A_134 = tpu.memref_slice %arg10[%add3A_10, %dma_start3A_133] : memref<10240x32xf32, #tpu.memory_space<vmem_shared>> -> memref<128x32xf32, #tpu.memory_space<vmem_shared>>
      %dma_start3A_135 = arith.constant 0 : i32
      %dma_start3A_136 = arith.constant 0 : i32
      %dma_start3A_137 = tpu.memref_slice %arg9[%run_scoped3A_11, %dma_start3A_135, %dma_start3A_136] : memref<4x128x32xf32, #tpu.memory_space<vmem>> -> memref<1x128x32xf32, #tpu.memory_space<vmem>>
      %dma_start3A_138 = tpu.memref_squeeze %dma_start3A_137 : memref<1x128x32xf32, #tpu.memory_space<vmem>> -> memref<128x32xf32, #tpu.memory_space<vmem>>
      tpu.enqueue_dma source(%dma_start3A_138 : memref<128x32xf32, #tpu.memory_space<vmem>>) target(%dma_start3A_134 : memref<128x32xf32, #tpu.memory_space<vmem_shared>>) target_semaphore(%run_scoped3A_126 : memref<!tpu.dma_semaphore, #tpu.memory_space<semaphore_mem>>)
      %dma_wait3A_139 = arith.constant 0 : i32
      %dma_wait3A_140 = arith.constant 0 : i32
      %dma_wait3A_141 = tpu.memref_slice %arg9[%run_scoped3A_11, %dma_wait3A_139, %dma_wait3A_140] : memref<4x128x32xf32, #tpu.memory_space<vmem>> -> memref<1x128x32xf32, #tpu.memory_space<vmem>>
      %dma_wait3A_142 = tpu.memref_squeeze %dma_wait3A_141 : memref<1x128x32xf32, #tpu.memory_space<vmem>> -> memref<128x32xf32, #tpu.memory_space<vmem>>
      %dma_wait3A_143 = arith.constant 0 : i32
      %dma_wait3A_144 = tpu.memref_slice %arg10[%add3A_10, %dma_wait3A_143] : memref<10240x32xf32, #tpu.memory_space<vmem_shared>> -> memref<128x32xf32, #tpu.memory_space<vmem_shared>>
      %dma_wait3A_145 = arith.constant 0 : i32
      %dma_wait3A_146 = tpu.memref_slice %arg10[%add3A_10, %dma_wait3A_145] : memref<10240x32xf32, #tpu.memory_space<vmem_shared>> -> memref<128x32xf32, #tpu.memory_space<vmem_shared>>
      %dma_wait3A_147 = arith.constant 0 : i32
      %dma_wait3A_148 = arith.constant 0 : i32
      %dma_wait3A_149 = tpu.memref_slice %arg9[%run_scoped3A_11, %dma_wait3A_147, %dma_wait3A_148] : memref<4x128x32xf32, #tpu.memory_space<vmem>> -> memref<1x128x32xf32, #tpu.memory_space<vmem>>
      %dma_wait3A_150 = tpu.memref_squeeze %dma_wait3A_149 : memref<1x128x32xf32, #tpu.memory_space<vmem>> -> memref<128x32xf32, #tpu.memory_space<vmem>>
      tpu.wait_dma2 semaphore(%run_scoped3A_126 : memref<!tpu.dma_semaphore, #tpu.memory_space<semaphore_mem>>) src(%dma_wait3A_150 : memref<128x32xf32, #tpu.memory_space<vmem>>) dst(%dma_wait3A_146 : memref<128x32xf32, #tpu.memory_space<vmem_shared>>)
      tpu.yield
    }) : () -> ()
    %add3A_12 = arith.constant 256 : i32
    %add3A_13 = arith.addi %mul3A_7, %add3A_12 : i32
    %run_scoped3A_14 = arith.constant 0 : i32
    "tpu.region"() ({
      %run_scoped3A_126 = tpu.sem_alloc : memref<!tpu.dma_semaphore, #tpu.memory_space<semaphore_mem>>
      %dma_start3A_127 = arith.constant 0 : i32
      %dma_start3A_128 = arith.constant 0 : i32
      %dma_start3A_129 = tpu.memref_slice %arg9[%run_scoped3A_14, %dma_start3A_127, %dma_start3A_128] : memref<4x128x32xf32, #tpu.memory_space<vmem>> -> memref<1x128x32xf32, #tpu.memory_space<vmem>>
      %dma_start3A_130 = tpu.memref_squeeze %dma_start3A_129 : memref<1x128x32xf32, #tpu.memory_space<vmem>> -> memref<128x32xf32, #tpu.memory_space<vmem>>
      %dma_start3A_131 = arith.constant 0 : i32
      %dma_start3A_132 = tpu.memref_slice %arg10[%add3A_13, %dma_start3A_131] : memref<10240x32xf32, #tpu.memory_space<vmem_shared>> -> memref<128x32xf32, #tpu.memory_space<vmem_shared>>
      %dma_start3A_133 = arith.constant 0 : i32
      %dma_start3A_134 = tpu.memref_slice %arg10[%add3A_13, %dma_start3A_133] : memref<10240x32xf32, #tpu.memory_space<vmem_shared>> -> memref<128x32xf32, #tpu.memory_space<vmem_shared>>
      %dma_start3A_135 = arith.constant 0 : i32
      %dma_start3A_136 = arith.constant 0 : i32
      %dma_start3A_137 = tpu.memref_slice %arg9[%run_scoped3A_14, %dma_start3A_135, %dma_start3A_136] : memref<4x128x32xf32, #tpu.memory_space<vmem>> -> memref<1x128x32xf32, #tpu.memory_space<vmem>>
      %dma_start3A_138 = tpu.memref_squeeze %dma_start3A_137 : memref<1x128x32xf32, #tpu.memory_space<vmem>> -> memref<128x32xf32, #tpu.memory_space<vmem>>
      tpu.enqueue_dma source(%dma_start3A_138 : memref<128x32xf32, #tpu.memory_space<vmem>>) target(%dma_start3A_134 : memref<128x32xf32, #tpu.memory_space<vmem_shared>>) target_semaphore(%run_scoped3A_126 : memref<!tpu.dma_semaphore, #tpu.memory_space<semaphore_mem>>)
      %dma_wait3A_139 = arith.constant 0 : i32
      %dma_wait3A_140 = arith.constant 0 : i32
      %dma_wait3A_141 = tpu.memref_slice %arg9[%run_scoped3A_14, %dma_wait3A_139, %dma_wait3A_140] : memref<4x128x32xf32, #tpu.memory_space<vmem>> -> memref<1x128x32xf32, #tpu.memory_space<vmem>>
      %dma_wait3A_142 = tpu.memref_squeeze %dma_wait3A_141 : memref<1x128x32xf32, #tpu.memory_space<vmem>> -> memref<128x32xf32, #tpu.memory_space<vmem>>
      %dma_wait3A_143 = arith.constant 0 : i32
      %dma_wait3A_144 = tpu.memref_slice %arg10[%add3A_13, %dma_wait3A_143] : memref<10240x32xf32, #tpu.memory_space<vmem_shared>> -> memref<128x32xf32, #tpu.memory_space<vmem_shared>>
      %dma_wait3A_145 = arith.constant 0 : i32
      %dma_wait3A_146 = tpu.memref_slice %arg10[%add3A_13, %dma_wait3A_145] : memref<10240x32xf32, #tpu.memory_space<vmem_shared>> -> memref<128x32xf32, #tpu.memory_space<vmem_shared>>
      %dma_wait3A_147 = arith.constant 0 : i32
      %dma_wait3A_148 = arith.constant 0 : i32
      %dma_wait3A_149 = tpu.memref_slice %arg9[%run_scoped3A_14, %dma_wait3A_147, %dma_wait3A_148] : memref<4x128x32xf32, #tpu.memory_space<vmem>> -> memref<1x128x32xf32, #tpu.memory_space<vmem>>
      %dma_wait3A_150 = tpu.memref_squeeze %dma_wait3A_149 : memref<1x128x32xf32, #tpu.memory_space<vmem>> -> memref<128x32xf32, #tpu.memory_space<vmem>>
      tpu.wait_dma2 semaphore(%run_scoped3A_126 : memref<!tpu.dma_semaphore, #tpu.memory_space<semaphore_mem>>) src(%dma_wait3A_150 : memref<128x32xf32, #tpu.memory_space<vmem>>) dst(%dma_wait3A_146 : memref<128x32xf32, #tpu.memory_space<vmem_shared>>)
      tpu.yield
    }) : () -> ()
    %add3A_15 = arith.constant 384 : i32
    %add3A_16 = arith.addi %mul3A_7, %add3A_15 : i32
    %run_scoped3A_17 = arith.constant 0 : i32
    "tpu.region"() ({
      %run_scoped3A_126 = tpu.sem_alloc : memref<!tpu.dma_semaphore, #tpu.memory_space<semaphore_mem>>
      %dma_start3A_127 = arith.constant 0 : i32
      %dma_start3A_128 = arith.constant 0 : i32
      %dma_start3A_129 = tpu.memref_slice %arg9[%run_scoped3A_17, %dma_start3A_127, %dma_start3A_128] : memref<4x128x32xf32, #tpu.memory_space<vmem>> -> memref<1x128x32xf32, #tpu.memory_space<vmem>>
      %dma_start3A_130 = tpu.memref_squeeze %dma_start3A_129 : memref<1x128x32xf32, #tpu.memory_space<vmem>> -> memref<128x32xf32, #tpu.memory_space<vmem>>
      %dma_start3A_131 = arith.constant 0 : i32
      %dma_start3A_132 = tpu.memref_slice %arg10[%add3A_16, %dma_start3A_131] : memref<10240x32xf32, #tpu.memory_space<vmem_shared>> -> memref<128x32xf32, #tpu.memory_space<vmem_shared>>
      %dma_start3A_133 = arith.constant 0 : i32
      %dma_start3A_134 = tpu.memref_slice %arg10[%add3A_16, %dma_start3A_133] : memref<10240x32xf32, #tpu.memory_space<vmem_shared>> -> memref<128x32xf32, #tpu.memory_space<vmem_shared>>
      %dma_start3A_135 = arith.constant 0 : i32
      %dma_start3A_136 = arith.constant 0 : i32
      %dma_start3A_137 = tpu.memref_slice %arg9[%run_scoped3A_17, %dma_start3A_135, %dma_start3A_136] : memref<4x128x32xf32, #tpu.memory_space<vmem>> -> memref<1x128x32xf32, #tpu.memory_space<vmem>>
      %dma_start3A_138 = tpu.memref_squeeze %dma_start3A_137 : memref<1x128x32xf32, #tpu.memory_space<vmem>> -> memref<128x32xf32, #tpu.memory_space<vmem>>
      tpu.enqueue_dma source(%dma_start3A_138 : memref<128x32xf32, #tpu.memory_space<vmem>>) target(%dma_start3A_134 : memref<128x32xf32, #tpu.memory_space<vmem_shared>>) target_semaphore(%run_scoped3A_126 : memref<!tpu.dma_semaphore, #tpu.memory_space<semaphore_mem>>)
      %dma_wait3A_139 = arith.constant 0 : i32
      %dma_wait3A_140 = arith.constant 0 : i32
      %dma_wait3A_141 = tpu.memref_slice %arg9[%run_scoped3A_17, %dma_wait3A_139, %dma_wait3A_140] : memref<4x128x32xf32, #tpu.memory_space<vmem>> -> memref<1x128x32xf32, #tpu.memory_space<vmem>>
      %dma_wait3A_142 = tpu.memref_squeeze %dma_wait3A_141 : memref<1x128x32xf32, #tpu.memory_space<vmem>> -> memref<128x32xf32, #tpu.memory_space<vmem>>
      %dma_wait3A_143 = arith.constant 0 : i32
      %dma_wait3A_144 = tpu.memref_slice %arg10[%add3A_16, %dma_wait3A_143] : memref<10240x32xf32, #tpu.memory_space<vmem_shared>> -> memref<128x32xf32, #tpu.memory_space<vmem_shared>>
      %dma_wait3A_145 = arith.constant 0 : i32
      %dma_wait3A_146 = tpu.memref_slice %arg10[%add3A_16, %dma_wait3A_145] : memref<10240x32xf32, #tpu.memory_space<vmem_shared>> -> memref<128x32xf32, #tpu.memory_space<vmem_shared>>
      %dma_wait3A_147 = arith.constant 0 : i32
      %dma_wait3A_148 = arith.constant 0 : i32
      %dma_wait3A_149 = tpu.memref_slice %arg9[%run_scoped3A_17, %dma_wait3A_147, %dma_wait3A_148] : memref<4x128x32xf32, #tpu.memory_space<vmem>> -> memref<1x128x32xf32, #tpu.memory_space<vmem>>
      %dma_wait3A_150 = tpu.memref_squeeze %dma_wait3A_149 : memref<1x128x32xf32, #tpu.memory_space<vmem>> -> memref<128x32xf32, #tpu.memory_space<vmem>>
      tpu.wait_dma2 semaphore(%run_scoped3A_126 : memref<!tpu.dma_semaphore, #tpu.memory_space<semaphore_mem>>) src(%dma_wait3A_150 : memref<128x32xf32, #tpu.memory_space<vmem>>) dst(%dma_wait3A_146 : memref<128x32xf32, #tpu.memory_space<vmem_shared>>)
      tpu.yield
    }) : () -> ()
    %add3A_18 = arith.constant 512 : i32
    %add3A_19 = arith.addi %mul3A_7, %add3A_18 : i32
    %run_scoped3A_20 = arith.constant 0 : i32
    "tpu.region"() ({
      %run_scoped3A_126 = tpu.sem_alloc : memref<!tpu.dma_semaphore, #tpu.memory_space<semaphore_mem>>
      %dma_start3A_127 = arith.constant 0 : i32
      %dma_start3A_128 = arith.constant 0 : i32
      %dma_start3A_129 = tpu.memref_slice %arg9[%run_scoped3A_20, %dma_start3A_127, %dma_start3A_128] : memref<4x128x32xf32, #tpu.memory_space<vmem>> -> memref<1x128x32xf32, #tpu.memory_space<vmem>>
      %dma_start3A_130 = tpu.memref_squeeze %dma_start3A_129 : memref<1x128x32xf32, #tpu.memory_space<vmem>> -> memref<128x32xf32, #tpu.memory_space<vmem>>
      %dma_start3A_131 = arith.constant 0 : i32
      %dma_start3A_132 = tpu.memref_slice %arg10[%add3A_19, %dma_start3A_131] : memref<10240x32xf32, #tpu.memory_space<vmem_shared>> -> memref<128x32xf32, #tpu.memory_space<vmem_shared>>
      %dma_start3A_133 = arith.constant 0 : i32
      %dma_start3A_134 = tpu.memref_slice %arg10[%add3A_19, %dma_start3A_133] : memref<10240x32xf32, #tpu.memory_space<vmem_shared>> -> memref<128x32xf32, #tpu.memory_space<vmem_shared>>
      %dma_start3A_135 = arith.constant 0 : i32
      %dma_start3A_136 = arith.constant 0 : i32
      %dma_start3A_137 = tpu.memref_slice %arg9[%run_scoped3A_20, %dma_start3A_135, %dma_start3A_136] : memref<4x128x32xf32, #tpu.memory_space<vmem>> -> memref<1x128x32xf32, #tpu.memory_space<vmem>>
      %dma_start3A_138 = tpu.memref_squeeze %dma_start3A_137 : memref<1x128x32xf32, #tpu.memory_space<vmem>> -> memref<128x32xf32, #tpu.memory_space<vmem>>
      tpu.enqueue_dma source(%dma_start3A_138 : memref<128x32xf32, #tpu.memory_space<vmem>>) target(%dma_start3A_134 : memref<128x32xf32, #tpu.memory_space<vmem_shared>>) target_semaphore(%run_scoped3A_126 : memref<!tpu.dma_semaphore, #tpu.memory_space<semaphore_mem>>)
      %dma_wait3A_139 = arith.constant 0 : i32
      %dma_wait3A_140 = arith.constant 0 : i32
      %dma_wait3A_141 = tpu.memref_slice %arg9[%run_scoped3A_20, %dma_wait3A_139, %dma_wait3A_140] : memref<4x128x32xf32, #tpu.memory_space<vmem>> -> memref<1x128x32xf32, #tpu.memory_space<vmem>>
      %dma_wait3A_142 = tpu.memref_squeeze %dma_wait3A_141 : memref<1x128x32xf32, #tpu.memory_space<vmem>> -> memref<128x32xf32, #tpu.memory_space<vmem>>
      %dma_wait3A_143 = arith.constant 0 : i32
      %dma_wait3A_144 = tpu.memref_slice %arg10[%add3A_19, %dma_wait3A_143] : memref<10240x32xf32, #tpu.memory_space<vmem_shared>> -> memref<128x32xf32, #tpu.memory_space<vmem_shared>>
      %dma_wait3A_145 = arith.constant 0 : i32
      %dma_wait3A_146 = tpu.memref_slice %arg10[%add3A_19, %dma_wait3A_145] : memref<10240x32xf32, #tpu.memory_space<vmem_shared>> -> memref<128x32xf32, #tpu.memory_space<vmem_shared>>
      %dma_wait3A_147 = arith.constant 0 : i32
      %dma_wait3A_148 = arith.constant 0 : i32
      %dma_wait3A_149 = tpu.memref_slice %arg9[%run_scoped3A_20, %dma_wait3A_147, %dma_wait3A_148] : memref<4x128x32xf32, #tpu.memory_space<vmem>> -> memref<1x128x32xf32, #tpu.memory_space<vmem>>
      %dma_wait3A_150 = tpu.memref_squeeze %dma_wait3A_149 : memref<1x128x32xf32, #tpu.memory_space<vmem>> -> memref<128x32xf32, #tpu.memory_space<vmem>>
      tpu.wait_dma2 semaphore(%run_scoped3A_126 : memref<!tpu.dma_semaphore, #tpu.memory_space<semaphore_mem>>) src(%dma_wait3A_150 : memref<128x32xf32, #tpu.memory_space<vmem>>) dst(%dma_wait3A_146 : memref<128x32xf32, #tpu.memory_space<vmem_shared>>)
      tpu.yield
    }) : () -> ()
    %eq3A = arith.constant 0 : i32
    %eq3A_21 = arith.cmpi eq, %arg1, %eq3A : i32
    %eq3A_22 = arith.constant 0 : i32
    %eq3A_23 = arith.cmpi eq, %arg0, %eq3A_22 : i32
    %and3A = arith.andi %eq3A_21, %eq3A_23 : i1
    %convert_element_type3A = arith.extui %and3A : i1 to i32
    %cond3A = arith.constant 0 : i32
    %cond3A_24 = arith.cmpi ne, %convert_element_type3A, %cond3A : i32
    scf.if %cond3A_24 {
      "tpu.region"() ({
        %run_scoped3A_126 = tpu.sem_alloc : memref<!tpu.dma_semaphore, #tpu.memory_space<semaphore_mem>>
        tpu.enqueue_dma source(%arg2 : memref<10000x32xf32, #tpu.memory_space<hbm>>) target(%arg11 : memref<10000x32xf32, #tpu.memory_space<vmem_shared>>) target_semaphore(%run_scoped3A_126 : memref<!tpu.dma_semaphore, #tpu.memory_space<semaphore_mem>>)
        tpu.wait_dma2 semaphore(%run_scoped3A_126 : memref<!tpu.dma_semaphore, #tpu.memory_space<semaphore_mem>>) src(%arg2 : memref<10000x32xf32, #tpu.memory_space<hbm>>) dst(%arg11 : memref<10000x32xf32, #tpu.memory_space<vmem_shared>>)
        tpu.yield
      }) : () -> ()
    } else {
    }
    %eq3A_25 = arith.constant 0 : i32
    %eq3A_26 = arith.cmpi eq, %arg1, %eq3A_25 : i32
    %eq3A_27 = arith.constant 1 : i32
    %eq3A_28 = arith.cmpi eq, %arg0, %eq3A_27 : i32
    %and3A_29 = arith.andi %eq3A_26, %eq3A_28 : i1
    %convert_element_type3A_30 = arith.extui %and3A_29 : i1 to i32
    %cond3A_31 = arith.constant 0 : i32
    %cond3A_32 = arith.cmpi ne, %convert_element_type3A_30, %cond3A_31 : i32
    scf.if %cond3A_32 {
      "tpu.region"() ({
        %run_scoped3A_126 = tpu.sem_alloc : memref<!tpu.dma_semaphore, #tpu.memory_space<semaphore_mem>>
        tpu.enqueue_dma source(%arg3 : memref<10000x32xf32, #tpu.memory_space<hbm>>) target(%arg11 : memref<10000x32xf32, #tpu.memory_space<vmem_shared>>) target_semaphore(%run_scoped3A_126 : memref<!tpu.dma_semaphore, #tpu.memory_space<semaphore_mem>>)
        tpu.wait_dma2 semaphore(%run_scoped3A_126 : memref<!tpu.dma_semaphore, #tpu.memory_space<semaphore_mem>>) src(%arg3 : memref<10000x32xf32, #tpu.memory_space<hbm>>) dst(%arg11 : memref<10000x32xf32, #tpu.memory_space<vmem_shared>>)
        tpu.yield
      }) : () -> ()
    } else {
    }
    %barrier3A = arith.constant 0 : index
    tpu.barrier barrier_id(%barrier3A)
    %mul3A_33 = arith.constant 160 : i32
    %mul3A_34 = arith.muli %arg1, %mul3A_33 : i32
    "tpu.region"() ({
      %run_scoped3A_126 = tpu.sem_alloc : memref<!tpu.dma_semaphore, #tpu.memory_space<semaphore_mem>>
      %dma_start3A_127 = arith.constant 0 : i32
      %dma_start3A_128 = arith.constant 0 : i32
      %dma_start3A_129 = tpu.memref_slice %arg7[%dma_start3A_127, %dma_start3A_128] : memref<160x128xi32, #tpu.memory_space<vmem>> -> memref<160x128xi32, #tpu.memory_space<vmem>>
      %dma_start3A_130 = arith.constant 0 : i32
      %dma_start3A_131 = tpu.memref_slice %arg4[%mul3A_34, %dma_start3A_130] : memref<2560x128xi32, #tpu.memory_space<hbm>> -> memref<160x128xi32, #tpu.memory_space<hbm>>
      %dma_start3A_132 = arith.constant 0 : i32
      %dma_start3A_133 = arith.constant 0 : i32
      %dma_start3A_134 = tpu.memref_slice %arg7[%dma_start3A_132, %dma_start3A_133] : memref<160x128xi32, #tpu.memory_space<vmem>> -> memref<160x128xi32, #tpu.memory_space<vmem>>
      %dma_start3A_135 = arith.constant 0 : i32
      %dma_start3A_136 = tpu.memref_slice %arg4[%mul3A_34, %dma_start3A_135] : memref<2560x128xi32, #tpu.memory_space<hbm>> -> memref<160x128xi32, #tpu.memory_space<hbm>>
      tpu.enqueue_dma source(%dma_start3A_136 : memref<160x128xi32, #tpu.memory_space<hbm>>) target(%dma_start3A_134 : memref<160x128xi32, #tpu.memory_space<vmem>>) target_semaphore(%run_scoped3A_126 : memref<!tpu.dma_semaphore, #tpu.memory_space<semaphore_mem>>)
      %dma_wait3A_137 = arith.constant 0 : i32
      %dma_wait3A_138 = arith.constant 0 : i32
      %dma_wait3A_139 = tpu.memref_slice %arg7[%dma_wait3A_137, %dma_wait3A_138] : memref<160x128xi32, #tpu.memory_space<vmem>> -> memref<160x128xi32, #tpu.memory_space<vmem>>
      %dma_wait3A_140 = arith.constant 0 : i32
      %dma_wait3A_141 = tpu.memref_slice %arg4[%mul3A_34, %dma_wait3A_140] : memref<2560x128xi32, #tpu.memory_space<hbm>> -> memref<160x128xi32, #tpu.memory_space<hbm>>
      %dma_wait3A_142 = arith.constant 0 : i32
      %dma_wait3A_143 = arith.constant 0 : i32
      %dma_wait3A_144 = tpu.memref_slice %arg7[%dma_wait3A_142, %dma_wait3A_143] : memref<160x128xi32, #tpu.memory_space<vmem>> -> memref<160x128xi32, #tpu.memory_space<vmem>>
      %dma_wait3A_145 = arith.constant 0 : i32
      %dma_wait3A_146 = tpu.memref_slice %arg4[%mul3A_34, %dma_wait3A_145] : memref<2560x128xi32, #tpu.memory_space<hbm>> -> memref<160x128xi32, #tpu.memory_space<hbm>>
      tpu.wait_dma2 semaphore(%run_scoped3A_126 : memref<!tpu.dma_semaphore, #tpu.memory_space<semaphore_mem>>) src(%dma_wait3A_146 : memref<160x128xi32, #tpu.memory_space<hbm>>) dst(%dma_wait3A_144 : memref<160x128xi32, #tpu.memory_space<vmem>>)
      tpu.yield
    }) : () -> ()
    "tpu.region"() ({
      %run_scoped3A_126 = tpu.sem_alloc : memref<!tpu.dma_semaphore, #tpu.memory_space<semaphore_mem>>
      %dma_start3A_127 = arith.constant 0 : i32
      %dma_start3A_128 = arith.constant 0 : i32
      %dma_start3A_129 = tpu.memref_slice %arg8[%dma_start3A_127, %dma_start3A_128] : memref<160x128xi32, #tpu.memory_space<vmem>> -> memref<160x128xi32, #tpu.memory_space<vmem>>
      %dma_start3A_130 = arith.constant 0 : i32
      %dma_start3A_131 = tpu.memref_slice %arg5[%mul3A_34, %dma_start3A_130] : memref<2560x128xi32, #tpu.memory_space<hbm>> -> memref<160x128xi32, #tpu.memory_space<hbm>>
      %dma_start3A_132 = arith.constant 0 : i32
      %dma_start3A_133 = arith.constant 0 : i32
      %dma_start3A_134 = tpu.memref_slice %arg8[%dma_start3A_132, %dma_start3A_133] : memref<160x128xi32, #tpu.memory_space<vmem>> -> memref<160x128xi32, #tpu.memory_space<vmem>>
      %dma_start3A_135 = arith.constant 0 : i32
      %dma_start3A_136 = tpu.memref_slice %arg5[%mul3A_34, %dma_start3A_135] : memref<2560x128xi32, #tpu.memory_space<hbm>> -> memref<160x128xi32, #tpu.memory_space<hbm>>
      tpu.enqueue_dma source(%dma_start3A_136 : memref<160x128xi32, #tpu.memory_space<hbm>>) target(%dma_start3A_134 : memref<160x128xi32, #tpu.memory_space<vmem>>) target_semaphore(%run_scoped3A_126 : memref<!tpu.dma_semaphore, #tpu.memory_space<semaphore_mem>>)
      %dma_wait3A_137 = arith.constant 0 : i32
      %dma_wait3A_138 = arith.constant 0 : i32
      %dma_wait3A_139 = tpu.memref_slice %arg8[%dma_wait3A_137, %dma_wait3A_138] : memref<160x128xi32, #tpu.memory_space<vmem>> -> memref<160x128xi32, #tpu.memory_space<vmem>>
      %dma_wait3A_140 = arith.constant 0 : i32
      %dma_wait3A_141 = tpu.memref_slice %arg5[%mul3A_34, %dma_wait3A_140] : memref<2560x128xi32, #tpu.memory_space<hbm>> -> memref<160x128xi32, #tpu.memory_space<hbm>>
      %dma_wait3A_142 = arith.constant 0 : i32
      %dma_wait3A_143 = arith.constant 0 : i32
      %dma_wait3A_144 = tpu.memref_slice %arg8[%dma_wait3A_142, %dma_wait3A_143] : memref<160x128xi32, #tpu.memory_space<vmem>> -> memref<160x128xi32, #tpu.memory_space<vmem>>
      %dma_wait3A_145 = arith.constant 0 : i32
      %dma_wait3A_146 = tpu.memref_slice %arg5[%mul3A_34, %dma_wait3A_145] : memref<2560x128xi32, #tpu.memory_space<hbm>> -> memref<160x128xi32, #tpu.memory_space<hbm>>
      tpu.wait_dma2 semaphore(%run_scoped3A_126 : memref<!tpu.dma_semaphore, #tpu.memory_space<semaphore_mem>>) src(%dma_wait3A_146 : memref<160x128xi32, #tpu.memory_space<hbm>>) dst(%dma_wait3A_144 : memref<160x128xi32, #tpu.memory_space<vmem>>)
      tpu.yield
    }) : () -> ()
    %dma_start3A = arith.constant 0 : i32
    %dma_start3A_35 = arith.constant 0 : i32
    %dma_start3A_36 = arith.constant 0 : i32
    %dma_start3A_37 = arith.constant 0 : i32
    %dma_start3A_38 = tpu.memref_slice %arg9[%dma_start3A_35, %dma_start3A_36, %dma_start3A_37] : memref<4x128x32xf32, #tpu.memory_space<vmem>> -> memref<1x128x32xf32, #tpu.memory_space<vmem>>
    %dma_start3A_39 = tpu.memref_squeeze %dma_start3A_38 : memref<1x128x32xf32, #tpu.memory_space<vmem>> -> memref<128x32xf32, #tpu.memory_space<vmem>>
    %dma_start3A_40 = arith.constant 0 : i32
    %dma_start3A_41 = tpu.memref_slice %arg7[%dma_start3A, %dma_start3A_40] : memref<160x128xi32, #tpu.memory_space<vmem>> -> memref<1x128xi32, #tpu.memory_space<vmem>>
    %dma_start3A_42 = tpu.memref_squeeze %dma_start3A_41 : memref<1x128xi32, #tpu.memory_space<vmem>> -> memref<128xi32, #tpu.memory_space<vmem>>
    %dma_start3A_43 = arith.constant 0 : i32
    %dma_start3A_44 = arith.constant 0 : i32
    %dma_start3A_45 = tpu.memref_slice %arg11[%dma_start3A_43, %dma_start3A_44] : memref<10000x32xf32, #tpu.memory_space<vmem_shared>> -> memref<10000x32xf32, #tpu.memory_space<vmem_shared>>
    tpu.enqueue_indirect_dma source(%dma_start3A_45 : memref<10000x32xf32, #tpu.memory_space<vmem_shared>>) target(%dma_start3A_39 : memref<128x32xf32, #tpu.memory_space<vmem>>) offsets(%dma_start3A_42 : memref<128xi32, #tpu.memory_space<vmem>>) semaphore(%arg12 : memref<!tpu.dma_semaphore, #tpu.memory_space<semaphore_mem>>)
    %dma_start3A_46 = arith.constant 1 : i32
    %dma_start3A_47 = arith.constant 1 : i32
    %dma_start3A_48 = arith.constant 0 : i32
    %dma_start3A_49 = arith.constant 0 : i32
    %dma_start3A_50 = tpu.memref_slice %arg9[%dma_start3A_47, %dma_start3A_48, %dma_start3A_49] : memref<4x128x32xf32, #tpu.memory_space<vmem>> -> memref<1x128x32xf32, #tpu.memory_space<vmem>>
    %dma_start3A_51 = tpu.memref_squeeze %dma_start3A_50 : memref<1x128x32xf32, #tpu.memory_space<vmem>> -> memref<128x32xf32, #tpu.memory_space<vmem>>
    %dma_start3A_52 = arith.constant 0 : i32
    %dma_start3A_53 = tpu.memref_slice %arg7[%dma_start3A_46, %dma_start3A_52] : memref<160x128xi32, #tpu.memory_space<vmem>> -> memref<1x128xi32, #tpu.memory_space<vmem>>
    %dma_start3A_54 = tpu.memref_squeeze %dma_start3A_53 : memref<1x128xi32, #tpu.memory_space<vmem>> -> memref<128xi32, #tpu.memory_space<vmem>>
    %dma_start3A_55 = arith.constant 0 : i32
    %dma_start3A_56 = arith.constant 0 : i32
    %dma_start3A_57 = tpu.memref_slice %arg11[%dma_start3A_55, %dma_start3A_56] : memref<10000x32xf32, #tpu.memory_space<vmem_shared>> -> memref<10000x32xf32, #tpu.memory_space<vmem_shared>>
    tpu.enqueue_indirect_dma source(%dma_start3A_57 : memref<10000x32xf32, #tpu.memory_space<vmem_shared>>) target(%dma_start3A_51 : memref<128x32xf32, #tpu.memory_space<vmem>>) offsets(%dma_start3A_54 : memref<128xi32, #tpu.memory_space<vmem>>) semaphore(%arg13 : memref<!tpu.dma_semaphore, #tpu.memory_space<semaphore_mem>>)
    %dma_start3A_58 = arith.constant 2 : i32
    %dma_start3A_59 = arith.constant 2 : i32
    %dma_start3A_60 = arith.constant 0 : i32
    %dma_start3A_61 = arith.constant 0 : i32
    %dma_start3A_62 = tpu.memref_slice %arg9[%dma_start3A_59, %dma_start3A_60, %dma_start3A_61] : memref<4x128x32xf32, #tpu.memory_space<vmem>> -> memref<1x128x32xf32, #tpu.memory_space<vmem>>
    %dma_start3A_63 = tpu.memref_squeeze %dma_start3A_62 : memref<1x128x32xf32, #tpu.memory_space<vmem>> -> memref<128x32xf32, #tpu.memory_space<vmem>>
    %dma_start3A_64 = arith.constant 0 : i32
    %dma_start3A_65 = tpu.memref_slice %arg7[%dma_start3A_58, %dma_start3A_64] : memref<160x128xi32, #tpu.memory_space<vmem>> -> memref<1x128xi32, #tpu.memory_space<vmem>>
    %dma_start3A_66 = tpu.memref_squeeze %dma_start3A_65 : memref<1x128xi32, #tpu.memory_space<vmem>> -> memref<128xi32, #tpu.memory_space<vmem>>
    %dma_start3A_67 = arith.constant 0 : i32
    %dma_start3A_68 = arith.constant 0 : i32
    %dma_start3A_69 = tpu.memref_slice %arg11[%dma_start3A_67, %dma_start3A_68] : memref<10000x32xf32, #tpu.memory_space<vmem_shared>> -> memref<10000x32xf32, #tpu.memory_space<vmem_shared>>
    tpu.enqueue_indirect_dma source(%dma_start3A_69 : memref<10000x32xf32, #tpu.memory_space<vmem_shared>>) target(%dma_start3A_63 : memref<128x32xf32, #tpu.memory_space<vmem>>) offsets(%dma_start3A_66 : memref<128xi32, #tpu.memory_space<vmem>>) semaphore(%arg14 : memref<!tpu.dma_semaphore, #tpu.memory_space<semaphore_mem>>)
    %scan3A_70 = arith.constant 0 : i32
    %scan3A_71 = arith.constant 0 : i32
    %scan3A_72 = arith.constant 40 : i32
    %scan3A_73 = arith.addi %scan3A_71, %scan3A_72 : i32
    %scan3A_74 = arith.constant 1 : i32
    scf.for %scan3A_126 = %scan3A_71 to %scan3A_73 step %scan3A_74  : i32 {
      %mul3A_127 = arith.constant 4 : i32
      %mul3A_128 = arith.muli %scan3A_126, %mul3A_127 : i32
      %add3A_129 = arith.constant 0 : i32
      %add3A_130 = arith.addi %mul3A_128, %add3A_129 : i32
      %dma_wait3A_131 = arith.constant 0 : i32
      %dma_wait3A_132 = arith.constant 0 : i32
      %dma_wait3A_133 = arith.constant 0 : i32
      %dma_wait3A_134 = tpu.memref_slice %arg9[%dma_wait3A_131, %dma_wait3A_132, %dma_wait3A_133] : memref<4x128x32xf32, #tpu.memory_space<vmem>> -> memref<1x128x32xf32, #tpu.memory_space<vmem>>
      %dma_wait3A_135 = tpu.memref_squeeze %dma_wait3A_134 : memref<1x128x32xf32, #tpu.memory_space<vmem>> -> memref<128x32xf32, #tpu.memory_space<vmem>>
      %dma_wait3A_136 = arith.constant 0 : i32
      %dma_wait3A_137 = tpu.memref_slice %arg7[%add3A_130, %dma_wait3A_136] : memref<160x128xi32, #tpu.memory_space<vmem>> -> memref<1x128xi32, #tpu.memory_space<vmem>>
      %dma_wait3A_138 = tpu.memref_squeeze %dma_wait3A_137 : memref<1x128xi32, #tpu.memory_space<vmem>> -> memref<128xi32, #tpu.memory_space<vmem>>
      %dma_wait3A_139 = arith.constant 0 : i32
      %dma_wait3A_140 = arith.constant 0 : i32
      %dma_wait3A_141 = tpu.memref_slice %arg11[%dma_wait3A_139, %dma_wait3A_140] : memref<10000x32xf32, #tpu.memory_space<vmem_shared>> -> memref<10000x32xf32, #tpu.memory_space<vmem_shared>>
      tpu.wait_indirect_dma semaphore(%arg12 : memref<!tpu.dma_semaphore, #tpu.memory_space<semaphore_mem>>) src(%dma_wait3A_141 : memref<10000x32xf32, #tpu.memory_space<vmem_shared>>) dst(%dma_wait3A_135 : memref<128x32xf32, #tpu.memory_space<vmem>>)
      %dma_start3A_142 = arith.constant 0 : i32
      %dma_start3A_143 = arith.constant 0 : i32
      %dma_start3A_144 = arith.constant 0 : i32
      %dma_start3A_145 = tpu.memref_slice %arg9[%dma_start3A_142, %dma_start3A_143, %dma_start3A_144] : memref<4x128x32xf32, #tpu.memory_space<vmem>> -> memref<1x128x32xf32, #tpu.memory_space<vmem>>
      %dma_start3A_146 = tpu.memref_squeeze %dma_start3A_145 : memref<1x128x32xf32, #tpu.memory_space<vmem>> -> memref<128x32xf32, #tpu.memory_space<vmem>>
      %dma_start3A_147 = arith.constant 0 : i32
      %dma_start3A_148 = tpu.memref_slice %arg8[%add3A_130, %dma_start3A_147] : memref<160x128xi32, #tpu.memory_space<vmem>> -> memref<1x128xi32, #tpu.memory_space<vmem>>
      %dma_start3A_149 = tpu.memref_squeeze %dma_start3A_148 : memref<1x128xi32, #tpu.memory_space<vmem>> -> memref<128xi32, #tpu.memory_space<vmem>>
      %dma_start3A_150 = arith.constant 0 : i32
      %dma_start3A_151 = arith.constant 0 : i32
      %dma_start3A_152 = tpu.memref_slice %arg10[%dma_start3A_150, %dma_start3A_151] : memref<10240x32xf32, #tpu.memory_space<vmem_shared>> -> memref<10240x32xf32, #tpu.memory_space<vmem_shared>>
      tpu.enqueue_indirect_dma source(%dma_start3A_146 : memref<128x32xf32, #tpu.memory_space<vmem>>) target(%dma_start3A_152 : memref<10240x32xf32, #tpu.memory_space<vmem_shared>>) offsets(%dma_start3A_149 : memref<128xi32, #tpu.memory_space<vmem>>) semaphore(%arg16 : memref<!tpu.dma_semaphore, #tpu.memory_space<semaphore_mem>>) {add = true}
      %add3A_153 = arith.constant 4 : i32
      %add3A_154 = arith.addi %add3A_130, %add3A_153 : i32
      %sub3A = arith.constant 1 : i32
      %sub3A_155 = arith.subi %add3A_154, %sub3A : i32
      %lt3A = arith.constant 160 : i32
      %lt3A_156 = arith.cmpi slt, %sub3A_155, %lt3A : i32
      %gt3A = arith.constant 0 : i32
      %gt3A_157 = arith.cmpi sgt, %add3A_130, %gt3A : i32
      %and3A_158 = arith.andi %lt3A_156, %gt3A_157 : i1
      %convert_element_type3A_159 = arith.extui %and3A_158 : i1 to i32
      %cond3A_160 = arith.constant 0 : i32
      %cond3A_161 = arith.cmpi ne, %convert_element_type3A_159, %cond3A_160 : i32
      scf.if %cond3A_161 {
        %dma_wait3A_281 = arith.constant 3 : i32
        %dma_wait3A_282 = arith.constant 0 : i32
        %dma_wait3A_283 = arith.constant 0 : i32
        %dma_wait3A_284 = tpu.memref_slice %arg9[%dma_wait3A_281, %dma_wait3A_282, %dma_wait3A_283] : memref<4x128x32xf32, #tpu.memory_space<vmem>> -> memref<1x128x32xf32, #tpu.memory_space<vmem>>
        %dma_wait3A_285 = tpu.memref_squeeze %dma_wait3A_284 : memref<1x128x32xf32, #tpu.memory_space<vmem>> -> memref<128x32xf32, #tpu.memory_space<vmem>>
        %dma_wait3A_286 = arith.constant 0 : i32
        %dma_wait3A_287 = tpu.memref_slice %arg8[%add3A_130, %dma_wait3A_286] : memref<160x128xi32, #tpu.memory_space<vmem>> -> memref<1x128xi32, #tpu.memory_space<vmem>>
        %dma_wait3A_288 = tpu.memref_squeeze %dma_wait3A_287 : memref<1x128xi32, #tpu.memory_space<vmem>> -> memref<128xi32, #tpu.memory_space<vmem>>
        %dma_wait3A_289 = arith.constant 0 : i32
        %dma_wait3A_290 = arith.constant 0 : i32
        %dma_wait3A_291 = tpu.memref_slice %arg10[%dma_wait3A_289, %dma_wait3A_290] : memref<10240x32xf32, #tpu.memory_space<vmem_shared>> -> memref<10240x32xf32, #tpu.memory_space<vmem_shared>>
        tpu.wait_indirect_dma semaphore(%arg19 : memref<!tpu.dma_semaphore, #tpu.memory_space<semaphore_mem>>) src(%dma_wait3A_285 : memref<128x32xf32, #tpu.memory_space<vmem>>) dst(%dma_wait3A_291 : memref<10240x32xf32, #tpu.memory_space<vmem_shared>>)
        %dma_start3A_292 = arith.constant 3 : i32
        %dma_start3A_293 = arith.constant 0 : i32
        %dma_start3A_294 = arith.constant 0 : i32
        %dma_start3A_295 = tpu.memref_slice %arg9[%dma_start3A_292, %dma_start3A_293, %dma_start3A_294] : memref<4x128x32xf32, #tpu.memory_space<vmem>> -> memref<1x128x32xf32, #tpu.memory_space<vmem>>
        %dma_start3A_296 = tpu.memref_squeeze %dma_start3A_295 : memref<1x128x32xf32, #tpu.memory_space<vmem>> -> memref<128x32xf32, #tpu.memory_space<vmem>>
        %dma_start3A_297 = arith.constant 0 : i32
        %dma_start3A_298 = tpu.memref_slice %arg7[%sub3A_155, %dma_start3A_297] : memref<160x128xi32, #tpu.memory_space<vmem>> -> memref<1x128xi32, #tpu.memory_space<vmem>>
        %dma_start3A_299 = tpu.memref_squeeze %dma_start3A_298 : memref<1x128xi32, #tpu.memory_space<vmem>> -> memref<128xi32, #tpu.memory_space<vmem>>
        %dma_start3A_300 = arith.constant 0 : i32
        %dma_start3A_301 = arith.constant 0 : i32
        %dma_start3A_302 = tpu.memref_slice %arg11[%dma_start3A_300, %dma_start3A_301] : memref<10000x32xf32, #tpu.memory_space<vmem_shared>> -> memref<10000x32xf32, #tpu.memory_space<vmem_shared>>
        tpu.enqueue_indirect_dma source(%dma_start3A_302 : memref<10000x32xf32, #tpu.memory_space<vmem_shared>>) target(%dma_start3A_296 : memref<128x32xf32, #tpu.memory_space<vmem>>) offsets(%dma_start3A_299 : memref<128xi32, #tpu.memory_space<vmem>>) semaphore(%arg15 : memref<!tpu.dma_semaphore, #tpu.memory_space<semaphore_mem>>)
      } else {
      }
      %eq3A_162 = arith.constant 0 : i32
      %eq3A_163 = arith.cmpi eq, %add3A_130, %eq3A_162 : i32
      %convert_element_type3A_164 = arith.extui %eq3A_163 : i1 to i32
      %cond3A_165 = arith.constant 0 : i32
      %cond3A_166 = arith.cmpi ne, %convert_element_type3A_164, %cond3A_165 : i32
      scf.if %cond3A_166 {
        %dma_start3A_281 = arith.constant 3 : i32
        %dma_start3A_282 = arith.constant 3 : i32
        %dma_start3A_283 = arith.constant 0 : i32
        %dma_start3A_284 = arith.constant 0 : i32
        %dma_start3A_285 = tpu.memref_slice %arg9[%dma_start3A_282, %dma_start3A_283, %dma_start3A_284] : memref<4x128x32xf32, #tpu.memory_space<vmem>> -> memref<1x128x32xf32, #tpu.memory_space<vmem>>
        %dma_start3A_286 = tpu.memref_squeeze %dma_start3A_285 : memref<1x128x32xf32, #tpu.memory_space<vmem>> -> memref<128x32xf32, #tpu.memory_space<vmem>>
        %dma_start3A_287 = arith.constant 0 : i32
        %dma_start3A_288 = tpu.memref_slice %arg7[%dma_start3A_281, %dma_start3A_287] : memref<160x128xi32, #tpu.memory_space<vmem>> -> memref<1x128xi32, #tpu.memory_space<vmem>>
        %dma_start3A_289 = tpu.memref_squeeze %dma_start3A_288 : memref<1x128xi32, #tpu.memory_space<vmem>> -> memref<128xi32, #tpu.memory_space<vmem>>
        %dma_start3A_290 = arith.constant 0 : i32
        %dma_start3A_291 = arith.constant 0 : i32
        %dma_start3A_292 = tpu.memref_slice %arg11[%dma_start3A_290, %dma_start3A_291] : memref<10000x32xf32, #tpu.memory_space<vmem_shared>> -> memref<10000x32xf32, #tpu.memory_space<vmem_shared>>
        tpu.enqueue_indirect_dma source(%dma_start3A_292 : memref<10000x32xf32, #tpu.memory_space<vmem_shared>>) target(%dma_start3A_286 : memref<128x32xf32, #tpu.memory_space<vmem>>) offsets(%dma_start3A_289 : memref<128xi32, #tpu.memory_space<vmem>>) semaphore(%arg15 : memref<!tpu.dma_semaphore, #tpu.memory_space<semaphore_mem>>)
      } else {
      }
      %mul3A_167 = arith.constant 4 : i32
      %mul3A_168 = arith.muli %scan3A_126, %mul3A_167 : i32
      %add3A_169 = arith.constant 1 : i32
      %add3A_170 = arith.addi %mul3A_168, %add3A_169 : i32
      %dma_wait3A_171 = arith.constant 1 : i32
      %dma_wait3A_172 = arith.constant 0 : i32
      %dma_wait3A_173 = arith.constant 0 : i32
      %dma_wait3A_174 = tpu.memref_slice %arg9[%dma_wait3A_171, %dma_wait3A_172, %dma_wait3A_173] : memref<4x128x32xf32, #tpu.memory_space<vmem>> -> memref<1x128x32xf32, #tpu.memory_space<vmem>>
      %dma_wait3A_175 = tpu.memref_squeeze %dma_wait3A_174 : memref<1x128x32xf32, #tpu.memory_space<vmem>> -> memref<128x32xf32, #tpu.memory_space<vmem>>
      %dma_wait3A_176 = arith.constant 0 : i32
      %dma_wait3A_177 = tpu.memref_slice %arg7[%add3A_170, %dma_wait3A_176] : memref<160x128xi32, #tpu.memory_space<vmem>> -> memref<1x128xi32, #tpu.memory_space<vmem>>
      %dma_wait3A_178 = tpu.memref_squeeze %dma_wait3A_177 : memref<1x128xi32, #tpu.memory_space<vmem>> -> memref<128xi32, #tpu.memory_space<vmem>>
      %dma_wait3A_179 = arith.constant 0 : i32
      %dma_wait3A_180 = arith.constant 0 : i32
      %dma_wait3A_181 = tpu.memref_slice %arg11[%dma_wait3A_179, %dma_wait3A_180] : memref<10000x32xf32, #tpu.memory_space<vmem_shared>> -> memref<10000x32xf32, #tpu.memory_space<vmem_shared>>
      tpu.wait_indirect_dma semaphore(%arg13 : memref<!tpu.dma_semaphore, #tpu.memory_space<semaphore_mem>>) src(%dma_wait3A_181 : memref<10000x32xf32, #tpu.memory_space<vmem_shared>>) dst(%dma_wait3A_175 : memref<128x32xf32, #tpu.memory_space<vmem>>)
      %dma_start3A_182 = arith.constant 1 : i32
      %dma_start3A_183 = arith.constant 0 : i32
      %dma_start3A_184 = arith.constant 0 : i32
      %dma_start3A_185 = tpu.memref_slice %arg9[%dma_start3A_182, %dma_start3A_183, %dma_start3A_184] : memref<4x128x32xf32, #tpu.memory_space<vmem>> -> memref<1x128x32xf32, #tpu.memory_space<vmem>>
      %dma_start3A_186 = tpu.memref_squeeze %dma_start3A_185 : memref<1x128x32xf32, #tpu.memory_space<vmem>> -> memref<128x32xf32, #tpu.memory_space<vmem>>
      %dma_start3A_187 = arith.constant 0 : i32
      %dma_start3A_188 = tpu.memref_slice %arg8[%add3A_170, %dma_start3A_187] : memref<160x128xi32, #tpu.memory_space<vmem>> -> memref<1x128xi32, #tpu.memory_space<vmem>>
      %dma_start3A_189 = tpu.memref_squeeze %dma_start3A_188 : memref<1x128xi32, #tpu.memory_space<vmem>> -> memref<128xi32, #tpu.memory_space<vmem>>
      %dma_start3A_190 = arith.constant 0 : i32
      %dma_start3A_191 = arith.constant 0 : i32
      %dma_start3A_192 = tpu.memref_slice %arg10[%dma_start3A_190, %dma_start3A_191] : memref<10240x32xf32, #tpu.memory_space<vmem_shared>> -> memref<10240x32xf32, #tpu.memory_space<vmem_shared>>
      tpu.enqueue_indirect_dma source(%dma_start3A_186 : memref<128x32xf32, #tpu.memory_space<vmem>>) target(%dma_start3A_192 : memref<10240x32xf32, #tpu.memory_space<vmem_shared>>) offsets(%dma_start3A_189 : memref<128xi32, #tpu.memory_space<vmem>>) semaphore(%arg17 : memref<!tpu.dma_semaphore, #tpu.memory_space<semaphore_mem>>) {add = true}
      %add3A_193 = arith.constant 4 : i32
      %add3A_194 = arith.addi %add3A_170, %add3A_193 : i32
      %sub3A_195 = arith.constant 1 : i32
      %sub3A_196 = arith.subi %add3A_194, %sub3A_195 : i32
      %lt3A_197 = arith.constant 160 : i32
      %lt3A_198 = arith.cmpi slt, %sub3A_196, %lt3A_197 : i32
      %gt3A_199 = arith.constant 0 : i32
      %gt3A_200 = arith.cmpi sgt, %add3A_170, %gt3A_199 : i32
      %and3A_201 = arith.andi %lt3A_198, %gt3A_200 : i1
      %convert_element_type3A_202 = arith.extui %and3A_201 : i1 to i32
      %cond3A_203 = arith.constant 0 : i32
      %cond3A_204 = arith.cmpi ne, %convert_element_type3A_202, %cond3A_203 : i32
      scf.if %cond3A_204 {
        %dma_wait3A_281 = arith.constant 0 : i32
        %dma_wait3A_282 = arith.constant 0 : i32
        %dma_wait3A_283 = arith.constant 0 : i32
        %dma_wait3A_284 = tpu.memref_slice %arg9[%dma_wait3A_281, %dma_wait3A_282, %dma_wait3A_283] : memref<4x128x32xf32, #tpu.memory_space<vmem>> -> memref<1x128x32xf32, #tpu.memory_space<vmem>>
        %dma_wait3A_285 = tpu.memref_squeeze %dma_wait3A_284 : memref<1x128x32xf32, #tpu.memory_space<vmem>> -> memref<128x32xf32, #tpu.memory_space<vmem>>
        %dma_wait3A_286 = arith.constant 0 : i32
        %dma_wait3A_287 = tpu.memref_slice %arg8[%add3A_170, %dma_wait3A_286] : memref<160x128xi32, #tpu.memory_space<vmem>> -> memref<1x128xi32, #tpu.memory_space<vmem>>
        %dma_wait3A_288 = tpu.memref_squeeze %dma_wait3A_287 : memref<1x128xi32, #tpu.memory_space<vmem>> -> memref<128xi32, #tpu.memory_space<vmem>>
        %dma_wait3A_289 = arith.constant 0 : i32
        %dma_wait3A_290 = arith.constant 0 : i32
        %dma_wait3A_291 = tpu.memref_slice %arg10[%dma_wait3A_289, %dma_wait3A_290] : memref<10240x32xf32, #tpu.memory_space<vmem_shared>> -> memref<10240x32xf32, #tpu.memory_space<vmem_shared>>
        tpu.wait_indirect_dma semaphore(%arg16 : memref<!tpu.dma_semaphore, #tpu.memory_space<semaphore_mem>>) src(%dma_wait3A_285 : memref<128x32xf32, #tpu.memory_space<vmem>>) dst(%dma_wait3A_291 : memref<10240x32xf32, #tpu.memory_space<vmem_shared>>)
        %dma_start3A_292 = arith.constant 0 : i32
        %dma_start3A_293 = arith.constant 0 : i32
        %dma_start3A_294 = arith.constant 0 : i32
        %dma_start3A_295 = tpu.memref_slice %arg9[%dma_start3A_292, %dma_start3A_293, %dma_start3A_294] : memref<4x128x32xf32, #tpu.memory_space<vmem>> -> memref<1x128x32xf32, #tpu.memory_space<vmem>>
        %dma_start3A_296 = tpu.memref_squeeze %dma_start3A_295 : memref<1x128x32xf32, #tpu.memory_space<vmem>> -> memref<128x32xf32, #tpu.memory_space<vmem>>
        %dma_start3A_297 = arith.constant 0 : i32
        %dma_start3A_298 = tpu.memref_slice %arg7[%sub3A_196, %dma_start3A_297] : memref<160x128xi32, #tpu.memory_space<vmem>> -> memref<1x128xi32, #tpu.memory_space<vmem>>
        %dma_start3A_299 = tpu.memref_squeeze %dma_start3A_298 : memref<1x128xi32, #tpu.memory_space<vmem>> -> memref<128xi32, #tpu.memory_space<vmem>>
        %dma_start3A_300 = arith.constant 0 : i32
        %dma_start3A_301 = arith.constant 0 : i32
        %dma_start3A_302 = tpu.memref_slice %arg11[%dma_start3A_300, %dma_start3A_301] : memref<10000x32xf32, #tpu.memory_space<vmem_shared>> -> memref<10000x32xf32, #tpu.memory_space<vmem_shared>>
        tpu.enqueue_indirect_dma source(%dma_start3A_302 : memref<10000x32xf32, #tpu.memory_space<vmem_shared>>) target(%dma_start3A_296 : memref<128x32xf32, #tpu.memory_space<vmem>>) offsets(%dma_start3A_299 : memref<128xi32, #tpu.memory_space<vmem>>) semaphore(%arg12 : memref<!tpu.dma_semaphore, #tpu.memory_space<semaphore_mem>>)
      } else {
      }
      %mul3A_205 = arith.constant 4 : i32
      %mul3A_206 = arith.muli %scan3A_126, %mul3A_205 : i32
      %add3A_207 = arith.constant 2 : i32
      %add3A_208 = arith.addi %mul3A_206, %add3A_207 : i32
      %dma_wait3A_209 = arith.constant 2 : i32
      %dma_wait3A_210 = arith.constant 0 : i32
      %dma_wait3A_211 = arith.constant 0 : i32
      %dma_wait3A_212 = tpu.memref_slice %arg9[%dma_wait3A_209, %dma_wait3A_210, %dma_wait3A_211] : memref<4x128x32xf32, #tpu.memory_space<vmem>> -> memref<1x128x32xf32, #tpu.memory_space<vmem>>
      %dma_wait3A_213 = tpu.memref_squeeze %dma_wait3A_212 : memref<1x128x32xf32, #tpu.memory_space<vmem>> -> memref<128x32xf32, #tpu.memory_space<vmem>>
      %dma_wait3A_214 = arith.constant 0 : i32
      %dma_wait3A_215 = tpu.memref_slice %arg7[%add3A_208, %dma_wait3A_214] : memref<160x128xi32, #tpu.memory_space<vmem>> -> memref<1x128xi32, #tpu.memory_space<vmem>>
      %dma_wait3A_216 = tpu.memref_squeeze %dma_wait3A_215 : memref<1x128xi32, #tpu.memory_space<vmem>> -> memref<128xi32, #tpu.memory_space<vmem>>
      %dma_wait3A_217 = arith.constant 0 : i32
      %dma_wait3A_218 = arith.constant 0 : i32
      %dma_wait3A_219 = tpu.memref_slice %arg11[%dma_wait3A_217, %dma_wait3A_218] : memref<10000x32xf32, #tpu.memory_space<vmem_shared>> -> memref<10000x32xf32, #tpu.memory_space<vmem_shared>>
      tpu.wait_indirect_dma semaphore(%arg14 : memref<!tpu.dma_semaphore, #tpu.memory_space<semaphore_mem>>) src(%dma_wait3A_219 : memref<10000x32xf32, #tpu.memory_space<vmem_shared>>) dst(%dma_wait3A_213 : memref<128x32xf32, #tpu.memory_space<vmem>>)
      %dma_start3A_220 = arith.constant 2 : i32
      %dma_start3A_221 = arith.constant 0 : i32
      %dma_start3A_222 = arith.constant 0 : i32
      %dma_start3A_223 = tpu.memref_slice %arg9[%dma_start3A_220, %dma_start3A_221, %dma_start3A_222] : memref<4x128x32xf32, #tpu.memory_space<vmem>> -> memref<1x128x32xf32, #tpu.memory_space<vmem>>
      %dma_start3A_224 = tpu.memref_squeeze %dma_start3A_223 : memref<1x128x32xf32, #tpu.memory_space<vmem>> -> memref<128x32xf32, #tpu.memory_space<vmem>>
      %dma_start3A_225 = arith.constant 0 : i32
      %dma_start3A_226 = tpu.memref_slice %arg8[%add3A_208, %dma_start3A_225] : memref<160x128xi32, #tpu.memory_space<vmem>> -> memref<1x128xi32, #tpu.memory_space<vmem>>
      %dma_start3A_227 = tpu.memref_squeeze %dma_start3A_226 : memref<1x128xi32, #tpu.memory_space<vmem>> -> memref<128xi32, #tpu.memory_space<vmem>>
      %dma_start3A_228 = arith.constant 0 : i32
      %dma_start3A_229 = arith.constant 0 : i32
      %dma_start3A_230 = tpu.memref_slice %arg10[%dma_start3A_228, %dma_start3A_229] : memref<10240x32xf32, #tpu.memory_space<vmem_shared>> -> memref<10240x32xf32, #tpu.memory_space<vmem_shared>>
      tpu.enqueue_indirect_dma source(%dma_start3A_224 : memref<128x32xf32, #tpu.memory_space<vmem>>) target(%dma_start3A_230 : memref<10240x32xf32, #tpu.memory_space<vmem_shared>>) offsets(%dma_start3A_227 : memref<128xi32, #tpu.memory_space<vmem>>) semaphore(%arg18 : memref<!tpu.dma_semaphore, #tpu.memory_space<semaphore_mem>>) {add = true}
      %add3A_231 = arith.constant 4 : i32
      %add3A_232 = arith.addi %add3A_208, %add3A_231 : i32
      %sub3A_233 = arith.constant 1 : i32
      %sub3A_234 = arith.subi %add3A_232, %sub3A_233 : i32
      %lt3A_235 = arith.constant 160 : i32
      %lt3A_236 = arith.cmpi slt, %sub3A_234, %lt3A_235 : i32
      %gt3A_237 = arith.constant 0 : i32
      %gt3A_238 = arith.cmpi sgt, %add3A_208, %gt3A_237 : i32
      %and3A_239 = arith.andi %lt3A_236, %gt3A_238 : i1
      %convert_element_type3A_240 = arith.extui %and3A_239 : i1 to i32
      %cond3A_241 = arith.constant 0 : i32
      %cond3A_242 = arith.cmpi ne, %convert_element_type3A_240, %cond3A_241 : i32
      scf.if %cond3A_242 {
        %dma_wait3A_281 = arith.constant 1 : i32
        %dma_wait3A_282 = arith.constant 0 : i32
        %dma_wait3A_283 = arith.constant 0 : i32
        %dma_wait3A_284 = tpu.memref_slice %arg9[%dma_wait3A_281, %dma_wait3A_282, %dma_wait3A_283] : memref<4x128x32xf32, #tpu.memory_space<vmem>> -> memref<1x128x32xf32, #tpu.memory_space<vmem>>
        %dma_wait3A_285 = tpu.memref_squeeze %dma_wait3A_284 : memref<1x128x32xf32, #tpu.memory_space<vmem>> -> memref<128x32xf32, #tpu.memory_space<vmem>>
        %dma_wait3A_286 = arith.constant 0 : i32
        %dma_wait3A_287 = tpu.memref_slice %arg8[%add3A_208, %dma_wait3A_286] : memref<160x128xi32, #tpu.memory_space<vmem>> -> memref<1x128xi32, #tpu.memory_space<vmem>>
        %dma_wait3A_288 = tpu.memref_squeeze %dma_wait3A_287 : memref<1x128xi32, #tpu.memory_space<vmem>> -> memref<128xi32, #tpu.memory_space<vmem>>
        %dma_wait3A_289 = arith.constant 0 : i32
        %dma_wait3A_290 = arith.constant 0 : i32
        %dma_wait3A_291 = tpu.memref_slice %arg10[%dma_wait3A_289, %dma_wait3A_290] : memref<10240x32xf32, #tpu.memory_space<vmem_shared>> -> memref<10240x32xf32, #tpu.memory_space<vmem_shared>>
        tpu.wait_indirect_dma semaphore(%arg17 : memref<!tpu.dma_semaphore, #tpu.memory_space<semaphore_mem>>) src(%dma_wait3A_285 : memref<128x32xf32, #tpu.memory_space<vmem>>) dst(%dma_wait3A_291 : memref<10240x32xf32, #tpu.memory_space<vmem_shared>>)
        %dma_start3A_292 = arith.constant 1 : i32
        %dma_start3A_293 = arith.constant 0 : i32
        %dma_start3A_294 = arith.constant 0 : i32
        %dma_start3A_295 = tpu.memref_slice %arg9[%dma_start3A_292, %dma_start3A_293, %dma_start3A_294] : memref<4x128x32xf32, #tpu.memory_space<vmem>> -> memref<1x128x32xf32, #tpu.memory_space<vmem>>
        %dma_start3A_296 = tpu.memref_squeeze %dma_start3A_295 : memref<1x128x32xf32, #tpu.memory_space<vmem>> -> memref<128x32xf32, #tpu.memory_space<vmem>>
        %dma_start3A_297 = arith.constant 0 : i32
        %dma_start3A_298 = tpu.memref_slice %arg7[%sub3A_234, %dma_start3A_297] : memref<160x128xi32, #tpu.memory_space<vmem>> -> memref<1x128xi32, #tpu.memory_space<vmem>>
        %dma_start3A_299 = tpu.memref_squeeze %dma_start3A_298 : memref<1x128xi32, #tpu.memory_space<vmem>> -> memref<128xi32, #tpu.memory_space<vmem>>
        %dma_start3A_300 = arith.constant 0 : i32
        %dma_start3A_301 = arith.constant 0 : i32
        %dma_start3A_302 = tpu.memref_slice %arg11[%dma_start3A_300, %dma_start3A_301] : memref<10000x32xf32, #tpu.memory_space<vmem_shared>> -> memref<10000x32xf32, #tpu.memory_space<vmem_shared>>
        tpu.enqueue_indirect_dma source(%dma_start3A_302 : memref<10000x32xf32, #tpu.memory_space<vmem_shared>>) target(%dma_start3A_296 : memref<128x32xf32, #tpu.memory_space<vmem>>) offsets(%dma_start3A_299 : memref<128xi32, #tpu.memory_space<vmem>>) semaphore(%arg13 : memref<!tpu.dma_semaphore, #tpu.memory_space<semaphore_mem>>)
      } else {
      }
      %mul3A_243 = arith.constant 4 : i32
      %mul3A_244 = arith.muli %scan3A_126, %mul3A_243 : i32
      %add3A_245 = arith.constant 3 : i32
      %add3A_246 = arith.addi %mul3A_244, %add3A_245 : i32
      %dma_wait3A_247 = arith.constant 3 : i32
      %dma_wait3A_248 = arith.constant 0 : i32
      %dma_wait3A_249 = arith.constant 0 : i32
      %dma_wait3A_250 = tpu.memref_slice %arg9[%dma_wait3A_247, %dma_wait3A_248, %dma_wait3A_249] : memref<4x128x32xf32, #tpu.memory_space<vmem>> -> memref<1x128x32xf32, #tpu.memory_space<vmem>>
      %dma_wait3A_251 = tpu.memref_squeeze %dma_wait3A_250 : memref<1x128x32xf32, #tpu.memory_space<vmem>> -> memref<128x32xf32, #tpu.memory_space<vmem>>
      %dma_wait3A_252 = arith.constant 0 : i32
      %dma_wait3A_253 = tpu.memref_slice %arg7[%add3A_246, %dma_wait3A_252] : memref<160x128xi32, #tpu.memory_space<vmem>> -> memref<1x128xi32, #tpu.memory_space<vmem>>
      %dma_wait3A_254 = tpu.memref_squeeze %dma_wait3A_253 : memref<1x128xi32, #tpu.memory_space<vmem>> -> memref<128xi32, #tpu.memory_space<vmem>>
      %dma_wait3A_255 = arith.constant 0 : i32
      %dma_wait3A_256 = arith.constant 0 : i32
      %dma_wait3A_257 = tpu.memref_slice %arg11[%dma_wait3A_255, %dma_wait3A_256] : memref<10000x32xf32, #tpu.memory_space<vmem_shared>> -> memref<10000x32xf32, #tpu.memory_space<vmem_shared>>
      tpu.wait_indirect_dma semaphore(%arg15 : memref<!tpu.dma_semaphore, #tpu.memory_space<semaphore_mem>>) src(%dma_wait3A_257 : memref<10000x32xf32, #tpu.memory_space<vmem_shared>>) dst(%dma_wait3A_251 : memref<128x32xf32, #tpu.memory_space<vmem>>)
      %dma_start3A_258 = arith.constant 3 : i32
      %dma_start3A_259 = arith.constant 0 : i32
      %dma_start3A_260 = arith.constant 0 : i32
      %dma_start3A_261 = tpu.memref_slice %arg9[%dma_start3A_258, %dma_start3A_259, %dma_start3A_260] : memref<4x128x32xf32, #tpu.memory_space<vmem>> -> memref<1x128x32xf32, #tpu.memory_space<vmem>>
      %dma_start3A_262 = tpu.memref_squeeze %dma_start3A_261 : memref<1x128x32xf32, #tpu.memory_space<vmem>> -> memref<128x32xf32, #tpu.memory_space<vmem>>
      %dma_start3A_263 = arith.constant 0 : i32
      %dma_start3A_264 = tpu.memref_slice %arg8[%add3A_246, %dma_start3A_263] : memref<160x128xi32, #tpu.memory_space<vmem>> -> memref<1x128xi32, #tpu.memory_space<vmem>>
      %dma_start3A_265 = tpu.memref_squeeze %dma_start3A_264 : memref<1x128xi32, #tpu.memory_space<vmem>> -> memref<128xi32, #tpu.memory_space<vmem>>
      %dma_start3A_266 = arith.constant 0 : i32
      %dma_start3A_267 = arith.constant 0 : i32
      %dma_start3A_268 = tpu.memref_slice %arg10[%dma_start3A_266, %dma_start3A_267] : memref<10240x32xf32, #tpu.memory_space<vmem_shared>> -> memref<10240x32xf32, #tpu.memory_space<vmem_shared>>
      tpu.enqueue_indirect_dma source(%dma_start3A_262 : memref<128x32xf32, #tpu.memory_space<vmem>>) target(%dma_start3A_268 : memref<10240x32xf32, #tpu.memory_space<vmem_shared>>) offsets(%dma_start3A_265 : memref<128xi32, #tpu.memory_space<vmem>>) semaphore(%arg19 : memref<!tpu.dma_semaphore, #tpu.memory_space<semaphore_mem>>) {add = true}
      %add3A_269 = arith.constant 4 : i32
      %add3A_270 = arith.addi %add3A_246, %add3A_269 : i32
      %sub3A_271 = arith.constant 1 : i32
      %sub3A_272 = arith.subi %add3A_270, %sub3A_271 : i32
      %lt3A_273 = arith.constant 160 : i32
      %lt3A_274 = arith.cmpi slt, %sub3A_272, %lt3A_273 : i32
      %gt3A_275 = arith.constant 0 : i32
      %gt3A_276 = arith.cmpi sgt, %add3A_246, %gt3A_275 : i32
      %and3A_277 = arith.andi %lt3A_274, %gt3A_276 : i1
      %convert_element_type3A_278 = arith.extui %and3A_277 : i1 to i32
      %cond3A_279 = arith.constant 0 : i32
      %cond3A_280 = arith.cmpi ne, %convert_element_type3A_278, %cond3A_279 : i32
      scf.if %cond3A_280 {
        %dma_wait3A_281 = arith.constant 2 : i32
        %dma_wait3A_282 = arith.constant 0 : i32
        %dma_wait3A_283 = arith.constant 0 : i32
        %dma_wait3A_284 = tpu.memref_slice %arg9[%dma_wait3A_281, %dma_wait3A_282, %dma_wait3A_283] : memref<4x128x32xf32, #tpu.memory_space<vmem>> -> memref<1x128x32xf32, #tpu.memory_space<vmem>>
        %dma_wait3A_285 = tpu.memref_squeeze %dma_wait3A_284 : memref<1x128x32xf32, #tpu.memory_space<vmem>> -> memref<128x32xf32, #tpu.memory_space<vmem>>
        %dma_wait3A_286 = arith.constant 0 : i32
        %dma_wait3A_287 = tpu.memref_slice %arg8[%add3A_246, %dma_wait3A_286] : memref<160x128xi32, #tpu.memory_space<vmem>> -> memref<1x128xi32, #tpu.memory_space<vmem>>
        %dma_wait3A_288 = tpu.memref_squeeze %dma_wait3A_287 : memref<1x128xi32, #tpu.memory_space<vmem>> -> memref<128xi32, #tpu.memory_space<vmem>>
        %dma_wait3A_289 = arith.constant 0 : i32
        %dma_wait3A_290 = arith.constant 0 : i32
        %dma_wait3A_291 = tpu.memref_slice %arg10[%dma_wait3A_289, %dma_wait3A_290] : memref<10240x32xf32, #tpu.memory_space<vmem_shared>> -> memref<10240x32xf32, #tpu.memory_space<vmem_shared>>
        tpu.wait_indirect_dma semaphore(%arg18 : memref<!tpu.dma_semaphore, #tpu.memory_space<semaphore_mem>>) src(%dma_wait3A_285 : memref<128x32xf32, #tpu.memory_space<vmem>>) dst(%dma_wait3A_291 : memref<10240x32xf32, #tpu.memory_space<vmem_shared>>)
        %dma_start3A_292 = arith.constant 2 : i32
        %dma_start3A_293 = arith.constant 0 : i32
        %dma_start3A_294 = arith.constant 0 : i32
        %dma_start3A_295 = tpu.memref_slice %arg9[%dma_start3A_292, %dma_start3A_293, %dma_start3A_294] : memref<4x128x32xf32, #tpu.memory_space<vmem>> -> memref<1x128x32xf32, #tpu.memory_space<vmem>>
        %dma_start3A_296 = tpu.memref_squeeze %dma_start3A_295 : memref<1x128x32xf32, #tpu.memory_space<vmem>> -> memref<128x32xf32, #tpu.memory_space<vmem>>
        %dma_start3A_297 = arith.constant 0 : i32
        %dma_start3A_298 = tpu.memref_slice %arg7[%sub3A_272, %dma_start3A_297] : memref<160x128xi32, #tpu.memory_space<vmem>> -> memref<1x128xi32, #tpu.memory_space<vmem>>
        %dma_start3A_299 = tpu.memref_squeeze %dma_start3A_298 : memref<1x128xi32, #tpu.memory_space<vmem>> -> memref<128xi32, #tpu.memory_space<vmem>>
        %dma_start3A_300 = arith.constant 0 : i32
        %dma_start3A_301 = arith.constant 0 : i32
        %dma_start3A_302 = tpu.memref_slice %arg11[%dma_start3A_300, %dma_start3A_301] : memref<10000x32xf32, #tpu.memory_space<vmem_shared>> -> memref<10000x32xf32, #tpu.memory_space<vmem_shared>>
        tpu.enqueue_indirect_dma source(%dma_start3A_302 : memref<10000x32xf32, #tpu.memory_space<vmem_shared>>) target(%dma_start3A_296 : memref<128x32xf32, #tpu.memory_space<vmem>>) offsets(%dma_start3A_299 : memref<128xi32, #tpu.memory_space<vmem>>) semaphore(%arg14 : memref<!tpu.dma_semaphore, #tpu.memory_space<semaphore_mem>>)
      } else {
      }
    }
    %scan3A_75 = arith.constant 40 : i32
    %dma_wait3A = arith.constant 0 : i32
    %dma_wait3A_76 = arith.constant 0 : i32
    %dma_wait3A_77 = arith.constant 0 : i32
    %dma_wait3A_78 = arith.constant 0 : i32
    %dma_wait3A_79 = tpu.memref_slice %arg9[%dma_wait3A, %dma_wait3A_77, %dma_wait3A_78] : memref<4x128x32xf32, #tpu.memory_space<vmem>> -> memref<1x128x32xf32, #tpu.memory_space<vmem>>
    %dma_wait3A_80 = tpu.memref_squeeze %dma_wait3A_79 : memref<1x128x32xf32, #tpu.memory_space<vmem>> -> memref<128x32xf32, #tpu.memory_space<vmem>>
    %dma_wait3A_81 = arith.constant 0 : i32
    %dma_wait3A_82 = tpu.memref_slice %arg8[%dma_wait3A_76, %dma_wait3A_81] : memref<160x128xi32, #tpu.memory_space<vmem>> -> memref<1x128xi32, #tpu.memory_space<vmem>>
    %dma_wait3A_83 = tpu.memref_squeeze %dma_wait3A_82 : memref<1x128xi32, #tpu.memory_space<vmem>> -> memref<128xi32, #tpu.memory_space<vmem>>
    %dma_wait3A_84 = arith.constant 0 : i32
    %dma_wait3A_85 = arith.constant 0 : i32
    %dma_wait3A_86 = tpu.memref_slice %arg10[%dma_wait3A_84, %dma_wait3A_85] : memref<10240x32xf32, #tpu.memory_space<vmem_shared>> -> memref<10240x32xf32, #tpu.memory_space<vmem_shared>>
    tpu.wait_indirect_dma semaphore(%arg16 : memref<!tpu.dma_semaphore, #tpu.memory_space<semaphore_mem>>) src(%dma_wait3A_80 : memref<128x32xf32, #tpu.memory_space<vmem>>) dst(%dma_wait3A_86 : memref<10240x32xf32, #tpu.memory_space<vmem_shared>>)
    %dma_wait3A_87 = arith.constant 1 : i32
    %dma_wait3A_88 = arith.constant 0 : i32
    %dma_wait3A_89 = arith.constant 0 : i32
    %dma_wait3A_90 = arith.constant 0 : i32
    %dma_wait3A_91 = tpu.memref_slice %arg9[%dma_wait3A_87, %dma_wait3A_89, %dma_wait3A_90] : memref<4x128x32xf32, #tpu.memory_space<vmem>> -> memref<1x128x32xf32, #tpu.memory_space<vmem>>
    %dma_wait3A_92 = tpu.memref_squeeze %dma_wait3A_91 : memref<1x128x32xf32, #tpu.memory_space<vmem>> -> memref<128x32xf32, #tpu.memory_space<vmem>>
    %dma_wait3A_93 = arith.constant 0 : i32
    %dma_wait3A_94 = tpu.memref_slice %arg8[%dma_wait3A_88, %dma_wait3A_93] : memref<160x128xi32, #tpu.memory_space<vmem>> -> memref<1x128xi32, #tpu.memory_space<vmem>>
    %dma_wait3A_95 = tpu.memref_squeeze %dma_wait3A_94 : memref<1x128xi32, #tpu.memory_space<vmem>> -> memref<128xi32, #tpu.memory_space<vmem>>
    %dma_wait3A_96 = arith.constant 0 : i32
    %dma_wait3A_97 = arith.constant 0 : i32
    %dma_wait3A_98 = tpu.memref_slice %arg10[%dma_wait3A_96, %dma_wait3A_97] : memref<10240x32xf32, #tpu.memory_space<vmem_shared>> -> memref<10240x32xf32, #tpu.memory_space<vmem_shared>>
    tpu.wait_indirect_dma semaphore(%arg17 : memref<!tpu.dma_semaphore, #tpu.memory_space<semaphore_mem>>) src(%dma_wait3A_92 : memref<128x32xf32, #tpu.memory_space<vmem>>) dst(%dma_wait3A_98 : memref<10240x32xf32, #tpu.memory_space<vmem_shared>>)
    %dma_wait3A_99 = arith.constant 2 : i32
    %dma_wait3A_100 = arith.constant 0 : i32
    %dma_wait3A_101 = arith.constant 0 : i32
    %dma_wait3A_102 = arith.constant 0 : i32
    %dma_wait3A_103 = tpu.memref_slice %arg9[%dma_wait3A_99, %dma_wait3A_101, %dma_wait3A_102] : memref<4x128x32xf32, #tpu.memory_space<vmem>> -> memref<1x128x32xf32, #tpu.memory_space<vmem>>
    %dma_wait3A_104 = tpu.memref_squeeze %dma_wait3A_103 : memref<1x128x32xf32, #tpu.memory_space<vmem>> -> memref<128x32xf32, #tpu.memory_space<vmem>>
    %dma_wait3A_105 = arith.constant 0 : i32
    %dma_wait3A_106 = tpu.memref_slice %arg8[%dma_wait3A_100, %dma_wait3A_105] : memref<160x128xi32, #tpu.memory_space<vmem>> -> memref<1x128xi32, #tpu.memory_space<vmem>>
    %dma_wait3A_107 = tpu.memref_squeeze %dma_wait3A_106 : memref<1x128xi32, #tpu.memory_space<vmem>> -> memref<128xi32, #tpu.memory_space<vmem>>
    %dma_wait3A_108 = arith.constant 0 : i32
    %dma_wait3A_109 = arith.constant 0 : i32
    %dma_wait3A_110 = tpu.memref_slice %arg10[%dma_wait3A_108, %dma_wait3A_109] : memref<10240x32xf32, #tpu.memory_space<vmem_shared>> -> memref<10240x32xf32, #tpu.memory_space<vmem_shared>>
    tpu.wait_indirect_dma semaphore(%arg18 : memref<!tpu.dma_semaphore, #tpu.memory_space<semaphore_mem>>) src(%dma_wait3A_104 : memref<128x32xf32, #tpu.memory_space<vmem>>) dst(%dma_wait3A_110 : memref<10240x32xf32, #tpu.memory_space<vmem_shared>>)
    %dma_wait3A_111 = arith.constant 3 : i32
    %dma_wait3A_112 = arith.constant 0 : i32
    %dma_wait3A_113 = arith.constant 0 : i32
    %dma_wait3A_114 = arith.constant 0 : i32
    %dma_wait3A_115 = tpu.memref_slice %arg9[%dma_wait3A_111, %dma_wait3A_113, %dma_wait3A_114] : memref<4x128x32xf32, #tpu.memory_space<vmem>> -> memref<1x128x32xf32, #tpu.memory_space<vmem>>
    %dma_wait3A_116 = tpu.memref_squeeze %dma_wait3A_115 : memref<1x128x32xf32, #tpu.memory_space<vmem>> -> memref<128x32xf32, #tpu.memory_space<vmem>>
    %dma_wait3A_117 = arith.constant 0 : i32
    %dma_wait3A_118 = tpu.memref_slice %arg8[%dma_wait3A_112, %dma_wait3A_117] : memref<160x128xi32, #tpu.memory_space<vmem>> -> memref<1x128xi32, #tpu.memory_space<vmem>>
    %dma_wait3A_119 = tpu.memref_squeeze %dma_wait3A_118 : memref<1x128xi32, #tpu.memory_space<vmem>> -> memref<128xi32, #tpu.memory_space<vmem>>
    %dma_wait3A_120 = arith.constant 0 : i32
    %dma_wait3A_121 = arith.constant 0 : i32
    %dma_wait3A_122 = tpu.memref_slice %arg10[%dma_wait3A_120, %dma_wait3A_121] : memref<10240x32xf32, #tpu.memory_space<vmem_shared>> -> memref<10240x32xf32, #tpu.memory_space<vmem_shared>>
    tpu.wait_indirect_dma semaphore(%arg19 : memref<!tpu.dma_semaphore, #tpu.memory_space<semaphore_mem>>) src(%dma_wait3A_116 : memref<128x32xf32, #tpu.memory_space<vmem>>) dst(%dma_wait3A_122 : memref<10240x32xf32, #tpu.memory_space<vmem_shared>>)
    %barrier3A_123 = arith.constant 0 : index
    tpu.barrier barrier_id(%barrier3A_123)
    %mul3A_124 = arith.constant 640 : i32
    %mul3A_125 = arith.muli %arg1, %mul3A_124 : i32
    "tpu.region"() ({
      %run_scoped3A_126 = tpu.sem_alloc : memref<!tpu.dma_semaphore, #tpu.memory_space<semaphore_mem>>
      %dma_start3A_127 = arith.constant 0 : i32
      %dma_start3A_128 = tpu.memref_slice %arg6[%arg0, %mul3A_125, %dma_start3A_127] : memref<2x10240x32xf32, #tpu.memory_space<hbm>> -> memref<1x640x32xf32, #tpu.memory_space<hbm>>
      %dma_start3A_129 = tpu.memref_squeeze %dma_start3A_128 : memref<1x640x32xf32, #tpu.memory_space<hbm>> -> memref<640x32xf32, #tpu.memory_space<hbm>>
      %dma_start3A_130 = arith.constant 0 : i32
      %dma_start3A_131 = tpu.memref_slice %arg10[%mul3A_125, %dma_start3A_130] : memref<10240x32xf32, #tpu.memory_space<vmem_shared>> -> memref<640x32xf32, #tpu.memory_space<vmem_shared>>
      tpu.enqueue_dma source(%dma_start3A_131 : memref<640x32xf32, #tpu.memory_space<vmem_shared>>) target(%dma_start3A_129 : memref<640x32xf32, #tpu.memory_space<hbm>>) target_semaphore(%run_scoped3A_126 : memref<!tpu.dma_semaphore, #tpu.memory_space<semaphore_mem>>)
      %dma_wait3A_132 = arith.constant 0 : i32
      %dma_wait3A_133 = tpu.memref_slice %arg6[%arg0, %mul3A_125, %dma_wait3A_132] : memref<2x10240x32xf32, #tpu.memory_space<hbm>> -> memref<1x640x32xf32, #tpu.memory_space<hbm>>
      %dma_wait3A_134 = tpu.memref_squeeze %dma_wait3A_133 : memref<1x640x32xf32, #tpu.memory_space<hbm>> -> memref<640x32xf32, #tpu.memory_space<hbm>>
      %dma_wait3A_135 = arith.constant 0 : i32
      %dma_wait3A_136 = tpu.memref_slice %arg10[%mul3A_125, %dma_wait3A_135] : memref<10240x32xf32, #tpu.memory_space<vmem_shared>> -> memref<640x32xf32, #tpu.memory_space<vmem_shared>>
      tpu.wait_dma2 semaphore(%run_scoped3A_126 : memref<!tpu.dma_semaphore, #tpu.memory_space<semaphore_mem>>) src(%dma_wait3A_136 : memref<640x32xf32, #tpu.memory_space<vmem_shared>>) dst(%dma_wait3A_134 : memref<640x32xf32, #tpu.memory_space<hbm>>)
      tpu.yield
    }) : () -> ()
    return
  }
}

module attributes {stable_mosaic.version = 14 : i64} {
  func.func @_tc1a_body(%arg0: i32, %arg1: memref<2000x128xf32, #tpu.memory_space<vmem>>, %arg2: memref<128x64xf32, #tpu.memory_space<vmem>>, %arg3: memref<2000x64xf32, #tpu.memory_space<vmem>>) attributes {dimension_semantics = [#tpu.dimension_semantics<arbitrary>], iteration_bounds = array<i64: 5>, scalar_prefetch = 0 : i64, scratch_operands = 0 : i64, tpu.core_type = #tpu.core_type<tc>, window_params = [{transform_indices = @transform_0, window_bounds = array<i64: 2000, 128>}, {pipeline_mode = #tpu.pipeline_mode<synchronous>, transform_indices = @transform_1, window_bounds = array<i64: 128, 64>}, {transform_indices = @transform_2, window_bounds = array<i64: 2000, 64>}]} {
    %get3A = arith.constant 0 : index
    %get3A_0 = arith.constant 0 : index
    %get3A_1 = vector.load %arg1[%get3A, %get3A_0] : memref<2000x128xf32, #tpu.memory_space<vmem>>, vector<2000x128xf32>
    %get3A_2 = arith.constant 0 : index
    %get3A_3 = arith.constant 0 : index
    %get3A_4 = vector.load %arg2[%get3A_2, %get3A_3] : memref<128x64xf32, #tpu.memory_space<vmem>>, vector<128x64xf32>
    %dot_general3A = arith.constant dense<0.000000e+00> : vector<2000x64xf32>
    %dot_general3A_5 = tpu.matmul %get3A_1, %get3A_4, %dot_general3A {dimension_numbers = #tpu.dot_dimension_numbers<[1], [0], [0], [1], [0, 0, 1, 1], [], []>, transpose_lhs_hint = false} : vector<2000x128xf32>, vector<128x64xf32>, vector<2000x64xf32> -> vector<2000x64xf32>
    %swap3A = arith.constant 0 : index
    %swap3A_6 = arith.constant 0 : index
    %swap3A_7 = vector.load %arg3[%swap3A, %swap3A_6] : memref<2000x64xf32, #tpu.memory_space<vmem>>, vector<2000x64xf32>
    tpu.vector_store %arg3[%swap3A, %swap3A_6], %dot_general3A_5 {strides = array<i32>} : memref<2000x64xf32, #tpu.memory_space<vmem>>, vector<2000x64xf32>,
    return
  }
  func.func @transform_0(%arg0: i32) -> (i32, i32) {
    %c0_i32 = arith.constant 0 : i32
    %c0_i32_0 = arith.constant 0 : i32
    return %arg0, %c0_i32 : i32, i32
  }
  func.func @transform_1(%arg0: i32) -> (i32, i32) {
    %c0_i32 = arith.constant 0 : i32
    %c0_i32_0 = arith.constant 0 : i32
    %c0_i32_1 = arith.constant 0 : i32
    return %c0_i32, %c0_i32_0 : i32, i32
  }
  func.func @transform_2(%arg0: i32) -> (i32, i32) {
    %c0_i32 = arith.constant 0 : i32
    %c0_i32_0 = arith.constant 0 : i32
    return %arg0, %c0_i32 : i32, i32
  }
}

module attributes {stable_mosaic.version = 14 : i64} {
  func.func @_tc1b_body(%arg0: i32, %arg1: memref<2000x64xf32, #tpu.memory_space<vmem>>, %arg2: memref<2000x16xf32, #tpu.memory_space<vmem>>, %arg3: memref<2000x16xf32, #tpu.memory_space<vmem>>, %arg4: memref<2000x32xf32, #tpu.memory_space<vmem>>, %arg5: memref<2000x32xf32, #tpu.memory_space<vmem>>) attributes {dimension_semantics = [#tpu.dimension_semantics<arbitrary>], iteration_bounds = array<i64: 5>, scalar_prefetch = 0 : i64, scratch_operands = 0 : i64, tpu.core_type = #tpu.core_type<tc>, window_params = [{transform_indices = @transform_0, window_bounds = array<i64: 2000, 64>}, {transform_indices = @transform_1, window_bounds = array<i64: 2000, 16>}, {transform_indices = @transform_2, window_bounds = array<i64: 2000, 16>}, {transform_indices = @transform_3, window_bounds = array<i64: 2000, 32>}, {transform_indices = @transform_4, window_bounds = array<i64: 2000, 32>}]} {
    %get3A = arith.constant 0 : index
    %get3A_0 = arith.constant 0 : index
    %get3A_1 = vector.load %arg2[%get3A, %get3A_0] : memref<2000x16xf32, #tpu.memory_space<vmem>>, vector<2000x1xf32>
    %get3A_2 = arith.constant 0 : index
    %get3A_3 = arith.constant 0 : index
    %get3A_4 = vector.load %arg3[%get3A_2, %get3A_3] : memref<2000x16xf32, #tpu.memory_space<vmem>>, vector<2000x1xf32>
    %add3A = arith.addf %get3A_1, %get3A_4 : vector<2000x1xf32>
    %add3A_5 = arith.constant 1.000000e+00 : f32
    %add3A_6 = vector.broadcast %add3A_5 : f32 to vector<2000x1xf32>
    %add3A_7 = arith.addf %add3A, %add3A_6 : vector<2000x1xf32>
    %rsqrt3A = math.rsqrt %add3A_7 : vector<2000x1xf32>
    %get3A_8 = arith.constant 0 : index
    %get3A_9 = arith.constant 0 : index
    %get3A_10 = vector.load %arg1[%get3A_8, %get3A_9] : memref<2000x64xf32, #tpu.memory_space<vmem>>, vector<2000x64xf32>
    %mul3A = vector.broadcast %rsqrt3A : vector<2000x1xf32> to vector<2000x64xf32>
    %mul3A_11 = arith.mulf %get3A_10, %mul3A : vector<2000x64xf32>
    %slice3A = vector.extract_strided_slice %mul3A_11 {offsets = [0, 0], sizes = [2000, 32], strides = [1, 1]} : vector<2000x64xf32> to vector<2000x32xf32>
    %swap3A = arith.constant 0 : index
    %swap3A_12 = arith.constant 0 : index
    %swap3A_13 = vector.load %arg4[%swap3A, %swap3A_12] : memref<2000x32xf32, #tpu.memory_space<vmem>>, vector<2000x32xf32>
    tpu.vector_store %arg4[%swap3A, %swap3A_12], %slice3A {strides = array<i32>} : memref<2000x32xf32, #tpu.memory_space<vmem>>, vector<2000x32xf32>,
    %slice3A_14 = vector.extract_strided_slice %mul3A_11 {offsets = [0, 32], sizes = [2000, 32], strides = [1, 1]} : vector<2000x64xf32> to vector<2000x32xf32>
    %swap3A_15 = arith.constant 0 : index
    %swap3A_16 = arith.constant 0 : index
    %swap3A_17 = vector.load %arg5[%swap3A_15, %swap3A_16] : memref<2000x32xf32, #tpu.memory_space<vmem>>, vector<2000x32xf32>
    tpu.vector_store %arg5[%swap3A_15, %swap3A_16], %slice3A_14 {strides = array<i32>} : memref<2000x32xf32, #tpu.memory_space<vmem>>, vector<2000x32xf32>,
    return
  }
  func.func @transform_0(%arg0: i32) -> (i32, i32) {
    %c0_i32 = arith.constant 0 : i32
    %c0_i32_0 = arith.constant 0 : i32
    return %arg0, %c0_i32 : i32, i32
  }
  func.func @transform_1(%arg0: i32) -> (i32, i32) {
    %c0_i32 = arith.constant 0 : i32
    %c0_i32_0 = arith.constant 0 : i32
    return %arg0, %c0_i32 : i32, i32
  }
  func.func @transform_2(%arg0: i32) -> (i32, i32) {
    %c0_i32 = arith.constant 0 : i32
    %c0_i32_0 = arith.constant 0 : i32
    return %arg0, %c0_i32 : i32, i32
  }
  func.func @transform_3(%arg0: i32) -> (i32, i32) {
    %c0_i32 = arith.constant 0 : i32
    %c0_i32_0 = arith.constant 0 : i32
    return %arg0, %c0_i32 : i32, i32
  }
  func.func @transform_4(%arg0: i32) -> (i32, i32) {
    %c0_i32 = arith.constant 0 : i32
    %c0_i32_0 = arith.constant 0 : i32
    return %arg0, %c0_i32 : i32, i32
  }
}

module attributes {stable_mosaic.version = 14 : i64} {
  func.func @_tc2_body(%arg0: i32, %arg1: memref<2000x32xf32, #tpu.memory_space<vmem>>, %arg2: memref<2000x32xf32, #tpu.memory_space<vmem>>, %arg3: memref<2000x32xf32, #tpu.memory_space<vmem>>, %arg4: memref<2000x32xf32, #tpu.memory_space<vmem>>, %arg5: memref<2000x16xf32, #tpu.memory_space<vmem>>, %arg6: memref<2000x16xf32, #tpu.memory_space<vmem>>, %arg7: memref<1x64xf32, #tpu.memory_space<vmem>>, %arg8: memref<64x64xf32, #tpu.memory_space<vmem>>, %arg9: memref<2000x32xf32, #tpu.memory_space<vmem>>, %arg10: memref<2000x32xf32, #tpu.memory_space<vmem>>) attributes {dimension_semantics = [#tpu.dimension_semantics<arbitrary>], iteration_bounds = array<i64: 5>, scalar_prefetch = 0 : i64, scratch_operands = 0 : i64, tpu.core_type = #tpu.core_type<tc>, window_params = [{transform_indices = @transform_0, window_bounds = array<i64: 2000, 32>}, {transform_indices = @transform_1, window_bounds = array<i64: 2000, 32>}, {transform_indices = @transform_2, window_bounds = array<i64: 2000, 32>}, {transform_indices = @transform_3, window_bounds = array<i64: 2000, 32>}, {transform_indices = @transform_4, window_bounds = array<i64: 2000, 16>}, {transform_indices = @transform_5, window_bounds = array<i64: 2000, 16>}, {pipeline_mode = #tpu.pipeline_mode<synchronous>, transform_indices = @transform_6, window_bounds = array<i64: 1, 64>}, {pipeline_mode = #tpu.pipeline_mode<synchronous>, transform_indices = @transform_7, window_bounds = array<i64: 64, 64>}, {transform_indices = @transform_8, window_bounds = array<i64: 2000, 32>}, {transform_indices = @transform_9, window_bounds = array<i64: 2000, 32>}]} {
    %get3A = arith.constant 0 : index
    %get3A_0 = arith.constant 0 : index
    %get3A_1 = vector.load %arg5[%get3A, %get3A_0] : memref<2000x16xf32, #tpu.memory_space<vmem>>, vector<2000x1xf32>
    %get3A_2 = arith.constant 0 : index
    %get3A_3 = arith.constant 0 : index
    %get3A_4 = vector.load %arg6[%get3A_2, %get3A_3] : memref<2000x16xf32, #tpu.memory_space<vmem>>, vector<2000x1xf32>
    %add3A = arith.addf %get3A_1, %get3A_4 : vector<2000x1xf32>
    %add3A_5 = arith.constant 1.000000e+00 : f32
    %add3A_6 = vector.broadcast %add3A_5 : f32 to vector<2000x1xf32>
    %add3A_7 = arith.addf %add3A, %add3A_6 : vector<2000x1xf32>
    %rsqrt3A = math.rsqrt %add3A_7 : vector<2000x1xf32>
    %get3A_8 = arith.constant 0 : index
    %get3A_9 = arith.constant 0 : index
    %get3A_10 = vector.load %arg1[%get3A_8, %get3A_9] : memref<2000x32xf32, #tpu.memory_space<vmem>>, vector<2000x32xf32>
    %get3A_11 = arith.constant 0 : index
    %get3A_12 = arith.constant 0 : index
    %get3A_13 = vector.load %arg2[%get3A_11, %get3A_12] : memref<2000x32xf32, #tpu.memory_space<vmem>>, vector<2000x32xf32>
    %concatenate3A = tpu.concatenate %get3A_10, %get3A_13 in 1 : vector<2000x32xf32>, vector<2000x32xf32> -> vector<2000x64xf32>
    %get3A_14 = arith.constant 0 : index
    %get3A_15 = arith.constant 0 : index
    %get3A_16 = vector.load %arg3[%get3A_14, %get3A_15] : memref<2000x32xf32, #tpu.memory_space<vmem>>, vector<2000x32xf32>
    %get3A_17 = arith.constant 0 : index
    %get3A_18 = arith.constant 0 : index
    %get3A_19 = vector.load %arg4[%get3A_17, %get3A_18] : memref<2000x32xf32, #tpu.memory_space<vmem>>, vector<2000x32xf32>
    %concatenate3A_20 = tpu.concatenate %get3A_16, %get3A_19 in 1 : vector<2000x32xf32>, vector<2000x32xf32> -> vector<2000x64xf32>
    %add3A_21 = arith.addf %concatenate3A_20, %concatenate3A : vector<2000x64xf32>
    %mul3A = vector.broadcast %rsqrt3A : vector<2000x1xf32> to vector<2000x64xf32>
    %mul3A_22 = arith.mulf %mul3A, %add3A_21 : vector<2000x64xf32>
    %get3A_23 = arith.constant 0 : index
    %get3A_24 = arith.constant 0 : index
    %get3A_25 = vector.load %arg7[%get3A_23, %get3A_24] : memref<1x64xf32, #tpu.memory_space<vmem>>, vector<1x64xf32>
    %add3A_26 = vector.broadcast %get3A_25 : vector<1x64xf32> to vector<2000x64xf32>
    %add3A_27 = arith.addf %mul3A_22, %add3A_26 : vector<2000x64xf32>
    %max3A = arith.constant 0.000000e+00 : f32
    %max3A_28 = vector.broadcast %max3A : f32 to vector<2000x64xf32>
    %max3A_29 = arith.maximumf %add3A_27, %max3A_28 : vector<2000x64xf32>
    %get3A_30 = arith.constant 0 : index
    %get3A_31 = arith.constant 0 : index
    %get3A_32 = vector.load %arg8[%get3A_30, %get3A_31] : memref<64x64xf32, #tpu.memory_space<vmem>>, vector<64x64xf32>
    %dot_general3A = arith.constant dense<0.000000e+00> : vector<2000x64xf32>
    %dot_general3A_33 = tpu.matmul %max3A_29, %get3A_32, %dot_general3A {dimension_numbers = #tpu.dot_dimension_numbers<[1], [0], [0], [1], [0, 0, 1, 1], [], []>, transpose_lhs_hint = false} : vector<2000x64xf32>, vector<64x64xf32>, vector<2000x64xf32> -> vector<2000x64xf32>
    %mul3A_34 = vector.broadcast %rsqrt3A : vector<2000x1xf32> to vector<2000x64xf32>
    %mul3A_35 = arith.mulf %dot_general3A_33, %mul3A_34 : vector<2000x64xf32>
    %slice3A = vector.extract_strided_slice %mul3A_35 {offsets = [0, 0], sizes = [2000, 32], strides = [1, 1]} : vector<2000x64xf32> to vector<2000x32xf32>
    %swap3A = arith.constant 0 : index
    %swap3A_36 = arith.constant 0 : index
    %swap3A_37 = vector.load %arg9[%swap3A, %swap3A_36] : memref<2000x32xf32, #tpu.memory_space<vmem>>, vector<2000x32xf32>
    tpu.vector_store %arg9[%swap3A, %swap3A_36], %slice3A {strides = array<i32>} : memref<2000x32xf32, #tpu.memory_space<vmem>>, vector<2000x32xf32>,
    %slice3A_38 = vector.extract_strided_slice %mul3A_35 {offsets = [0, 32], sizes = [2000, 32], strides = [1, 1]} : vector<2000x64xf32> to vector<2000x32xf32>
    %swap3A_39 = arith.constant 0 : index
    %swap3A_40 = arith.constant 0 : index
    %swap3A_41 = vector.load %arg10[%swap3A_39, %swap3A_40] : memref<2000x32xf32, #tpu.memory_space<vmem>>, vector<2000x32xf32>
    tpu.vector_store %arg10[%swap3A_39, %swap3A_40], %slice3A_38 {strides = array<i32>} : memref<2000x32xf32, #tpu.memory_space<vmem>>, vector<2000x32xf32>,
    return
  }
  func.func @transform_0(%arg0: i32) -> (i32, i32) {
    %c0_i32 = arith.constant 0 : i32
    %c0_i32_0 = arith.constant 0 : i32
    return %arg0, %c0_i32 : i32, i32
  }
  func.func @transform_1(%arg0: i32) -> (i32, i32) {
    %c0_i32 = arith.constant 0 : i32
    %c0_i32_0 = arith.constant 0 : i32
    return %arg0, %c0_i32 : i32, i32
  }
  func.func @transform_2(%arg0: i32) -> (i32, i32) {
    %c0_i32 = arith.constant 0 : i32
    %c0_i32_0 = arith.constant 0 : i32
    return %arg0, %c0_i32 : i32, i32
  }
  func.func @transform_3(%arg0: i32) -> (i32, i32) {
    %c0_i32 = arith.constant 0 : i32
    %c0_i32_0 = arith.constant 0 : i32
    return %arg0, %c0_i32 : i32, i32
  }
  func.func @transform_4(%arg0: i32) -> (i32, i32) {
    %c0_i32 = arith.constant 0 : i32
    %c0_i32_0 = arith.constant 0 : i32
    return %arg0, %c0_i32 : i32, i32
  }
  func.func @transform_5(%arg0: i32) -> (i32, i32) {
    %c0_i32 = arith.constant 0 : i32
    %c0_i32_0 = arith.constant 0 : i32
    return %arg0, %c0_i32 : i32, i32
  }
  func.func @transform_6(%arg0: i32) -> (i32, i32) {
    %c0_i32 = arith.constant 0 : i32
    %c0_i32_0 = arith.constant 0 : i32
    %c0_i32_1 = arith.constant 0 : i32
    return %c0_i32, %c0_i32_0 : i32, i32
  }
  func.func @transform_7(%arg0: i32) -> (i32, i32) {
    %c0_i32 = arith.constant 0 : i32
    %c0_i32_0 = arith.constant 0 : i32
    %c0_i32_1 = arith.constant 0 : i32
    return %c0_i32, %c0_i32_0 : i32, i32
  }
  func.func @transform_8(%arg0: i32) -> (i32, i32) {
    %c0_i32 = arith.constant 0 : i32
    %c0_i32_0 = arith.constant 0 : i32
    return %arg0, %c0_i32 : i32, i32
  }
  func.func @transform_9(%arg0: i32) -> (i32, i32) {
    %c0_i32 = arith.constant 0 : i32
    %c0_i32_0 = arith.constant 0 : i32
    return %arg0, %c0_i32 : i32, i32
  }
}

module attributes {stable_mosaic.version = 14 : i64} {
  func.func @_tc3_body(%arg0: i32, %arg1: memref<2000x32xf32, #tpu.memory_space<vmem>>, %arg2: memref<2000x32xf32, #tpu.memory_space<vmem>>, %arg3: memref<2000x32xf32, #tpu.memory_space<vmem>>, %arg4: memref<2000x32xf32, #tpu.memory_space<vmem>>, %arg5: memref<2000x16xf32, #tpu.memory_space<vmem>>, %arg6: memref<2000x16xf32, #tpu.memory_space<vmem>>, %arg7: memref<1x40xf32, #tpu.memory_space<vmem>>, %arg8: memref<2000x40xf32, #tpu.memory_space<vmem>>) attributes {dimension_semantics = [#tpu.dimension_semantics<arbitrary>], iteration_bounds = array<i64: 5>, scalar_prefetch = 0 : i64, scratch_operands = 0 : i64, tpu.core_type = #tpu.core_type<tc>, window_params = [{transform_indices = @transform_0, window_bounds = array<i64: 2000, 32>}, {transform_indices = @transform_1, window_bounds = array<i64: 2000, 32>}, {transform_indices = @transform_2, window_bounds = array<i64: 2000, 32>}, {transform_indices = @transform_3, window_bounds = array<i64: 2000, 32>}, {transform_indices = @transform_4, window_bounds = array<i64: 2000, 16>}, {transform_indices = @transform_5, window_bounds = array<i64: 2000, 16>}, {pipeline_mode = #tpu.pipeline_mode<synchronous>, transform_indices = @transform_6, window_bounds = array<i64: 1, 40>}, {transform_indices = @transform_7, window_bounds = array<i64: 2000, 40>}]} {
    %get3A = arith.constant 0 : index
    %get3A_0 = arith.constant 0 : index
    %get3A_1 = vector.load %arg5[%get3A, %get3A_0] : memref<2000x16xf32, #tpu.memory_space<vmem>>, vector<2000x1xf32>
    %get3A_2 = arith.constant 0 : index
    %get3A_3 = arith.constant 0 : index
    %get3A_4 = vector.load %arg6[%get3A_2, %get3A_3] : memref<2000x16xf32, #tpu.memory_space<vmem>>, vector<2000x1xf32>
    %add3A = arith.addf %get3A_1, %get3A_4 : vector<2000x1xf32>
    %add3A_5 = arith.constant 1.000000e+00 : f32
    %add3A_6 = vector.broadcast %add3A_5 : f32 to vector<2000x1xf32>
    %add3A_7 = arith.addf %add3A, %add3A_6 : vector<2000x1xf32>
    %rsqrt3A = math.rsqrt %add3A_7 : vector<2000x1xf32>
    %get3A_8 = arith.constant 0 : index
    %get3A_9 = arith.constant 0 : index
    %get3A_10 = vector.load %arg1[%get3A_8, %get3A_9] : memref<2000x32xf32, #tpu.memory_space<vmem>>, vector<2000x32xf32>
    %get3A_11 = arith.constant 0 : index
    %get3A_12 = arith.constant 0 : index
    %get3A_13 = vector.load %arg2[%get3A_11, %get3A_12] : memref<2000x32xf32, #tpu.memory_space<vmem>>, vector<2000x32xf32>
    %concatenate3A = tpu.concatenate %get3A_10, %get3A_13 in 1 : vector<2000x32xf32>, vector<2000x32xf32> -> vector<2000x64xf32>
    %get3A_14 = arith.constant 0 : index
    %get3A_15 = arith.constant 0 : index
    %get3A_16 = vector.load %arg3[%get3A_14, %get3A_15] : memref<2000x32xf32, #tpu.memory_space<vmem>>, vector<2000x32xf32>
    %get3A_17 = arith.constant 0 : index
    %get3A_18 = arith.constant 0 : index
    %get3A_19 = vector.load %arg4[%get3A_17, %get3A_18] : memref<2000x32xf32, #tpu.memory_space<vmem>>, vector<2000x32xf32>
    %concatenate3A_20 = tpu.concatenate %get3A_16, %get3A_19 in 1 : vector<2000x32xf32>, vector<2000x32xf32> -> vector<2000x64xf32>
    %add3A_21 = arith.addf %concatenate3A_20, %concatenate3A : vector<2000x64xf32>
    %mul3A = vector.broadcast %rsqrt3A : vector<2000x1xf32> to vector<2000x64xf32>
    %mul3A_22 = arith.mulf %mul3A, %add3A_21 : vector<2000x64xf32>
    %slice3A = vector.extract_strided_slice %mul3A_22 {offsets = [0, 0], sizes = [2000, 40], strides = [1, 1]} : vector<2000x64xf32> to vector<2000x40xf32>
    %get3A_23 = arith.constant 0 : index
    %get3A_24 = arith.constant 0 : index
    %get3A_25 = vector.load %arg7[%get3A_23, %get3A_24] : memref<1x40xf32, #tpu.memory_space<vmem>>, vector<1x40xf32>
    %add3A_26 = vector.broadcast %get3A_25 : vector<1x40xf32> to vector<2000x40xf32>
    %add3A_27 = arith.addf %slice3A, %add3A_26 : vector<2000x40xf32>
    %swap3A = arith.constant 0 : index
    %swap3A_28 = arith.constant 0 : index
    %swap3A_29 = vector.load %arg8[%swap3A, %swap3A_28] : memref<2000x40xf32, #tpu.memory_space<vmem>>, vector<2000x40xf32>
    tpu.vector_store %arg8[%swap3A, %swap3A_28], %add3A_27 {strides = array<i32>} : memref<2000x40xf32, #tpu.memory_space<vmem>>, vector<2000x40xf32>,
    return
  }
  func.func @transform_0(%arg0: i32) -> (i32, i32) {
    %c0_i32 = arith.constant 0 : i32
    %c0_i32_0 = arith.constant 0 : i32
    return %arg0, %c0_i32 : i32, i32
  }
  func.func @transform_1(%arg0: i32) -> (i32, i32) {
    %c0_i32 = arith.constant 0 : i32
    %c0_i32_0 = arith.constant 0 : i32
    return %arg0, %c0_i32 : i32, i32
  }
  func.func @transform_2(%arg0: i32) -> (i32, i32) {
    %c0_i32 = arith.constant 0 : i32
    %c0_i32_0 = arith.constant 0 : i32
    return %arg0, %c0_i32 : i32, i32
  }
  func.func @transform_3(%arg0: i32) -> (i32, i32) {
    %c0_i32 = arith.constant 0 : i32
    %c0_i32_0 = arith.constant 0 : i32
    return %arg0, %c0_i32 : i32, i32
  }
  func.func @transform_4(%arg0: i32) -> (i32, i32) {
    %c0_i32 = arith.constant 0 : i32
    %c0_i32_0 = arith.constant 0 : i32
    return %arg0, %c0_i32 : i32, i32
  }
  func.func @transform_5(%arg0: i32) -> (i32, i32) {
    %c0_i32 = arith.constant 0 : i32
    %c0_i32_0 = arith.constant 0 : i32
    return %arg0, %c0_i32 : i32, i32
  }
  func.func @transform_6(%arg0: i32) -> (i32, i32) {
    %c0_i32 = arith.constant 0 : i32
    %c0_i32_0 = arith.constant 0 : i32
    %c0_i32_1 = arith.constant 0 : i32
    return %c0_i32, %c0_i32_0 : i32, i32
  }
  func.func @transform_7(%arg0: i32) -> (i32, i32) {
    %c0_i32 = arith.constant 0 : i32
    %c0_i32_0 = arith.constant 0 : i32
    return %arg0, %c0_i32 : i32, i32
  }
}

</mosaic_0001>

<sc_bundles>
// kernel: kernel.12.cloned.1.call-start
scs
__scs_entry_jumppad:
0x0: {  	(pc) =	sbr.rel $0x88, $3  }
0x1: {  	(tag) =	ssettag $0x0;
	lr =	simm.s32 $0x1  }
0x2: {  	[smem:$0x3F9B] =	sst lr;
	_ =	strace $0xD0000000  }
0x3: {  	_ = 	snop  }
0x4: {  	_ = 	snop  }
0x5: {  	_ = 	snop  }
0x6: {  	_ = 	snop  }
0x7: {  	_ = 	snop  }
__scs_overlays_trampoline_lowered:
0x8: {  	[smem:$0x3FAA] =	sst s0  }
0x9: {  	[smem:$0x3FAB] =	sst s1  }
0xa: {  	[smem:$0x3FAC] =	sst s2  }
0xb: {  	[smem:$0x3FAD] =	sst s3  }
0xc: {  	[smem:$0x3FAE] =	sst s4  }
0xd: {  	[smem:$0x3FAF] =	sst s5  }
0xe: {  	[smem:$0x3FB0] =	sst s6  }
0xf: {  	[smem:$0x3FB1] =	sst s7  }
0x10: {  	[smem:$0x3FB2] =	sst s8  }
0x11: {  	[smem:$0x3FB3] =	sst s9;
	s0 =	simm.s32 @!p0 $0x0  }
0x12: {  	s1 =	sld [smem:$0x3F99];
	s0 =	simm.s32 @p0 $0x1  }
0x13: {  	[smem:$0x3FB4] =	sst s0;
	s0 =	simm.s32 @!p1 $0x0  }
0x14: {  	s2 =	sld [smem:$0x3F98];
	s0 =	simm.s32 @p1 $0x1  }
0x15: {  	[smem:$0x3FB5] =	sst s0;
	s0 =	simm.s32 @!p2 $0x0  }
0x16: {  	s3 =	sld [smem:$0x3FDB];
	s0 =	simm.s32 @p2 $0x1  }
0x17: {  	s4 =	simm.s32 $0x1BF5;
	[smem:$0x3FB7] =	sst s0  }
0x18: {  	s0 =	sld [smem:$0x3F9A];
	_ =	swait.ge [sflag:s4], $0x0  }
0x19: {  	s7 =	sld [smem:$0x3F9B]  }
0x1a: {  	s8 =	sadd.s32 $0xFFFFE003, lr  }
0x1b: {  	s9 =	sadd.s32 $0xFFFFFEF7, lr;
	s5 =	simm.s32 $0xFFFFFFFF;
	p2 =	slt.u32 s8, $0xFFFFF086  }
0x1c: {  	p1 =	slt.u32 s9, $0xF7A;
	s5 =	simm.s32 @!p2 $0x0  }
0x1d: {  	s5 =	simm.s32 @p1 $0x1;
	p0 =	seq.s32 s7, s2  }
0x1e: {  	s7 =	smul.u32 @!p0 $0xF7A, s2;
	p2 =	seq.s32 @!p0 s5, $0x0  }
0x1f: {  	s9 =	smul.u32 $0xF7A, s1;
	s8 =	simm.s32 @!p0 $0x1BF5;
	p2 =	por !p2, p0  }
0x20: {  	[sflag:s8] =	ssyncset.s32 @!p0 $0xFFFFF086;
	s6 =	sadd.s32 @!p0 s3, s7;
	s7 =	simm.s32 @!p0 $0x108  }
0x21: {  	s3 =	sadd.s32 s3, s9;
	s6 =	sadd.s32 @!p0 $0x88, s6;
	s7 =	simm.s32 @p2 $0x1082  }
0x22: {  	[simem:s7], [sflag:s8] =	dma.local @!p0 [hbm:s6], $0xF7A  }
0x23: {  	s9 =	sor.u32 $0xD0000000, s2;
	s6 =	simm.s32 $0x108;
	_ =	swait.ge @!p0 [sflag:s8], $0x0  }
0x24: {  	s3 =	sadd.s32 $0x88, s3;
	s6 =	simm.s32 @!p1 $0x1082;
	[sflag:s4] =	ssyncset.s32 $0xFFFFF086  }
0x25: {  	[simem:s6], [sflag:s4] =	dma.local [hbm:s3], $0xF7A  }
0x26: {  	[smem:$0x3F9B] =	sst s1;
	(tag) =	ssettag s2;
	_ =	strace s9  }
0x27: {  	s1 =	sld [smem:$0x3FAB]  }
0x28: {  	s2 =	sld [smem:$0x3FAC]  }
0x29: {  	s4 =	sld [smem:$0x3FAE]  }
0x2a: {  	p0 =	seq.s32 s5, $0x0;
	s5 =	sld [smem:$0x3FAF]  }
0x2b: {  	s6 =	sld [smem:$0x3FB0]  }
0x2c: {  	s7 =	sld [smem:$0x3FB1]  }
0x2d: {  	s3 =	simm.s32 $0x108;
	s8 =	sld [smem:$0x3FB2]  }
0x2e: {  	s3 =	simm.s32 @!p0 $0x1082;
	s9 =	sld [smem:$0x3FB3]  }
0x2f: {  	lr =	sadd.s32 s0, s3;
	s0 =	sld [smem:$0x3FAA]  }
0x30: {  	s3 =	sld [smem:$0x3FAD]  }
0x31: {  	[smem:$0x3FB6] =	sst s10  }
0x32: {  	s10 =	sld [smem:$0x3FB4];
	_ =	sdelay $0x3  }
0x33: {  	p0 =	seq.s32 s10, $0x1;
	s10 =	sld [smem:$0x3FB6];
	_ =	sdelay $0x3  }
0x34: {  	[smem:$0x3FB6] =	sst s10  }
0x35: {  	s10 =	sld [smem:$0x3FB5];
	_ =	sdelay $0x3  }
0x36: {  	p1 =	seq.s32 s10, $0x1;
	s10 =	sld [smem:$0x3FB6];
	_ =	sdelay $0x3  }
0x37: {  	[smem:$0x3FB6] =	sst s10  }
0x38: {  	s10 =	sld [smem:$0x3FB7]  }
0x39: {  	_ = 	snop;
	(pc) =	sbr.ind lr, $3  }
0x3a: {  	_ = 	snop  }
0x3b: {  	_ = 	snop  }
0x3c: {  	p2 =	seq.s32 s10, $0x1;
	s10 =	sld [smem:$0x3FB6]  }
0x3d: {  	_ =	shalt  }
0x3e: {  	_ =	shalt  }
0x3f: {  	_ =	shalt  }
0x40: {  	_ =	shalt  }
0x41: {  	_ =	shalt  }
0x42: {  	_ =	shalt  }
0x43: {  	_ =	shalt  }
0x44: {  	_ =	shalt  }
0x45: {  	_ =	shalt  }
0x46: {  	_ =	shalt  }
0x47: {  	_ =	shalt  }
0x48: {  	_ =	shalt  }
0x49: {  	_ =	shalt  }
0x4a: {  	_ =	shalt  }
0x4b: {  	_ =	shalt  }
0x4c: {  	_ =	shalt  }
0x4d: {  	_ =	shalt  }
0x4e: {  	_ =	shalt  }
0x4f: {  	_ =	shalt  }
0x50: {  	_ =	shalt  }
0x51: {  	_ =	shalt  }
0x52: {  	_ =	shalt  }
0x53: {  	_ =	shalt  }
0x54: {  	_ =	shalt  }
0x55: {  	_ =	shalt  }
0x56: {  	_ =	shalt  }
0x57: {  	_ =	shalt  }
0x58: {  	_ =	shalt  }
0x59: {  	_ =	shalt  }
0x5a: {  	_ =	shalt  }
0x5b: {  	_ =	shalt  }
0x5c: {  	_ =	shalt  }
0x5d: {  	_ =	shalt  }
0x5e: {  	_ =	shalt  }
0x5f: {  	_ =	shalt  }
0x60: {  	_ =	shalt  }
0x61: {  	_ =	shalt  }
0x62: {  	_ =	shalt  }
0x63: {  	_ =	shalt  }
0x64: {  	_ =	shalt  }
0x65: {  	_ =	shalt  }
0x66: {  	_ =	shalt  }
0x67: {  	_ =	shalt  }
0x68: {  	_ =	shalt  }
0x69: {  	_ =	shalt  }
0x6a: {  	_ =	shalt  }
0x6b: {  	_ =	shalt  }
0x6c: {  	_ =	shalt  }
0x6d: {  	_ =	shalt  }
0x6e: {  	_ =	shalt  }
0x6f: {  	_ =	shalt  }
0x70: {  	_ =	shalt  }
0x71: {  	_ =	shalt  }
0x72: {  	_ =	shalt  }
0x73: {  	_ =	shalt  }
0x74: {  	_ =	shalt  }
0x75: {  	_ =	shalt  }
0x76: {  	_ =	shalt  }
0x77: {  	_ =	shalt  }
0x78: {  	_ =	shalt  }
0x79: {  	_ =	shalt  }
0x7a: {  	_ =	shalt  }
0x7b: {  	_ =	shalt  }
0x7c: {  	_ =	shalt  }
0x7d: {  	_ =	shalt  }
0x7e: {  	_ =	shalt  }
0x7f: {  	_ =	shalt  }
0x80: {  	_ =	shalt  }
0x81: {  	_ =	shalt  }
0x82: {  	_ =	shalt  }
0x83: {  	_ =	shalt  }
0x84: {  	_ =	shalt  }
0x85: {  	_ =	shalt  }
0x86: {  	_ =	shalt  }
0x87: {  	_ =	shalt  }
.Lfunc_end0:
.L_simem_size_0:
called_computation.1_lowered:
.L_overlay_start_0:
0x88: {  	s2 =	sld [smem:$0x3FD9]  }
0x89: {  	s3 =	sld [smem:$0x3FFE];
	_ =	sdelay $0x1  }
0x8a: {  	s1 =	srdreg.scid  }
0x8b: {  	s0 =	sand.u32 $0x1, s1  }
0x8c: {  	s17 =	sshll.u32 s0, $0xA;
	s2 =	sadd.s32 s3, s2  }
0x8d: {  	s2 =	sadd.s32 s2, s17  }
0x8e: {  	[smem:$0x3FC2] =	sst s2  }
0x8f: {  	_ = 	snop  }
0x90: {  	s2 =	sld [smem:$0x3FD0];
	(tm) =	ssettm $0x1  }
0x91: {  	s18 =	sld [smem:$0x3FFB];
	_ =	sdelay $0x3  }
0x92: {  	_ =	strace s18  }
0x93: {  	s3 =	sld [smem:$0x3FFC];
	_ =	sdelay $0x3  }
0x94: {  	_ =	strace s3  }
0x95: {  	s3 =	sld [smem:$0x3FFD];
	_ =	sdelay $0x3  }
0x96: {  	_ =	strace s3  }
0x97: {  	_ =	strace $0x8FFFFFFF  }
0x98: {  	s19 =	sld [smem:$0x3FDB];
	_ =	sdelay $0x1  }
0x99: {  	s4 =	simm.s32 $_scs_section_size  }
0x9a: {  	s5 =	simm.s32 $_size__tile_overlayer_lowered;
	s6 =	simm.s32 $_tile_overlayer_lowered  }
0x9b: {  	s22 =	simm.s32 $0x1BFF;
	s21 =	sshll.u32 s6, $0x1;
	s3 =	sadd.s32 s4, s19  }
0x9c: {  	s7 =	simm.s32 $0x0;
	s20 =	sshll.u32 s5, $0x1;
	s5 =	sadd.s32 s21, s3  }
0x9d: {  	[timem:s7], [sflag:s22] =	dma.local [hbm:s5], s20  }
0x9e: {  	_ =	swait.ge [sflag:s22], s20  }
0x9f: {  	s4 =	ssub.s32 $0x0, s20;
	[sflag:s22] =	ssyncset.done $0x0  }
0xa0: {  	[sflag:s22] =	ssyncadd.s32 s4;
	_ =	sdelay $0x1  }
0xa1: {  	s23 =	simm.s32 $0x1B8B  }
0xa2: {  	_ =	swait.ge [sflag:s23], $0x1  }
0xa3: {  	[sflag:s23] =	ssyncset.done $0x0  }
0xa4: {  	s25 =	simm.s32 $0x1B8E;
	s24 =	sld [smem:$0x3FFE];
	[sflag:s23] =	ssyncadd.s32 $0xFFFFFFFF  }
0xa5: {  	s26 =	simm.s32 $execute0_lowered;
	[smem:$0x3FD2] =	sst s25  }
0xa6: {  	s5 =	sshll.u32 s26, $0x1;
	_ =	strace $0x80000049;
	[dreg:$0x1] =	wrdreg $0xFFFFFFFF  }
0xa7: {  	s28 =	simm.s32 $_size_execute0_lowered;
	s3 =	sadd.s32 s3, s5;
	[dreg:$0x0] =	wrdreg $0x0  }
0xa8: {  	s5 =	sshll.u32 s28, $0x1;
	[dreg:$0x2] =	wrdreg s3  }
0xa9: {  	[dreg:$0x3] =	wrdreg s5  }
0xaa: {  	[dreg:$0x4] =	wrdreg $0xC0  }
0xab: {  	_ =	task [dreg:s7], $0x5FFFF  }
0xac: {  	[dreg:$0x1] =	wrdreg $0xFFFFFFFF  }
0xad: {  	[dreg:$0x0] =	wrdreg $0x60  }
0xae: {  	[dreg:$0x2] =	wrdreg s24  }
0xaf: {  	[dreg:$0x3] =	wrdreg s2  }
0xb0: {  	[dreg:$0x4] =	wrdreg $0xE0000  }
0xb1: {  	[dreg:$0x5] =	wrdreg $0x130000  }
0xb2: {  	[dreg:$0x6] =	wrdreg $0x9  }
0xb3: {  	_ =	task.clear_ibuf [dreg:s7], $0x7FFFF;
	_ =	strace $0x90000049  }
0xb4: {  	s29 =	simm.s32 $0x9;
	_ =	strace $0x8000004B  }
0xb5: {  	_ =	swait.ge [sflag:s29], $0x1  }
0xb6: {  	[sflag:s29] =	ssyncadd.s32 $0xFFFFFFFF  }
0xb7: {  	_ =	strace $0x9000004B  }
0xb8: {  	_ =	sfence  }
0xb9: {  	s30 =	sld [smem:$0x0];
	_ =	sdelay $0x2  }
0xba: {  	s31 =	sshll.u32 s1, $0xD;
	s1 =	sshrl.u32 s1, $0x2  }
0xbb: {  	s3 =	sand.u32 $0x4000, s31;
	s1 =	sadd.s32 s1, s30  }
0xbc: {  	s0 =	sor.u32 s3, s0;
	s1 =	sshll.u32 s1, $0x11  }
0xbd: {  	s0 =	sor.u32 s1, s0  }
0xbe: {  	s0 =	sadd.s32 $0x8F2B, s0  }
0xbf: {  	[sflag:s0] =	ssyncadd.remote.s32 $0x1  }
0xc0: {  	_ =	sfence.sel $0xFFFF  }
0xc1: {  	[dreg:$0x0] =	wrdreg $0xFFFFFFFF;
	(pc) =	sbr.abs _section_cstart, $3  }
0xc2: {  	[dreg:$0x1] =	wrdreg $0xFFFFFFFF  }
0xc3: {  	_ =	task.clear_ibuf [dreg:s7], $0x2FFFF;
	_ =	strace $0x9FFFFFFF  }
0xc4: {  	(tm) =	ssettm $0x7FFFFFFF  }
0xc5: {  	_ =	shalt  }
tec
execute0_lowered:
.L_overlay_start_1:
0x0: {  	(tag) =	ssettag $0x1  }
0x1: {  	s0 =	rddreg [dreg:$0x0]  }
0x2: {  	s1 =	rddreg [dreg:$0x1]  }
0x3: {  	s2 =	rddreg [dreg:$0x2]  }
0x4: {  	s3 =	rddreg [dreg:$0x3]  }
0x5: {  	s6 =	stileid.u32;
	s5 =	srdreg.scid  }
0x6: {  	s4 =	simm.s32 $0x0;
	s16 =	simm.s32 $0xA000;
	s17 =	simm.s32 $0x9  }
0x7: {  	s19 =	simm.s32 $0x5000;
	s20 =	simm.s32 $0x80;
	s28 =	simm.s32 $0x2  }
0x8: {  	s30 =	simm.s32 $0x5;
	s29 =	simm.s32 $0x4;
	s31 =	simm.s32 $0x8  }
0x9: {  	s5 =	sand.u32 $0x1, s5;
	s7 =	smul.u32 $0x5000, s6;
	[smem:$0x7FF] =	sst s4  }
0xa: {  	s9 =	sadd.s32 $0x66000, s0;
	s13 =	smul.u32 $0xA00, s6;
	s21 =	sadd.s32 $0x2000, s0  }
0xb: {  	s22 =	smul.u32 $0x14000, s6;
	_ =	strace $0x8000004A;
	[dreg:$0x5] =	wrdreg s9  }
0xc: {  	p0 =	seq.s32 s6, $0x0;
	s8 =	smul.u32 $0x50000, s5;
	[dreg:$0x6] =	wrdreg s21  }
0xd: {  	s10 =	ssub.s32 $0x2, s5;
	p1 =	seq.s32 s5, $0x1;
	s5 =	sor.u32 s5, s6  }
0xe: {  	s21 =	simm.s32 $0xB000;
	s12 =	sadd.s32 s13, s0;
	s23 =	sshrl.u32 s10, $0x1  }
0xf: {  	s9 =	sshrl.u32 s22, $0x2;
	p0 =	por !p0, !p1;
	s13 =	sadd.s32 s1, s13  }
0x10: {  	p1 =	sne.s32 s5, $0x0;
	s1 =	simm.s32 $0x6;
	s22 =	simm.s32 $0x7  }
0x11: {  	s8 =	sadd.s32 s7, s8;
	s15 =	ssub.s32 s10, s23;
	s7 =	sadd.s32 s7, s2  }
0x12: {  	s11 =	sadd.s32 s9, s2;
	p0 =	por !p0, !p0;
	s12 =	sadd.s32 $0xC000, s12  }
0x13: {  	s23 =	simm.s32 $0xC000;
	s8 =	sshrl.u32 s8, $0x3;
	s24 =	sadd.s32 $0x1000, s11  }
.Ltmp0:
0x14: {  	s25 =	sadd.s32 $0x2000, s11;
	[dreg:$0x7] =	wrdreg s24;
	(pc) =	sbr.rel .LBB2_1-.Ltmp0, $4  }
0x15: {  	s26 =	sadd.s32 $0x3000, s11;
	s11 =	sadd.s32 $0x4000, s11;
	[dreg:$0x8] =	wrdreg s25  }
0x16: {  	s15 =	smax.u32 s15, $0x1;
	s0 =	sadd.s32 s8, s0;
	[dreg:$0x9] =	wrdreg s26  }
0x17: {  	s24 =	simm.s32 $0x1;
	s14 =	sadd.s32 $0x6FE00, s0;
	s0 =	sshll.u32 @!p1 s6, $0x6  }
0x18: {  	v0 =	vimm.f32 $0.0e+00;
	s26 =	simm.s32 $0xD000;
	s18 =	sor.u32 @!p1 $0x1C09, s0;
	s0 =	simm.s32 $0x3  }
.LBB2_6:
0x19: {  	_ =	swait.ge [sflag:s30], $0x1000  }
0x1a: {  	[sflag:s30] =	ssyncset.done $0x0  }
0x1b: {  	[sflag:s30] =	ssyncadd.s32 $0xFFFFF000  }
0x1c: {  	_ =	swait.ge [sflag:s1], $0x1000  }
0x1d: {  	[sflag:s1] =	ssyncset.done $0x0  }
0x1e: {  	[sflag:s1] =	ssyncadd.s32 $0xFFFFF000  }
0x1f: {  	_ =	swait.ge [sflag:s22], $0x1000  }
0x20: {  	[sflag:s22] =	ssyncset.done $0x0  }
0x21: {  	[sflag:s22] =	ssyncadd.s32 $0xFFFFF000  }
0x22: {  	s5 =	stileid.u32;
	_ =	swait.ge [sflag:s31], $0x1000  }
0x23: {  	s6 =	sshrl.u32 s7, $0x3;
	s4 =	sadd.s32 $0x1, s4;
	[sflag:s31] =	ssyncset.done $0x0  }
0x24: {  	s5 =	sshll.u32 s5, $0x6;
	p2 =	sne.s32 s4, s15;
	[sflag:s31] =	ssyncadd.s32 $0xFFFFF000  }
.Ltmp1:
0x25: {  	s5 =	sor.u32 $0x1C09, s5;
	[bflag:$0x0] =	sbarrier.arrive $0xFFFF;
	(pc) =	sbr.rel @!p2 .LBB2_7-.Ltmp1, $4  }
0x26: {  	[hbm:s14], [sflag:s5] =	dma.local [spmem:s6], $0xA00  }
0x27: {  	_ =	swait.ge [sflag:s17], $0xA00  }
0x28: {  	[sflag:s17] =	ssyncset.done $0x0  }
0x29: {  	[sflag:s17] =	ssyncadd.s32 $0xFFFFF600  }
.LBB2_1:
0x2a: {  	s5 =	simm.s32 $0x80;
	s25 =	simm.s32 $0x0  }
.LBB2_2:
0x2b: {  	p2 =	sne.s32 s5, $0x3F80;
	[tilespmem:s25+$0xA000] =	vst v0;
	s6 =	smov.u32 s5;
	s5 =	sadd.s32 $0x80, s5  }
.Ltmp2:
0x2c: {  	[tilespmem:s25+$0xA010] =	vst v0;
	(pc) =	sbr.rel @p2 .LBB2_2-.Ltmp2, $2  }
0x2d: {  	_ =	sdelay $0x2  }
0x2e: {  	s25 =	sshra.s32 s6, $0x2  }
0x2f: {  	[tilespmem:s25+$0xA000] =	vst v0  }
0x30: {  	[tilespmem:s25+$0xA010] =	vst v0  }
0x31: {  	[spmem:s7] =	stream.linear.scatter [tilespmem:s16], [sflag:$0x9], $0x1000, $0x38;
	[tilespmem:$0x17E20] =	vst v63  }
0x32: {  	_ =	swait.ge [sflag:s17], $0x1000  }
0x33: {  	[sflag:s17] =	ssyncset.done $0x0  }
0x34: {  	s5 =	rddreg [dreg:$0x7];
	[sflag:s17] =	ssyncadd.s32 $0xFFFFF000  }
0x35: {  	[spmem:s5] =	stream.linear.scatter [tilespmem:s16], [sflag:$0x9], $0x1000, $0x38;
	[tilespmem:$0x17E20] =	vst v63  }
0x36: {  	_ =	swait.ge [sflag:s17], $0x1000  }
0x37: {  	[sflag:s17] =	ssyncset.done $0x0  }
0x38: {  	s10 =	rddreg [dreg:$0x8];
	[sflag:s17] =	ssyncadd.s32 $0xFFFFF000  }
0x39: {  	[spmem:s10] =	stream.linear.scatter [tilespmem:s16], [sflag:$0x9], $0x1000, $0x38;
	[tilespmem:$0x17E20] =	vst v63  }
0x3a: {  	_ =	swait.ge [sflag:s17], $0x1000  }
0x3b: {  	[sflag:s17] =	ssyncset.done $0x0  }
0x3c: {  	s25 =	rddreg [dreg:$0x9];
	[sflag:s17] =	ssyncadd.s32 $0xFFFFF000  }
0x3d: {  	[spmem:s25] =	stream.linear.scatter [tilespmem:s16], [sflag:$0x9], $0x1000, $0x38;
	[tilespmem:$0x17E20] =	vst v63  }
0x3e: {  	_ =	swait.ge [sflag:s17], $0x1000  }
0x3f: {  	[sflag:s17] =	ssyncset.done $0x0  }
0x40: {  	[sflag:s17] =	ssyncadd.s32 $0xFFFFF000  }
0x41: {  	[spmem:s11] =	stream.linear.scatter [tilespmem:s16], [sflag:$0x9], $0x1000, $0x38;
	[tilespmem:$0x17E20] =	vst v63  }
0x42: {  	_ =	swait.ge [sflag:s17], $0x1000  }
0x43: {  	[sflag:s17] =	ssyncset.done $0x0  }
0x44: {  	s5 =	sshrl.u32 @!p1 s3, $0x3;
	s6 =	rddreg [dreg:$0x5];
	[sflag:s17] =	ssyncadd.s32 $0xFFFFF000  }
0x45: {  	[spmem:s5], [sflag:s18] =	dma.local @!p1 [hbm:s6], $0x9C40  }
0x46: {  	s5 =	simm.s32 @!p1 $0x9  }
0x47: {  	_ =	swait.ge @!p1 [sflag:s5], $0x9C40  }
0x48: {  	s6 =	simm.s32 @p0 $0x1C09;
	[sflag:s5] =	ssyncset.done @!p1 $0x0  }
0x49: {  	s8 =	rddreg [dreg:$0x6];
	[sflag:s5] =	ssyncadd.s32 @!p1 $0xFFFF63C0;
	s5 =	sshrl.u32 @p0 s3, $0x3  }
0x4a: {  	[spmem:s5], [sflag:s6] =	dma.local @p0 [hbm:s8], $0x9C40  }
0x4b: {  	s5 =	simm.s32 @p0 $0x9  }
0x4c: {  	_ =	swait.ge @p0 [sflag:s5], $0x9C40  }
0x4d: {  	[sflag:s5] =	ssyncset.done @p0 $0x0  }
0x4e: {  	[sflag:s5] =	ssyncadd.s32 @p0 $0xFFFF63C0  }
0x4f: {  	s25 =	simm.s32 $0x0;
	[bflag:$0x0] =	sbarrier.arrive $0xFFFF  }
0x50: {  	[tilespmem:s25], [sflag:$0x9] =	stream.linear.gather [hbm4b:s12+s25], $0x5000, $0x38;
	[tilespmem:$0x17E20] =	vst v63  }
0x51: {  	_ =	swait.ge [sflag:s17], $0x5000  }
0x52: {  	[sflag:s17] =	ssyncset.done $0x0  }
0x53: {  	[sflag:s17] =	ssyncadd.s32 $0xFFFFB000  }
0x54: {  	[tilespmem:s19], [sflag:$0x9] =	stream.linear.gather [hbm4b:s13+s25], $0x5000, $0x38;
	[tilespmem:$0x17E20] =	vst v63  }
0x55: {  	_ =	swait.ge [sflag:s17], $0x5000  }
0x56: {  	[sflag:s17] =	ssyncset.done $0x0  }
0x57: {  	[sflag:s17] =	ssyncadd.s32 $0xFFFFB000  }
0x58: {  	[tilespmem:s16], [sflag:$0x1] =	stream.indirect.gather [spmem:s3], $0x20, s25, s20, $0xb8;
	[tilespmem:$0x17E20] =	vst v63  }
0x59: {  	_ = 	snop  }
0x5a: {  	[tilespmem:s21], [sflag:$0x2] =	stream.indirect.gather [spmem:s3], $0x20, s20, s20, $0xb8;
	[tilespmem:$0x17E20] =	vst v63  }
0x5b: {  	s6 =	simm.s32 $0x100  }
0x5c: {  	[tilespmem:s23], [sflag:$0x3] =	stream.indirect.gather [spmem:s3], $0x20, s6, s20, $0xb8;
	[tilespmem:$0x17E20] =	vst v63  }
0x5d: {  	_ =	swait.ge [sflag:s24], $0x1000  }
0x5e: {  	[sflag:s24] =	ssyncset.done $0x0  }
0x5f: {  	[sflag:s24] =	ssyncadd.s32 $0xFFFFF000  }
0x60: {  	[spmem:s2] =	stream.indirect.scatter.add.f32 [tilespmem:s16], [sflag:$0x5], $0x20, s19, s20, $0xb8;
	[tilespmem:$0x17E20] =	vst v63  }
0x61: {  	s8 =	simm.s32 $0x180  }
0x62: {  	[tilespmem:s26], [sflag:$0x4] =	stream.indirect.gather [spmem:s3], $0x20, s8, s20, $0xb8;
	[tilespmem:$0x17E20] =	vst v63  }
0x63: {  	_ =	swait.ge [sflag:s28], $0x1000  }
0x64: {  	[sflag:s28] =	ssyncset.done $0x0  }
0x65: {  	s9 =	simm.s32 $0x5080;
	[sflag:s28] =	ssyncadd.s32 $0xFFFFF000  }
0x66: {  	[spmem:s2] =	stream.indirect.scatter.add.f32 [tilespmem:s21], [sflag:$0x6], $0x20, s9, s20, $0xb8;
	[tilespmem:$0x17E20] =	vst v63  }
0x67: {  	_ =	swait.ge [sflag:s30], $0x1000  }
0x68: {  	[sflag:s30] =	ssyncset.done $0x0  }
0x69: {  	s10 =	simm.s32 $0x200;
	[sflag:s30] =	ssyncadd.s32 $0xFFFFF000  }
0x6a: {  	[tilespmem:s16], [sflag:$0x1] =	stream.indirect.gather [spmem:s3], $0x20, s10, s20, $0xb8;
	[tilespmem:$0x17E20] =	vst v63  }
0x6b: {  	_ =	swait.ge [sflag:s0], $0x1000  }
0x6c: {  	[sflag:s0] =	ssyncset.done $0x0  }
0x6d: {  	s6 =	simm.s32 $0x5100;
	[sflag:s0] =	ssyncadd.s32 $0xFFFFF000  }
0x6e: {  	[spmem:s2] =	stream.indirect.scatter.add.f32 [tilespmem:s23], [sflag:$0x7], $0x20, s6, s20, $0xb8;
	[tilespmem:$0x17E20] =	vst v63  }
0x6f: {  	_ =	swait.ge [sflag:s1], $0x1000  }
0x70: {  	[sflag:s1] =	ssyncset.done $0x0  }
0x71: {  	s8 =	simm.s32 $0x280;
	[sflag:s1] =	ssyncadd.s32 $0xFFFFF000  }
0x72: {  	[tilespmem:s21], [sflag:$0x2] =	stream.indirect.gather [spmem:s3], $0x20, s8, s20, $0xb8;
	[tilespmem:$0x17E20] =	vst v63  }
0x73: {  	_ =	swait.ge [sflag:s29], $0x1000  }
0x74: {  	[sflag:s29] =	ssyncset.done $0x0  }
0x75: {  	s9 =	simm.s32 $0x5180;
	[sflag:s29] =	ssyncadd.s32 $0xFFFFF000  }
0x76: {  	[spmem:s2] =	stream.indirect.scatter.add.f32 [tilespmem:s26], [sflag:$0x8], $0x20, s9, s20, $0xb8;
	[tilespmem:$0x17E20] =	vst v63  }
0x77: {  	_ =	swait.ge [sflag:s22], $0x1000  }
0x78: {  	[sflag:s22] =	ssyncset.done $0x0  }
0x79: {  	s10 =	simm.s32 $0x300;
	[sflag:s22] =	ssyncadd.s32 $0xFFFFF000  }
0x7a: {  	[tilespmem:s23], [sflag:$0x3] =	stream.indirect.gather [spmem:s3], $0x20, s10, s20, $0xb8;
	[tilespmem:$0x17E20] =	vst v63  }
.LBB2_4:
0x7b: {  	_ =	swait.ge [sflag:s24], $0x1000  }
0x7c: {  	s5 =	sshra.s32 s25, $0x2;
	[sflag:s24] =	ssyncset.done $0x0  }
0x7d: {  	s6 =	sadd.s32 $0x5200, s5;
	[sflag:s24] =	ssyncadd.s32 $0xFFFFF000  }
0x7e: {  	[spmem:s2] =	stream.indirect.scatter.add.f32 [tilespmem:s16], [sflag:$0x5], $0x20, s6, s20, $0xb8;
	[tilespmem:$0x17E20] =	vst v63  }
0x7f: {  	_ =	swait.ge [sflag:s31], $0x1000  }
0x80: {  	[sflag:s31] =	ssyncset.done $0x0  }
0x81: {  	s8 =	sadd.s32 $0x380, s5;
	[sflag:s31] =	ssyncadd.s32 $0xFFFFF000  }
0x82: {  	[tilespmem:s26], [sflag:$0x4] =	stream.indirect.gather [spmem:s3], $0x20, s8, s20, $0xb8;
	[tilespmem:$0x17E20] =	vst v63  }
0x83: {  	_ =	swait.ge [sflag:s28], $0x1000  }
0x84: {  	p2 =	seq.s32 s25, $0x13000;
	[sflag:s28] =	ssyncset.done $0x0  }
0x85: {  	s9 =	sadd.s32 $0x5280, s5;
	s6 =	simm.s32 @p2 $0x3;
	[sflag:s28] =	ssyncadd.s32 $0xFFFFF000  }
0x86: {  	[spmem:s2] =	stream.indirect.scatter.add.f32 [tilespmem:s21], [sflag:$0x6], $0x20, s9, s20, $0xb8;
	[tilespmem:$0x17E20] =	vst v63  }
0x87: {  	_ =	swait.ge @p2 [sflag:s6], $0x1000  }
0x88: {  	[sflag:s6] =	ssyncset.done @p2 $0x0  }
0x89: {  	[sflag:s6] =	ssyncadd.s32 @p2 $0xFFFFF000;
	s6 =	sshra.s32 @p2 s25, $0x2  }
0x8a: {  	s8 =	simm.s32 @p2 $0x80;
	s9 =	simm.s32 @p2 $0xC000;
	s6 =	sadd.s32 @p2 $0x5300, s6  }
0x8b: {  	[spmem:s2] =	stream.indirect.scatter.add.f32 @p2 [tilespmem:s9], [sflag:$0x7], $0x20, s6, s8, $0xb8;
	[tilespmem:$0x17E20] =	vst v63  }
0x8c: {  	s6 =	simm.s32 @!p2 $0x5  }
0x8d: {  	_ =	swait.ge @!p2 [sflag:s6], $0x1000  }
0x8e: {  	[sflag:s6] =	ssyncset.done @!p2 $0x0  }
0x8f: {  	[sflag:s6] =	ssyncadd.s32 @!p2 $0xFFFFF000;
	s6 =	sshra.s32 @!p2 s25, $0x2  }
0x90: {  	s10 =	simm.s32 @!p2 $0xA000;
	s9 =	simm.s32 @!p2 $0x80;
	s8 =	sadd.s32 @!p2 $0x400, s6  }
0x91: {  	[tilespmem:s10], [sflag:$0x1] =	stream.indirect.gather @!p2 [spmem:s3], $0x20, s8, s9, $0xb8;
	[tilespmem:$0x17E20] =	vst v63  }
0x92: {  	s8 =	simm.s32 @!p2 $0x3  }
0x93: {  	_ =	swait.ge @!p2 [sflag:s8], $0x1000  }
0x94: {  	[sflag:s8] =	ssyncset.done @!p2 $0x0  }
0x95: {  	s10 =	simm.s32 @!p2 $0xC000;
	[sflag:s8] =	ssyncadd.s32 @!p2 $0xFFFFF000;
	s8 =	sadd.s32 @!p2 $0x5300, s6  }
0x96: {  	[spmem:s2] =	stream.indirect.scatter.add.f32 @!p2 [tilespmem:s10], [sflag:$0x7], $0x20, s8, s9, $0xb8;
	[tilespmem:$0x17E20] =	vst v63  }
0x97: {  	s8 =	simm.s32 @!p2 $0x6  }
0x98: {  	_ =	swait.ge @!p2 [sflag:s8], $0x1000  }
0x99: {  	[sflag:s8] =	ssyncset.done @!p2 $0x0  }
0x9a: {  	s6 =	sadd.s32 @!p2 $0x480, s6;
	[sflag:s8] =	ssyncadd.s32 @!p2 $0xFFFFF000;
	s8 =	simm.s32 @!p2 $0xB000  }
0x9b: {  	[tilespmem:s8], [sflag:$0x2] =	stream.indirect.gather @!p2 [spmem:s3], $0x20, s6, s9, $0xb8;
	[tilespmem:$0x17E20] =	vst v63  }
.Ltmp3:
0x9c: {  	_ = 	snop;
	(pc) =	sbr.rel @p2 .LBB2_6-.Ltmp3, $4  }
0x9d: {  	_ =	swait.ge [sflag:s29], $0x1000  }
0x9e: {  	[sflag:s29] =	ssyncset.done $0x0  }
0x9f: {  	s10 =	sadd.s32 $0x5380, s5;
	[sflag:s29] =	ssyncadd.s32 $0xFFFFF000  }
0xa0: {  	[spmem:s2] =	stream.indirect.scatter.add.f32 [tilespmem:s26], [sflag:$0x8], $0x20, s10, s20, $0xb8;
	[tilespmem:$0x17E20] =	vst v63  }
.Ltmp4:
0xa1: {  	(pc) =	sbr.rel .LBB2_4-.Ltmp4, $4  }
0xa2: {  	_ =	swait.ge [sflag:s22], $0x1000  }
0xa3: {  	[sflag:s22] =	ssyncset.done $0x0  }
0xa4: {  	s5 =	sadd.s32 $0x500, s5;
	s25 =	sadd.s32 $0x800, s25;
	[sflag:s22] =	ssyncadd.s32 $0xFFFFF000  }
0xa5: {  	[tilespmem:s23], [sflag:$0x3] =	stream.indirect.gather [spmem:s3], $0x20, s5, s20, $0xb8;
	[tilespmem:$0x17E20] =	vst v63  }
.LBB2_7:
0xa6: {  	_ =	sfence.sel $0x180000  }
0xa7: {  	[bflag:$0x0] =	sbarrier.arrive $0xFFFF  }
0xa8: {  	_ =	strace $0x9000004A  }
0xa9: {  	s0 =	stileid.u32;
	[bflag:$0x2] =	sbarrier.arrive $0xFFFF  }
0xaa: {  	p0 =	sne.s32 s0, $0x0;
	s0 =	rddreg [dreg:$0x4]  }
0xab: {  	s0 =	sadd.s32 @!p0 $0x100000, s0  }
0xac: {  	[sflag:s0] =	ssyncadd.tile.s32 @!p0 $0x1;
	_ =	shalt  }
.Lfunc_end2:
_tile_overlayer_lowered:
.L_overlay_start_2:
0xad: {  	(tag) =	ssettag $0x2  }
0xae: {  	s0 =	rddreg [dreg:$0x0];
	s2 =	stileid.u32  }
0xaf: {  	s1 =	rddreg [dreg:$0x1];
	p0 =	sne.s32 s2, $0x0  }
0xb0: {  	s3 =	rddreg [dreg:$0x2];
	[bflag:$0x3] =	sbarrier.arrive $0xFFFF;
	s2 =	simm.s32 @!p0 $0x1C09  }
0xb1: {  	[timem:s3], [sflag:s2] =	dma.local @!p0 [hbm:s0], s1  }
0xb2: {  	s0 =	simm.s32 @!p0 $0x9  }
0xb3: {  	_ =	swait.ge @!p0 [sflag:s0], s1  }
0xb4: {  	s1 =	ssub.s32 @!p0 $0x0, s1;
	[sflag:s0] =	ssyncset.done @!p0 $0x0  }
0xb5: {  	[sflag:s0] =	ssyncadd.s32 @!p0 s1  }
0xb6: {  	[bflag:$0x3] =	sbarrier.arrive $0xFFFF  }
0xb7: {  	_ =	shalt  }

// kernel: kernel.15.cloned.1.call-start
scs
__scs_entry_jumppad:
0x0: {  	(pc) =	sbr.rel $0x88, $3  }
0x1: {  	(tag) =	ssettag $0x0;
	lr =	simm.s32 $0x1  }
0x2: {  	[smem:$0x3F9B] =	sst lr;
	_ =	strace $0xD0000000  }
0x3: {  	_ = 	snop  }
0x4: {  	_ = 	snop  }
0x5: {  	_ = 	snop  }
0x6: {  	_ = 	snop  }
0x7: {  	_ = 	snop  }
__scs_overlays_trampoline_lowered:
0x8: {  	[smem:$0x3FAA] =	sst s0  }
0x9: {  	[smem:$0x3FAB] =	sst s1  }
0xa: {  	[smem:$0x3FAC] =	sst s2  }
0xb: {  	[smem:$0x3FAD] =	sst s3  }
0xc: {  	[smem:$0x3FAE] =	sst s4  }
0xd: {  	[smem:$0x3FAF] =	sst s5  }
0xe: {  	[smem:$0x3FB0] =	sst s6  }
0xf: {  	[smem:$0x3FB1] =	sst s7  }
0x10: {  	[smem:$0x3FB2] =	sst s8  }
0x11: {  	[smem:$0x3FB3] =	sst s9;
	s0 =	simm.s32 @!p0 $0x0  }
0x12: {  	s1 =	sld [smem:$0x3F99];
	s0 =	simm.s32 @p0 $0x1  }
0x13: {  	[smem:$0x3FB4] =	sst s0;
	s0 =	simm.s32 @!p1 $0x0  }
0x14: {  	s2 =	sld [smem:$0x3F98];
	s0 =	simm.s32 @p1 $0x1  }
0x15: {  	[smem:$0x3FB5] =	sst s0;
	s0 =	simm.s32 @!p2 $0x0  }
0x16: {  	s3 =	sld [smem:$0x3FDB];
	s0 =	simm.s32 @p2 $0x1  }
0x17: {  	s4 =	simm.s32 $0x1BF5;
	[smem:$0x3FB7] =	sst s0  }
0x18: {  	s0 =	sld [smem:$0x3F9A];
	_ =	swait.ge [sflag:s4], $0x0  }
0x19: {  	s7 =	sld [smem:$0x3F9B]  }
0x1a: {  	s8 =	sadd.s32 $0xFFFFE003, lr  }
0x1b: {  	s9 =	sadd.s32 $0xFFFFFEF7, lr;
	s5 =	simm.s32 $0xFFFFFFFF;
	p2 =	slt.u32 s8, $0xFFFFF086  }
0x1c: {  	p1 =	slt.u32 s9, $0xF7A;
	s5 =	simm.s32 @!p2 $0x0  }
0x1d: {  	s5 =	simm.s32 @p1 $0x1;
	p0 =	seq.s32 s7, s2  }
0x1e: {  	s7 =	smul.u32 @!p0 $0xF7A, s2;
	p2 =	seq.s32 @!p0 s5, $0x0  }
0x1f: {  	s9 =	smul.u32 $0xF7A, s1;
	s8 =	simm.s32 @!p0 $0x1BF5;
	p2 =	por !p2, p0  }
0x20: {  	[sflag:s8] =	ssyncset.s32 @!p0 $0xFFFFF086;
	s6 =	sadd.s32 @!p0 s3, s7;
	s7 =	simm.s32 @!p0 $0x108  }
0x21: {  	s3 =	sadd.s32 s3, s9;
	s6 =	sadd.s32 @!p0 $0x88, s6;
	s7 =	simm.s32 @p2 $0x1082  }
0x22: {  	[simem:s7], [sflag:s8] =	dma.local @!p0 [hbm:s6], $0xF7A  }
0x23: {  	s9 =	sor.u32 $0xD0000000, s2;
	s6 =	simm.s32 $0x108;
	_ =	swait.ge @!p0 [sflag:s8], $0x0  }
0x24: {  	s3 =	sadd.s32 $0x88, s3;
	s6 =	simm.s32 @!p1 $0x1082;
	[sflag:s4] =	ssyncset.s32 $0xFFFFF086  }
0x25: {  	[simem:s6], [sflag:s4] =	dma.local [hbm:s3], $0xF7A  }
0x26: {  	[smem:$0x3F9B] =	sst s1;
	(tag) =	ssettag s2;
	_ =	strace s9  }
0x27: {  	s1 =	sld [smem:$0x3FAB]  }
0x28: {  	s2 =	sld [smem:$0x3FAC]  }
0x29: {  	s4 =	sld [smem:$0x3FAE]  }
0x2a: {  	p0 =	seq.s32 s5, $0x0;
	s5 =	sld [smem:$0x3FAF]  }
0x2b: {  	s6 =	sld [smem:$0x3FB0]  }
0x2c: {  	s7 =	sld [smem:$0x3FB1]  }
0x2d: {  	s3 =	simm.s32 $0x108;
	s8 =	sld [smem:$0x3FB2]  }
0x2e: {  	s3 =	simm.s32 @!p0 $0x1082;
	s9 =	sld [smem:$0x3FB3]  }
0x2f: {  	lr =	sadd.s32 s0, s3;
	s0 =	sld [smem:$0x3FAA]  }
0x30: {  	s3 =	sld [smem:$0x3FAD]  }
0x31: {  	[smem:$0x3FB6] =	sst s10  }
0x32: {  	s10 =	sld [smem:$0x3FB4];
	_ =	sdelay $0x3  }
0x33: {  	p0 =	seq.s32 s10, $0x1;
	s10 =	sld [smem:$0x3FB6];
	_ =	sdelay $0x3  }
0x34: {  	[smem:$0x3FB6] =	sst s10  }
0x35: {  	s10 =	sld [smem:$0x3FB5];
	_ =	sdelay $0x3  }
0x36: {  	p1 =	seq.s32 s10, $0x1;
	s10 =	sld [smem:$0x3FB6];
	_ =	sdelay $0x3  }
0x37: {  	[smem:$0x3FB6] =	sst s10  }
0x38: {  	s10 =	sld [smem:$0x3FB7]  }
0x39: {  	_ = 	snop;
	(pc) =	sbr.ind lr, $3  }
0x3a: {  	_ = 	snop  }
0x3b: {  	_ = 	snop  }
0x3c: {  	p2 =	seq.s32 s10, $0x1;
	s10 =	sld [smem:$0x3FB6]  }
0x3d: {  	_ =	shalt  }
0x3e: {  	_ =	shalt  }
0x3f: {  	_ =	shalt  }
0x40: {  	_ =	shalt  }
0x41: {  	_ =	shalt  }
0x42: {  	_ =	shalt  }
0x43: {  	_ =	shalt  }
0x44: {  	_ =	shalt  }
0x45: {  	_ =	shalt  }
0x46: {  	_ =	shalt  }
0x47: {  	_ =	shalt  }
0x48: {  	_ =	shalt  }
0x49: {  	_ =	shalt  }
0x4a: {  	_ =	shalt  }
0x4b: {  	_ =	shalt  }
0x4c: {  	_ =	shalt  }
0x4d: {  	_ =	shalt  }
0x4e: {  	_ =	shalt  }
0x4f: {  	_ =	shalt  }
0x50: {  	_ =	shalt  }
0x51: {  	_ =	shalt  }
0x52: {  	_ =	shalt  }
0x53: {  	_ =	shalt  }
0x54: {  	_ =	shalt  }
0x55: {  	_ =	shalt  }
0x56: {  	_ =	shalt  }
0x57: {  	_ =	shalt  }
0x58: {  	_ =	shalt  }
0x59: {  	_ =	shalt  }
0x5a: {  	_ =	shalt  }
0x5b: {  	_ =	shalt  }
0x5c: {  	_ =	shalt  }
0x5d: {  	_ =	shalt  }
0x5e: {  	_ =	shalt  }
0x5f: {  	_ =	shalt  }
0x60: {  	_ =	shalt  }
0x61: {  	_ =	shalt  }
0x62: {  	_ =	shalt  }
0x63: {  	_ =	shalt  }
0x64: {  	_ =	shalt  }
0x65: {  	_ =	shalt  }
0x66: {  	_ =	shalt  }
0x67: {  	_ =	shalt  }
0x68: {  	_ =	shalt  }
0x69: {  	_ =	shalt  }
0x6a: {  	_ =	shalt  }
0x6b: {  	_ =	shalt  }
0x6c: {  	_ =	shalt  }
0x6d: {  	_ =	shalt  }
0x6e: {  	_ =	shalt  }
0x6f: {  	_ =	shalt  }
0x70: {  	_ =	shalt  }
0x71: {  	_ =	shalt  }
0x72: {  	_ =	shalt  }
0x73: {  	_ =	shalt  }
0x74: {  	_ =	shalt  }
0x75: {  	_ =	shalt  }
0x76: {  	_ =	shalt  }
0x77: {  	_ =	shalt  }
0x78: {  	_ =	shalt  }
0x79: {  	_ =	shalt  }
0x7a: {  	_ =	shalt  }
0x7b: {  	_ =	shalt  }
0x7c: {  	_ =	shalt  }
0x7d: {  	_ =	shalt  }
0x7e: {  	_ =	shalt  }
0x7f: {  	_ =	shalt  }
0x80: {  	_ =	shalt  }
0x81: {  	_ =	shalt  }
0x82: {  	_ =	shalt  }
0x83: {  	_ =	shalt  }
0x84: {  	_ =	shalt  }
0x85: {  	_ =	shalt  }
0x86: {  	_ =	shalt  }
0x87: {  	_ =	shalt  }
.Lfunc_end0:
.L_simem_size_0:
called_computation.2_lowered:
.L_overlay_start_0:
0x88: {  	s2 =	sld [smem:$0x3FD9]  }
0x89: {  	s3 =	sld [smem:$0x3FFE];
	_ =	sdelay $0x1  }
0x8a: {  	s1 =	srdreg.scid  }
0x8b: {  	s0 =	sand.u32 $0x1, s1  }
0x8c: {  	s17 =	sshll.u32 s0, $0xA;
	s2 =	sadd.s32 s3, s2  }
0x8d: {  	s2 =	sadd.s32 s2, s17  }
0x8e: {  	[smem:$0x3FC2] =	sst s2  }
0x8f: {  	_ = 	snop  }
0x90: {  	s2 =	sld [smem:$0x3FD0];
	(tm) =	ssettm $0x1  }
0x91: {  	s18 =	sld [smem:$0x3FFB];
	_ =	sdelay $0x3  }
0x92: {  	_ =	strace s18  }
0x93: {  	s3 =	sld [smem:$0x3FFC];
	_ =	sdelay $0x3  }
0x94: {  	_ =	strace s3  }
0x95: {  	s3 =	sld [smem:$0x3FFD];
	_ =	sdelay $0x3  }
0x96: {  	_ =	strace s3  }
0x97: {  	_ =	strace $0x8FFFFFFF  }
0x98: {  	s19 =	sld [smem:$0x3FDB];
	_ =	sdelay $0x1  }
0x99: {  	s4 =	simm.s32 $_scs_section_size  }
0x9a: {  	s5 =	simm.s32 $_size__tile_overlayer_lowered;
	s6 =	simm.s32 $_tile_overlayer_lowered  }
0x9b: {  	s22 =	simm.s32 $0x1BFF;
	s21 =	sshll.u32 s6, $0x1;
	s3 =	sadd.s32 s4, s19  }
0x9c: {  	s7 =	simm.s32 $0x0;
	s20 =	sshll.u32 s5, $0x1;
	s5 =	sadd.s32 s21, s3  }
0x9d: {  	[timem:s7], [sflag:s22] =	dma.local [hbm:s5], s20  }
0x9e: {  	_ =	swait.ge [sflag:s22], s20  }
0x9f: {  	s4 =	ssub.s32 $0x0, s20;
	[sflag:s22] =	ssyncset.done $0x0  }
0xa0: {  	[sflag:s22] =	ssyncadd.s32 s4;
	_ =	sdelay $0x1  }
0xa1: {  	s23 =	simm.s32 $0x1B8B  }
0xa2: {  	_ =	swait.ge [sflag:s23], $0x1  }
0xa3: {  	[sflag:s23] =	ssyncset.done $0x0  }
0xa4: {  	s25 =	simm.s32 $0x1B8E;
	s24 =	sld [smem:$0x3FFE];
	[sflag:s23] =	ssyncadd.s32 $0xFFFFFFFF  }
0xa5: {  	s26 =	simm.s32 $execute0_lowered;
	[smem:$0x3FD2] =	sst s25  }
0xa6: {  	s5 =	sshll.u32 s26, $0x1;
	_ =	strace $0x8000004C;
	[dreg:$0x1] =	wrdreg $0xFFFFFFFF  }
0xa7: {  	s28 =	simm.s32 $_size_execute0_lowered;
	s3 =	sadd.s32 s3, s5;
	[dreg:$0x0] =	wrdreg $0x0  }
0xa8: {  	s5 =	sshll.u32 s28, $0x1;
	[dreg:$0x2] =	wrdreg s3  }
0xa9: {  	[dreg:$0x3] =	wrdreg s5  }
0xaa: {  	[dreg:$0x4] =	wrdreg $0xC0  }
0xab: {  	_ =	task [dreg:s7], $0x5FFFF  }
0xac: {  	[dreg:$0x1] =	wrdreg $0xFFFFFFFF  }
0xad: {  	[dreg:$0x0] =	wrdreg $0x60  }
0xae: {  	[dreg:$0x2] =	wrdreg s24  }
0xaf: {  	[dreg:$0x3] =	wrdreg s2  }
0xb0: {  	[dreg:$0x4] =	wrdreg $0xE0000  }
0xb1: {  	[dreg:$0x5] =	wrdreg $0x130000  }
0xb2: {  	[dreg:$0x6] =	wrdreg $0x9  }
0xb3: {  	_ =	task.clear_ibuf [dreg:s7], $0x7FFFF;
	_ =	strace $0x9000004C  }
0xb4: {  	s29 =	simm.s32 $0x9;
	_ =	strace $0x8000004E  }
0xb5: {  	_ =	swait.ge [sflag:s29], $0x1  }
0xb6: {  	[sflag:s29] =	ssyncadd.s32 $0xFFFFFFFF  }
0xb7: {  	_ =	strace $0x9000004E  }
0xb8: {  	_ =	sfence  }
0xb9: {  	s30 =	sld [smem:$0x0];
	_ =	sdelay $0x2  }
0xba: {  	s31 =	sshll.u32 s1, $0xD;
	s1 =	sshrl.u32 s1, $0x2  }
0xbb: {  	s3 =	sand.u32 $0x4000, s31;
	s1 =	sadd.s32 s1, s30  }
0xbc: {  	s0 =	sor.u32 s3, s0;
	s1 =	sshll.u32 s1, $0x11  }
0xbd: {  	s0 =	sor.u32 s1, s0  }
0xbe: {  	s0 =	sadd.s32 $0x8F2B, s0  }
0xbf: {  	[sflag:s0] =	ssyncadd.remote.s32 $0x1  }
0xc0: {  	_ =	sfence.sel $0xFFFF  }
0xc1: {  	[dreg:$0x0] =	wrdreg $0xFFFFFFFF;
	(pc) =	sbr.abs _section_cstart, $3  }
0xc2: {  	[dreg:$0x1] =	wrdreg $0xFFFFFFFF  }
0xc3: {  	_ =	task.clear_ibuf [dreg:s7], $0x2FFFF;
	_ =	strace $0x9FFFFFFF  }
0xc4: {  	(tm) =	ssettm $0x7FFFFFFF  }
0xc5: {  	_ =	shalt  }
tec
execute0_lowered:
.L_overlay_start_1:
0x0: {  	(tag) =	ssettag $0x1  }
0x1: {  	s0 =	rddreg [dreg:$0x0]  }
0x2: {  	s1 =	rddreg [dreg:$0x1]  }
0x3: {  	s2 =	rddreg [dreg:$0x2]  }
0x4: {  	s3 =	rddreg [dreg:$0x3]  }
0x5: {  	s6 =	stileid.u32;
	s5 =	srdreg.scid  }
0x6: {  	s4 =	simm.s32 $0x0;
	s16 =	simm.s32 $0xA000;
	s17 =	simm.s32 $0x9  }
0x7: {  	s19 =	simm.s32 $0x5000;
	s20 =	simm.s32 $0x80;
	s28 =	simm.s32 $0x2  }
0x8: {  	s30 =	simm.s32 $0x5;
	s29 =	simm.s32 $0x4;
	s31 =	simm.s32 $0x8  }
0x9: {  	s5 =	sand.u32 $0x1, s5;
	s7 =	smul.u32 $0x5000, s6;
	[smem:$0x7FF] =	sst s4  }
0xa: {  	s9 =	sadd.s32 $0x66000, s0;
	s13 =	smul.u32 $0xA00, s6;
	s21 =	sadd.s32 $0x2000, s0  }
0xb: {  	s22 =	smul.u32 $0x14000, s6;
	_ =	strace $0x8000004D;
	[dreg:$0x5] =	wrdreg s9  }
0xc: {  	p0 =	seq.s32 s6, $0x0;
	s8 =	smul.u32 $0x50000, s5;
	[dreg:$0x6] =	wrdreg s21  }
0xd: {  	s10 =	ssub.s32 $0x2, s5;
	p1 =	seq.s32 s5, $0x1;
	s5 =	sor.u32 s5, s6  }
0xe: {  	s21 =	simm.s32 $0xB000;
	s12 =	sadd.s32 s13, s0;
	s23 =	sshrl.u32 s10, $0x1  }
0xf: {  	s9 =	sshrl.u32 s22, $0x2;
	p0 =	por !p0, !p1;
	s13 =	sadd.s32 s1, s13  }
0x10: {  	p1 =	sne.s32 s5, $0x0;
	s1 =	simm.s32 $0x6;
	s22 =	simm.s32 $0x7  }
0x11: {  	s8 =	sadd.s32 s7, s8;
	s15 =	ssub.s32 s10, s23;
	s7 =	sadd.s32 s7, s2  }
0x12: {  	s11 =	sadd.s32 s9, s2;
	p0 =	por !p0, !p0;
	s12 =	sadd.s32 $0xC000, s12  }
0x13: {  	s23 =	simm.s32 $0xC000;
	s8 =	sshrl.u32 s8, $0x3;
	s24 =	sadd.s32 $0x1000, s11  }
.Ltmp0:
0x14: {  	s25 =	sadd.s32 $0x2000, s11;
	[dreg:$0x7] =	wrdreg s24;
	(pc) =	sbr.rel .LBB2_1-.Ltmp0, $4  }
0x15: {  	s26 =	sadd.s32 $0x3000, s11;
	s11 =	sadd.s32 $0x4000, s11;
	[dreg:$0x8] =	wrdreg s25  }
0x16: {  	s15 =	smax.u32 s15, $0x1;
	s0 =	sadd.s32 s8, s0;
	[dreg:$0x9] =	wrdreg s26  }
0x17: {  	s24 =	simm.s32 $0x1;
	s14 =	sadd.s32 $0x6FE00, s0;
	s0 =	sshll.u32 @!p1 s6, $0x6  }
0x18: {  	v0 =	vimm.f32 $0.0e+00;
	s26 =	simm.s32 $0xD000;
	s18 =	sor.u32 @!p1 $0x1C09, s0;
	s0 =	simm.s32 $0x3  }
.LBB2_6:
0x19: {  	_ =	swait.ge [sflag:s30], $0x1000  }
0x1a: {  	[sflag:s30] =	ssyncset.done $0x0  }
0x1b: {  	[sflag:s30] =	ssyncadd.s32 $0xFFFFF000  }
0x1c: {  	_ =	swait.ge [sflag:s1], $0x1000  }
0x1d: {  	[sflag:s1] =	ssyncset.done $0x0  }
0x1e: {  	[sflag:s1] =	ssyncadd.s32 $0xFFFFF000  }
0x1f: {  	_ =	swait.ge [sflag:s22], $0x1000  }
0x20: {  	[sflag:s22] =	ssyncset.done $0x0  }
0x21: {  	[sflag:s22] =	ssyncadd.s32 $0xFFFFF000  }
0x22: {  	s5 =	stileid.u32;
	_ =	swait.ge [sflag:s31], $0x1000  }
0x23: {  	s6 =	sshrl.u32 s7, $0x3;
	s4 =	sadd.s32 $0x1, s4;
	[sflag:s31] =	ssyncset.done $0x0  }
0x24: {  	s5 =	sshll.u32 s5, $0x6;
	p2 =	sne.s32 s4, s15;
	[sflag:s31] =	ssyncadd.s32 $0xFFFFF000  }
.Ltmp1:
0x25: {  	s5 =	sor.u32 $0x1C09, s5;
	[bflag:$0x0] =	sbarrier.arrive $0xFFFF;
	(pc) =	sbr.rel @!p2 .LBB2_7-.Ltmp1, $4  }
0x26: {  	[hbm:s14], [sflag:s5] =	dma.local [spmem:s6], $0xA00  }
0x27: {  	_ =	swait.ge [sflag:s17], $0xA00  }
0x28: {  	[sflag:s17] =	ssyncset.done $0x0  }
0x29: {  	[sflag:s17] =	ssyncadd.s32 $0xFFFFF600  }
.LBB2_1:
0x2a: {  	s5 =	simm.s32 $0x80;
	s25 =	simm.s32 $0x0  }
.LBB2_2:
0x2b: {  	p2 =	sne.s32 s5, $0x3F80;
	[tilespmem:s25+$0xA000] =	vst v0;
	s6 =	smov.u32 s5;
	s5 =	sadd.s32 $0x80, s5  }
.Ltmp2:
0x2c: {  	[tilespmem:s25+$0xA010] =	vst v0;
	(pc) =	sbr.rel @p2 .LBB2_2-.Ltmp2, $2  }
0x2d: {  	_ =	sdelay $0x2  }
0x2e: {  	s25 =	sshra.s32 s6, $0x2  }
0x2f: {  	[tilespmem:s25+$0xA000] =	vst v0  }
0x30: {  	[tilespmem:s25+$0xA010] =	vst v0  }
0x31: {  	[spmem:s7] =	stream.linear.scatter [tilespmem:s16], [sflag:$0x9], $0x1000, $0x38;
	[tilespmem:$0x17E20] =	vst v63  }
0x32: {  	_ =	swait.ge [sflag:s17], $0x1000  }
0x33: {  	[sflag:s17] =	ssyncset.done $0x0  }
0x34: {  	s5 =	rddreg [dreg:$0x7];
	[sflag:s17] =	ssyncadd.s32 $0xFFFFF000  }
0x35: {  	[spmem:s5] =	stream.linear.scatter [tilespmem:s16], [sflag:$0x9], $0x1000, $0x38;
	[tilespmem:$0x17E20] =	vst v63  }
0x36: {  	_ =	swait.ge [sflag:s17], $0x1000  }
0x37: {  	[sflag:s17] =	ssyncset.done $0x0  }
0x38: {  	s10 =	rddreg [dreg:$0x8];
	[sflag:s17] =	ssyncadd.s32 $0xFFFFF000  }
0x39: {  	[spmem:s10] =	stream.linear.scatter [tilespmem:s16], [sflag:$0x9], $0x1000, $0x38;
	[tilespmem:$0x17E20] =	vst v63  }
0x3a: {  	_ =	swait.ge [sflag:s17], $0x1000  }
0x3b: {  	[sflag:s17] =	ssyncset.done $0x0  }
0x3c: {  	s25 =	rddreg [dreg:$0x9];
	[sflag:s17] =	ssyncadd.s32 $0xFFFFF000  }
0x3d: {  	[spmem:s25] =	stream.linear.scatter [tilespmem:s16], [sflag:$0x9], $0x1000, $0x38;
	[tilespmem:$0x17E20] =	vst v63  }
0x3e: {  	_ =	swait.ge [sflag:s17], $0x1000  }
0x3f: {  	[sflag:s17] =	ssyncset.done $0x0  }
0x40: {  	[sflag:s17] =	ssyncadd.s32 $0xFFFFF000  }
0x41: {  	[spmem:s11] =	stream.linear.scatter [tilespmem:s16], [sflag:$0x9], $0x1000, $0x38;
	[tilespmem:$0x17E20] =	vst v63  }
0x42: {  	_ =	swait.ge [sflag:s17], $0x1000  }
0x43: {  	[sflag:s17] =	ssyncset.done $0x0  }
0x44: {  	s5 =	sshrl.u32 @!p1 s3, $0x3;
	s6 =	rddreg [dreg:$0x5];
	[sflag:s17] =	ssyncadd.s32 $0xFFFFF000  }
0x45: {  	[spmem:s5], [sflag:s18] =	dma.local @!p1 [hbm:s6], $0x9C40  }
0x46: {  	s5 =	simm.s32 @!p1 $0x9  }
0x47: {  	_ =	swait.ge @!p1 [sflag:s5], $0x9C40  }
0x48: {  	s6 =	simm.s32 @p0 $0x1C09;
	[sflag:s5] =	ssyncset.done @!p1 $0x0  }
0x49: {  	s8 =	rddreg [dreg:$0x6];
	[sflag:s5] =	ssyncadd.s32 @!p1 $0xFFFF63C0;
	s5 =	sshrl.u32 @p0 s3, $0x3  }
0x4a: {  	[spmem:s5], [sflag:s6] =	dma.local @p0 [hbm:s8], $0x9C40  }
0x4b: {  	s5 =	simm.s32 @p0 $0x9  }
0x4c: {  	_ =	swait.ge @p0 [sflag:s5], $0x9C40  }
0x4d: {  	[sflag:s5] =	ssyncset.done @p0 $0x0  }
0x4e: {  	[sflag:s5] =	ssyncadd.s32 @p0 $0xFFFF63C0  }
0x4f: {  	s25 =	simm.s32 $0x0;
	[bflag:$0x0] =	sbarrier.arrive $0xFFFF  }
0x50: {  	[tilespmem:s25], [sflag:$0x9] =	stream.linear.gather [hbm4b:s12+s25], $0x5000, $0x38;
	[tilespmem:$0x17E20] =	vst v63  }
0x51: {  	_ =	swait.ge [sflag:s17], $0x5000  }
0x52: {  	[sflag:s17] =	ssyncset.done $0x0  }
0x53: {  	[sflag:s17] =	ssyncadd.s32 $0xFFFFB000  }
0x54: {  	[tilespmem:s19], [sflag:$0x9] =	stream.linear.gather [hbm4b:s13+s25], $0x5000, $0x38;
	[tilespmem:$0x17E20] =	vst v63  }
0x55: {  	_ =	swait.ge [sflag:s17], $0x5000  }
0x56: {  	[sflag:s17] =	ssyncset.done $0x0  }
0x57: {  	[sflag:s17] =	ssyncadd.s32 $0xFFFFB000  }
0x58: {  	[tilespmem:s16], [sflag:$0x1] =	stream.indirect.gather [spmem:s3], $0x20, s25, s20, $0xb8;
	[tilespmem:$0x17E20] =	vst v63  }
0x59: {  	_ = 	snop  }
0x5a: {  	[tilespmem:s21], [sflag:$0x2] =	stream.indirect.gather [spmem:s3], $0x20, s20, s20, $0xb8;
	[tilespmem:$0x17E20] =	vst v63  }
0x5b: {  	s6 =	simm.s32 $0x100  }
0x5c: {  	[tilespmem:s23], [sflag:$0x3] =	stream.indirect.gather [spmem:s3], $0x20, s6, s20, $0xb8;
	[tilespmem:$0x17E20] =	vst v63  }
0x5d: {  	_ =	swait.ge [sflag:s24], $0x1000  }
0x5e: {  	[sflag:s24] =	ssyncset.done $0x0  }
0x5f: {  	[sflag:s24] =	ssyncadd.s32 $0xFFFFF000  }
0x60: {  	[spmem:s2] =	stream.indirect.scatter.add.f32 [tilespmem:s16], [sflag:$0x5], $0x20, s19, s20, $0xb8;
	[tilespmem:$0x17E20] =	vst v63  }
0x61: {  	s8 =	simm.s32 $0x180  }
0x62: {  	[tilespmem:s26], [sflag:$0x4] =	stream.indirect.gather [spmem:s3], $0x20, s8, s20, $0xb8;
	[tilespmem:$0x17E20] =	vst v63  }
0x63: {  	_ =	swait.ge [sflag:s28], $0x1000  }
0x64: {  	[sflag:s28] =	ssyncset.done $0x0  }
0x65: {  	s9 =	simm.s32 $0x5080;
	[sflag:s28] =	ssyncadd.s32 $0xFFFFF000  }
0x66: {  	[spmem:s2] =	stream.indirect.scatter.add.f32 [tilespmem:s21], [sflag:$0x6], $0x20, s9, s20, $0xb8;
	[tilespmem:$0x17E20] =	vst v63  }
0x67: {  	_ =	swait.ge [sflag:s30], $0x1000  }
0x68: {  	[sflag:s30] =	ssyncset.done $0x0  }
0x69: {  	s10 =	simm.s32 $0x200;
	[sflag:s30] =	ssyncadd.s32 $0xFFFFF000  }
0x6a: {  	[tilespmem:s16], [sflag:$0x1] =	stream.indirect.gather [spmem:s3], $0x20, s10, s20, $0xb8;
	[tilespmem:$0x17E20] =	vst v63  }
0x6b: {  	_ =	swait.ge [sflag:s0], $0x1000  }
0x6c: {  	[sflag:s0] =	ssyncset.done $0x0  }
0x6d: {  	s6 =	simm.s32 $0x5100;
	[sflag:s0] =	ssyncadd.s32 $0xFFFFF000  }
0x6e: {  	[spmem:s2] =	stream.indirect.scatter.add.f32 [tilespmem:s23], [sflag:$0x7], $0x20, s6, s20, $0xb8;
	[tilespmem:$0x17E20] =	vst v63  }
0x6f: {  	_ =	swait.ge [sflag:s1], $0x1000  }
0x70: {  	[sflag:s1] =	ssyncset.done $0x0  }
0x71: {  	s8 =	simm.s32 $0x280;
	[sflag:s1] =	ssyncadd.s32 $0xFFFFF000  }
0x72: {  	[tilespmem:s21], [sflag:$0x2] =	stream.indirect.gather [spmem:s3], $0x20, s8, s20, $0xb8;
	[tilespmem:$0x17E20] =	vst v63  }
0x73: {  	_ =	swait.ge [sflag:s29], $0x1000  }
0x74: {  	[sflag:s29] =	ssyncset.done $0x0  }
0x75: {  	s9 =	simm.s32 $0x5180;
	[sflag:s29] =	ssyncadd.s32 $0xFFFFF000  }
0x76: {  	[spmem:s2] =	stream.indirect.scatter.add.f32 [tilespmem:s26], [sflag:$0x8], $0x20, s9, s20, $0xb8;
	[tilespmem:$0x17E20] =	vst v63  }
0x77: {  	_ =	swait.ge [sflag:s22], $0x1000  }
0x78: {  	[sflag:s22] =	ssyncset.done $0x0  }
0x79: {  	s10 =	simm.s32 $0x300;
	[sflag:s22] =	ssyncadd.s32 $0xFFFFF000  }
0x7a: {  	[tilespmem:s23], [sflag:$0x3] =	stream.indirect.gather [spmem:s3], $0x20, s10, s20, $0xb8;
	[tilespmem:$0x17E20] =	vst v63  }
.LBB2_4:
0x7b: {  	_ =	swait.ge [sflag:s24], $0x1000  }
0x7c: {  	s5 =	sshra.s32 s25, $0x2;
	[sflag:s24] =	ssyncset.done $0x0  }
0x7d: {  	s6 =	sadd.s32 $0x5200, s5;
	[sflag:s24] =	ssyncadd.s32 $0xFFFFF000  }
0x7e: {  	[spmem:s2] =	stream.indirect.scatter.add.f32 [tilespmem:s16], [sflag:$0x5], $0x20, s6, s20, $0xb8;
	[tilespmem:$0x17E20] =	vst v63  }
0x7f: {  	_ =	swait.ge [sflag:s31], $0x1000  }
0x80: {  	[sflag:s31] =	ssyncset.done $0x0  }
0x81: {  	s8 =	sadd.s32 $0x380, s5;
	[sflag:s31] =	ssyncadd.s32 $0xFFFFF000  }
0x82: {  	[tilespmem:s26], [sflag:$0x4] =	stream.indirect.gather [spmem:s3], $0x20, s8, s20, $0xb8;
	[tilespmem:$0x17E20] =	vst v63  }
0x83: {  	_ =	swait.ge [sflag:s28], $0x1000  }
0x84: {  	p2 =	seq.s32 s25, $0x13000;
	[sflag:s28] =	ssyncset.done $0x0  }
0x85: {  	s9 =	sadd.s32 $0x5280, s5;
	s6 =	simm.s32 @p2 $0x3;
	[sflag:s28] =	ssyncadd.s32 $0xFFFFF000  }
0x86: {  	[spmem:s2] =	stream.indirect.scatter.add.f32 [tilespmem:s21], [sflag:$0x6], $0x20, s9, s20, $0xb8;
	[tilespmem:$0x17E20] =	vst v63  }
0x87: {  	_ =	swait.ge @p2 [sflag:s6], $0x1000  }
0x88: {  	[sflag:s6] =	ssyncset.done @p2 $0x0  }
0x89: {  	[sflag:s6] =	ssyncadd.s32 @p2 $0xFFFFF000;
	s6 =	sshra.s32 @p2 s25, $0x2  }
0x8a: {  	s8 =	simm.s32 @p2 $0x80;
	s9 =	simm.s32 @p2 $0xC000;
	s6 =	sadd.s32 @p2 $0x5300, s6  }
0x8b: {  	[spmem:s2] =	stream.indirect.scatter.add.f32 @p2 [tilespmem:s9], [sflag:$0x7], $0x20, s6, s8, $0xb8;
	[tilespmem:$0x17E20] =	vst v63  }
0x8c: {  	s6 =	simm.s32 @!p2 $0x5  }
0x8d: {  	_ =	swait.ge @!p2 [sflag:s6], $0x1000  }
0x8e: {  	[sflag:s6] =	ssyncset.done @!p2 $0x0  }
0x8f: {  	[sflag:s6] =	ssyncadd.s32 @!p2 $0xFFFFF000;
	s6 =	sshra.s32 @!p2 s25, $0x2  }
0x90: {  	s10 =	simm.s32 @!p2 $0xA000;
	s9 =	simm.s32 @!p2 $0x80;
	s8 =	sadd.s32 @!p2 $0x400, s6  }
0x91: {  	[tilespmem:s10], [sflag:$0x1] =	stream.indirect.gather @!p2 [spmem:s3], $0x20, s8, s9, $0xb8;
	[tilespmem:$0x17E20] =	vst v63  }
0x92: {  	s8 =	simm.s32 @!p2 $0x3  }
0x93: {  	_ =	swait.ge @!p2 [sflag:s8], $0x1000  }
0x94: {  	[sflag:s8] =	ssyncset.done @!p2 $0x0  }
0x95: {  	s10 =	simm.s32 @!p2 $0xC000;
	[sflag:s8] =	ssyncadd.s32 @!p2 $0xFFFFF000;
	s8 =	sadd.s32 @!p2 $0x5300, s6  }
0x96: {  	[spmem:s2] =	stream.indirect.scatter.add.f32 @!p2 [tilespmem:s10], [sflag:$0x7], $0x20, s8, s9, $0xb8;
	[tilespmem:$0x17E20] =	vst v63  }
0x97: {  	s8 =	simm.s32 @!p2 $0x6  }
0x98: {  	_ =	swait.ge @!p2 [sflag:s8], $0x1000  }
0x99: {  	[sflag:s8] =	ssyncset.done @!p2 $0x0  }
0x9a: {  	s6 =	sadd.s32 @!p2 $0x480, s6;
	[sflag:s8] =	ssyncadd.s32 @!p2 $0xFFFFF000;
	s8 =	simm.s32 @!p2 $0xB000  }
0x9b: {  	[tilespmem:s8], [sflag:$0x2] =	stream.indirect.gather @!p2 [spmem:s3], $0x20, s6, s9, $0xb8;
	[tilespmem:$0x17E20] =	vst v63  }
.Ltmp3:
0x9c: {  	_ = 	snop;
	(pc) =	sbr.rel @p2 .LBB2_6-.Ltmp3, $4  }
0x9d: {  	_ =	swait.ge [sflag:s29], $0x1000  }
0x9e: {  	[sflag:s29] =	ssyncset.done $0x0  }
0x9f: {  	s10 =	sadd.s32 $0x5380, s5;
	[sflag:s29] =	ssyncadd.s32 $0xFFFFF000  }
0xa0: {  	[spmem:s2] =	stream.indirect.scatter.add.f32 [tilespmem:s26], [sflag:$0x8], $0x20, s10, s20, $0xb8;
	[tilespmem:$0x17E20] =	vst v63  }
.Ltmp4:
0xa1: {  	(pc) =	sbr.rel .LBB2_4-.Ltmp4, $4  }
0xa2: {  	_ =	swait.ge [sflag:s22], $0x1000  }
0xa3: {  	[sflag:s22] =	ssyncset.done $0x0  }
0xa4: {  	s5 =	sadd.s32 $0x500, s5;
	s25 =	sadd.s32 $0x800, s25;
	[sflag:s22] =	ssyncadd.s32 $0xFFFFF000  }
0xa5: {  	[tilespmem:s23], [sflag:$0x3] =	stream.indirect.gather [spmem:s3], $0x20, s5, s20, $0xb8;
	[tilespmem:$0x17E20] =	vst v63  }
.LBB2_7:
0xa6: {  	_ =	sfence.sel $0x180000  }
0xa7: {  	[bflag:$0x0] =	sbarrier.arrive $0xFFFF  }
0xa8: {  	_ =	strace $0x9000004D  }
0xa9: {  	s0 =	stileid.u32;
	[bflag:$0x2] =	sbarrier.arrive $0xFFFF  }
0xaa: {  	p0 =	sne.s32 s0, $0x0;
	s0 =	rddreg [dreg:$0x4]  }
0xab: {  	s0 =	sadd.s32 @!p0 $0x100000, s0  }
0xac: {  	[sflag:s0] =	ssyncadd.tile.s32 @!p0 $0x1;
	_ =	shalt  }
.Lfunc_end2:
_tile_overlayer_lowered:
.L_overlay_start_2:
0xad: {  	(tag) =	ssettag $0x2  }
0xae: {  	s0 =	rddreg [dreg:$0x0];
	s2 =	stileid.u32  }
0xaf: {  	s1 =	rddreg [dreg:$0x1];
	p0 =	sne.s32 s2, $0x0  }
0xb0: {  	s3 =	rddreg [dreg:$0x2];
	[bflag:$0x3] =	sbarrier.arrive $0xFFFF;
	s2 =	simm.s32 @!p0 $0x1C09  }
0xb1: {  	[timem:s3], [sflag:s2] =	dma.local @!p0 [hbm:s0], s1  }
0xb2: {  	s0 =	simm.s32 @!p0 $0x9  }
0xb3: {  	_ =	swait.ge @!p0 [sflag:s0], s1  }
0xb4: {  	s1 =	ssub.s32 @!p0 $0x0, s1;
	[sflag:s0] =	ssyncset.done @!p0 $0x0  }
0xb5: {  	[sflag:s0] =	ssyncadd.s32 @!p0 s1  }
0xb6: {  	[bflag:$0x3] =	sbarrier.arrive $0xFFFF  }
0xb7: {  	_ =	shalt  }

// kernel: kernel.9.cloned.1.call-start
scs
__scs_entry_jumppad:
0x0: {  	(pc) =	sbr.rel $0x88, $3  }
0x1: {  	(tag) =	ssettag $0x0;
	lr =	simm.s32 $0x1  }
0x2: {  	[smem:$0x3F9B] =	sst lr;
	_ =	strace $0xD0000000  }
0x3: {  	_ = 	snop  }
0x4: {  	_ = 	snop  }
0x5: {  	_ = 	snop  }
0x6: {  	_ = 	snop  }
0x7: {  	_ = 	snop  }
__scs_overlays_trampoline_lowered:
0x8: {  	[smem:$0x3FAA] =	sst s0  }
0x9: {  	[smem:$0x3FAB] =	sst s1  }
0xa: {  	[smem:$0x3FAC] =	sst s2  }
0xb: {  	[smem:$0x3FAD] =	sst s3  }
0xc: {  	[smem:$0x3FAE] =	sst s4  }
0xd: {  	[smem:$0x3FAF] =	sst s5  }
0xe: {  	[smem:$0x3FB0] =	sst s6  }
0xf: {  	[smem:$0x3FB1] =	sst s7  }
0x10: {  	[smem:$0x3FB2] =	sst s8  }
0x11: {  	[smem:$0x3FB3] =	sst s9;
	s0 =	simm.s32 @!p0 $0x0  }
0x12: {  	s1 =	sld [smem:$0x3F99];
	s0 =	simm.s32 @p0 $0x1  }
0x13: {  	[smem:$0x3FB4] =	sst s0;
	s0 =	simm.s32 @!p1 $0x0  }
0x14: {  	s2 =	sld [smem:$0x3F98];
	s0 =	simm.s32 @p1 $0x1  }
0x15: {  	[smem:$0x3FB5] =	sst s0;
	s0 =	simm.s32 @!p2 $0x0  }
0x16: {  	s3 =	sld [smem:$0x3FDB];
	s0 =	simm.s32 @p2 $0x1  }
0x17: {  	s4 =	simm.s32 $0x1BF5;
	[smem:$0x3FB7] =	sst s0  }
0x18: {  	s0 =	sld [smem:$0x3F9A];
	_ =	swait.ge [sflag:s4], $0x0  }
0x19: {  	s7 =	sld [smem:$0x3F9B]  }
0x1a: {  	s8 =	sadd.s32 $0xFFFFE003, lr  }
0x1b: {  	s9 =	sadd.s32 $0xFFFFFEF7, lr;
	s5 =	simm.s32 $0xFFFFFFFF;
	p2 =	slt.u32 s8, $0xFFFFF086  }
0x1c: {  	p1 =	slt.u32 s9, $0xF7A;
	s5 =	simm.s32 @!p2 $0x0  }
0x1d: {  	s5 =	simm.s32 @p1 $0x1;
	p0 =	seq.s32 s7, s2  }
0x1e: {  	s7 =	smul.u32 @!p0 $0xF7A, s2;
	p2 =	seq.s32 @!p0 s5, $0x0  }
0x1f: {  	s9 =	smul.u32 $0xF7A, s1;
	s8 =	simm.s32 @!p0 $0x1BF5;
	p2 =	por !p2, p0  }
0x20: {  	[sflag:s8] =	ssyncset.s32 @!p0 $0xFFFFF086;
	s6 =	sadd.s32 @!p0 s3, s7;
	s7 =	simm.s32 @!p0 $0x108  }
0x21: {  	s3 =	sadd.s32 s3, s9;
	s6 =	sadd.s32 @!p0 $0x88, s6;
	s7 =	simm.s32 @p2 $0x1082  }
0x22: {  	[simem:s7], [sflag:s8] =	dma.local @!p0 [hbm:s6], $0xF7A  }
0x23: {  	s9 =	sor.u32 $0xD0000000, s2;
	s6 =	simm.s32 $0x108;
	_ =	swait.ge @!p0 [sflag:s8], $0x0  }
0x24: {  	s3 =	sadd.s32 $0x88, s3;
	s6 =	simm.s32 @!p1 $0x1082;
	[sflag:s4] =	ssyncset.s32 $0xFFFFF086  }
0x25: {  	[simem:s6], [sflag:s4] =	dma.local [hbm:s3], $0xF7A  }
0x26: {  	[smem:$0x3F9B] =	sst s1;
	(tag) =	ssettag s2;
	_ =	strace s9  }
0x27: {  	s1 =	sld [smem:$0x3FAB]  }
0x28: {  	s2 =	sld [smem:$0x3FAC]  }
0x29: {  	s4 =	sld [smem:$0x3FAE]  }
0x2a: {  	p0 =	seq.s32 s5, $0x0;
	s5 =	sld [smem:$0x3FAF]  }
0x2b: {  	s6 =	sld [smem:$0x3FB0]  }
0x2c: {  	s7 =	sld [smem:$0x3FB1]  }
0x2d: {  	s3 =	simm.s32 $0x108;
	s8 =	sld [smem:$0x3FB2]  }
0x2e: {  	s3 =	simm.s32 @!p0 $0x1082;
	s9 =	sld [smem:$0x3FB3]  }
0x2f: {  	lr =	sadd.s32 s0, s3;
	s0 =	sld [smem:$0x3FAA]  }
0x30: {  	s3 =	sld [smem:$0x3FAD]  }
0x31: {  	[smem:$0x3FB6] =	sst s10  }
0x32: {  	s10 =	sld [smem:$0x3FB4];
	_ =	sdelay $0x3  }
0x33: {  	p0 =	seq.s32 s10, $0x1;
	s10 =	sld [smem:$0x3FB6];
	_ =	sdelay $0x3  }
0x34: {  	[smem:$0x3FB6] =	sst s10  }
0x35: {  	s10 =	sld [smem:$0x3FB5];
	_ =	sdelay $0x3  }
0x36: {  	p1 =	seq.s32 s10, $0x1;
	s10 =	sld [smem:$0x3FB6];
	_ =	sdelay $0x3  }
0x37: {  	[smem:$0x3FB6] =	sst s10  }
0x38: {  	s10 =	sld [smem:$0x3FB7]  }
0x39: {  	_ = 	snop;
	(pc) =	sbr.ind lr, $3  }
0x3a: {  	_ = 	snop  }
0x3b: {  	_ = 	snop  }
0x3c: {  	p2 =	seq.s32 s10, $0x1;
	s10 =	sld [smem:$0x3FB6]  }
0x3d: {  	_ =	shalt  }
0x3e: {  	_ =	shalt  }
0x3f: {  	_ =	shalt  }
0x40: {  	_ =	shalt  }
0x41: {  	_ =	shalt  }
0x42: {  	_ =	shalt  }
0x43: {  	_ =	shalt  }
0x44: {  	_ =	shalt  }
0x45: {  	_ =	shalt  }
0x46: {  	_ =	shalt  }
0x47: {  	_ =	shalt  }
0x48: {  	_ =	shalt  }
0x49: {  	_ =	shalt  }
0x4a: {  	_ =	shalt  }
0x4b: {  	_ =	shalt  }
0x4c: {  	_ =	shalt  }
0x4d: {  	_ =	shalt  }
0x4e: {  	_ =	shalt  }
0x4f: {  	_ =	shalt  }
0x50: {  	_ =	shalt  }
0x51: {  	_ =	shalt  }
0x52: {  	_ =	shalt  }
0x53: {  	_ =	shalt  }
0x54: {  	_ =	shalt  }
0x55: {  	_ =	shalt  }
0x56: {  	_ =	shalt  }
0x57: {  	_ =	shalt  }
0x58: {  	_ =	shalt  }
0x59: {  	_ =	shalt  }
0x5a: {  	_ =	shalt  }
0x5b: {  	_ =	shalt  }
0x5c: {  	_ =	shalt  }
0x5d: {  	_ =	shalt  }
0x5e: {  	_ =	shalt  }
0x5f: {  	_ =	shalt  }
0x60: {  	_ =	shalt  }
0x61: {  	_ =	shalt  }
0x62: {  	_ =	shalt  }
0x63: {  	_ =	shalt  }
0x64: {  	_ =	shalt  }
0x65: {  	_ =	shalt  }
0x66: {  	_ =	shalt  }
0x67: {  	_ =	shalt  }
0x68: {  	_ =	shalt  }
0x69: {  	_ =	shalt  }
0x6a: {  	_ =	shalt  }
0x6b: {  	_ =	shalt  }
0x6c: {  	_ =	shalt  }
0x6d: {  	_ =	shalt  }
0x6e: {  	_ =	shalt  }
0x6f: {  	_ =	shalt  }
0x70: {  	_ =	shalt  }
0x71: {  	_ =	shalt  }
0x72: {  	_ =	shalt  }
0x73: {  	_ =	shalt  }
0x74: {  	_ =	shalt  }
0x75: {  	_ =	shalt  }
0x76: {  	_ =	shalt  }
0x77: {  	_ =	shalt  }
0x78: {  	_ =	shalt  }
0x79: {  	_ =	shalt  }
0x7a: {  	_ =	shalt  }
0x7b: {  	_ =	shalt  }
0x7c: {  	_ =	shalt  }
0x7d: {  	_ =	shalt  }
0x7e: {  	_ =	shalt  }
0x7f: {  	_ =	shalt  }
0x80: {  	_ =	shalt  }
0x81: {  	_ =	shalt  }
0x82: {  	_ =	shalt  }
0x83: {  	_ =	shalt  }
0x84: {  	_ =	shalt  }
0x85: {  	_ =	shalt  }
0x86: {  	_ =	shalt  }
0x87: {  	_ =	shalt  }
.Lfunc_end0:
.L_simem_size_0:
called_computation_lowered:
.L_overlay_start_0:
0x88: {  	s2 =	sld [smem:$0x3FD9]  }
0x89: {  	s3 =	sld [smem:$0x3FFE];
	_ =	sdelay $0x1  }
0x8a: {  	s1 =	srdreg.scid  }
0x8b: {  	s0 =	sand.u32 $0x1, s1  }
0x8c: {  	s17 =	sshll.u32 s0, $0xA;
	s2 =	sadd.s32 s3, s2  }
0x8d: {  	s2 =	sadd.s32 s2, s17  }
0x8e: {  	[smem:$0x3FC2] =	sst s2  }
0x8f: {  	_ = 	snop  }
0x90: {  	s2 =	sld [smem:$0x3FD0];
	(tm) =	ssettm $0x1  }
0x91: {  	s18 =	sld [smem:$0x3FFB];
	_ =	sdelay $0x3  }
0x92: {  	_ =	strace s18  }
0x93: {  	s3 =	sld [smem:$0x3FFC];
	_ =	sdelay $0x3  }
0x94: {  	_ =	strace s3  }
0x95: {  	s3 =	sld [smem:$0x3FFD];
	_ =	sdelay $0x3  }
0x96: {  	_ =	strace s3  }
0x97: {  	_ =	strace $0x8FFFFFFF  }
0x98: {  	s19 =	sld [smem:$0x3FDB];
	_ =	sdelay $0x1  }
0x99: {  	s4 =	simm.s32 $_scs_section_size  }
0x9a: {  	s5 =	simm.s32 $_size__tile_overlayer_lowered;
	s6 =	simm.s32 $_tile_overlayer_lowered  }
0x9b: {  	s22 =	simm.s32 $0x1BFF;
	s21 =	sshll.u32 s6, $0x1;
	s3 =	sadd.s32 s4, s19  }
0x9c: {  	s7 =	simm.s32 $0x0;
	s20 =	sshll.u32 s5, $0x1;
	s5 =	sadd.s32 s21, s3  }
0x9d: {  	[timem:s7], [sflag:s22] =	dma.local [hbm:s5], s20  }
0x9e: {  	_ =	swait.ge [sflag:s22], s20  }
0x9f: {  	s4 =	ssub.s32 $0x0, s20;
	[sflag:s22] =	ssyncset.done $0x0  }
0xa0: {  	[sflag:s22] =	ssyncadd.s32 s4;
	_ =	sdelay $0x1  }
0xa1: {  	s23 =	simm.s32 $0x1B8B  }
0xa2: {  	_ =	swait.ge [sflag:s23], $0x1  }
0xa3: {  	[sflag:s23] =	ssyncset.done $0x0  }
0xa4: {  	s25 =	simm.s32 $0x1B8E;
	s24 =	sld [smem:$0x3FFE];
	[sflag:s23] =	ssyncadd.s32 $0xFFFFFFFF  }
0xa5: {  	s26 =	simm.s32 $execute0_lowered;
	[smem:$0x3FD2] =	sst s25  }
0xa6: {  	s5 =	sshll.u32 s26, $0x1;
	_ =	strace $0x80000046;
	[dreg:$0x1] =	wrdreg $0xFFFFFFFF  }
0xa7: {  	s28 =	simm.s32 $_size_execute0_lowered;
	s3 =	sadd.s32 s3, s5;
	[dreg:$0x0] =	wrdreg $0x0  }
0xa8: {  	s5 =	sshll.u32 s28, $0x1;
	[dreg:$0x2] =	wrdreg s3  }
0xa9: {  	[dreg:$0x3] =	wrdreg s5  }
0xaa: {  	[dreg:$0x4] =	wrdreg $0xC0  }
0xab: {  	_ =	task [dreg:s7], $0x5FFFF  }
0xac: {  	[dreg:$0x1] =	wrdreg $0xFFFFFFFF  }
0xad: {  	[dreg:$0x0] =	wrdreg $0x60  }
0xae: {  	[dreg:$0x2] =	wrdreg s2  }
0xaf: {  	[dreg:$0x3] =	wrdreg s24  }
0xb0: {  	[dreg:$0x4] =	wrdreg $0x30000  }
0xb1: {  	[dreg:$0x5] =	wrdreg $0x9  }
0xb2: {  	_ =	task.clear_ibuf [dreg:s7], $0x6FFFF;
	_ =	strace $0x90000046  }
0xb3: {  	s29 =	simm.s32 $0x9;
	_ =	strace $0x80000048  }
0xb4: {  	_ =	swait.ge [sflag:s29], $0x1  }
0xb5: {  	[sflag:s29] =	ssyncadd.s32 $0xFFFFFFFF  }
0xb6: {  	_ =	strace $0x90000048  }
0xb7: {  	_ =	sfence  }
0xb8: {  	s30 =	sld [smem:$0x0];
	_ =	sdelay $0x2  }
0xb9: {  	s31 =	sshll.u32 s1, $0xD;
	s1 =	sshrl.u32 s1, $0x2  }
0xba: {  	s3 =	sand.u32 $0x4000, s31;
	s1 =	sadd.s32 s1, s30  }
0xbb: {  	s0 =	sor.u32 s3, s0;
	s1 =	sshll.u32 s1, $0x11  }
0xbc: {  	s0 =	sor.u32 s1, s0  }
0xbd: {  	s0 =	sadd.s32 $0x8F2B, s0  }
0xbe: {  	[sflag:s0] =	ssyncadd.remote.s32 $0x1  }
0xbf: {  	_ =	sfence.sel $0xFFFF  }
0xc0: {  	[dreg:$0x0] =	wrdreg $0xFFFFFFFF;
	(pc) =	sbr.abs _section_cstart, $3  }
0xc1: {  	[dreg:$0x1] =	wrdreg $0xFFFFFFFF  }
0xc2: {  	_ =	task.clear_ibuf [dreg:s7], $0x2FFFF;
	_ =	strace $0x9FFFFFFF  }
0xc3: {  	(tm) =	ssettm $0x7FFFFFFF  }
tec
execute0_lowered:
.L_overlay_start_1:
0x0: {  	(tag) =	ssettag $0x1  }
0x1: {  	s4 =	rddreg [dreg:$0x0]  }
0x2: {  	s5 =	rddreg [dreg:$0x1]  }
0x3: {  	s2 =	rddreg [dreg:$0x2]  }
0x4: {  	s0 =	rddreg [dreg:$0x3]  }
0x5: {  	s6 =	srdreg.scid;
	s1 =	stileid.u32;
	s3 =	simm.s32 $0x0  }
0x6: {  	s13 =	simm.s32 $0x2800;
	s14 =	simm.s32 $0x80;
	s15 =	simm.s32 $0x1  }
0x7: {  	s18 =	simm.s32 $0x0;
	s6 =	sand.u32 $0x1, s6;
	s7 =	smul.u32 $0x2800, s1  }
0x8: {  	[smem:$0x7FF] =	sst s3;
	s10 =	smul.u32 $0xA000, s1;
	s16 =	sshll.u32 s1, $0x6  }
0x9: {  	s8 =	smul.u32 $0x28000, s6;
	_ =	strace $0x80000047;
	s9 =	sshll.u32 s6, $0x4  }
0xa: {  	s6 =	ssub.s32 $0x2, s6;
	s16 =	sor.u32 $0x1C02, s16;
	s9 =	sor.u32 s1, s9  }
0xb: {  	s29 =	sshrl.u32 s6, $0x1;
	s30 =	sshrl.u32 s10, $0x2;
	s8 =	sadd.s32 s7, s8  }
0xc: {  	s9 =	smul.u32 $0x500, s9;
	s31 =	sadd.s32 s30, s2;
	s8 =	sshrl.u32 s8, $0x3  }
0xd: {  	s12 =	ssub.s32 s6, s29;
	s6 =	sadd.s32 $0x800, s31;
	s11 =	sadd.s32 s8, s5  }
0xe: {  	s4 =	sadd.s32 s4, s9;
	s5 =	sadd.s32 s7, s2;
	s7 =	sadd.s32 $0x1000, s31  }
0xf: {  	s8 =	sadd.s32 $0x1800, s31;
	s9 =	sadd.s32 $0x2000, s31;
	s10 =	sadd.s32 $0x2000, s11  }
0x10: {  	v0 =	vimm.f32 $0.0e+00;
	v1 =	vimm.f32 $1.000000000e+00;
	s11 =	smax.u32 s12, $0x1;
	s12 =	simm.s32 $0x2;
	s17 =	sshrl.u32 s5, $0x3  }
.LBB2_1:
0x11: {  	[tilespmem:s3], [sflag:$0x2] =	stream.linear.gather [hbm4b:s4+s3], $0x2800, $0x38;
	[tilespmem:$0x5800] =	vst v63  }
0x12: {  	_ =	swait.ge [sflag:s12], $0x2800  }
0x13: {  	[sflag:s12] =	ssyncset.done $0x0  }
0x14: {  	s19 =	simm.s32 $0x40;
	s20 =	simm.s32 $0x0;
	[sflag:s12] =	ssyncadd.s32 $0xFFFFD800  }
.LBB2_2:
0x15: {  	p0 =	sne.s32 s19, $0x1FC0;
	[tilespmem:s20+$0x2800] =	vst v0;
	s20 =	smov.u32 s19;
	s19 =	sadd.s32 $0x40, s19  }
.Ltmp0:
0x16: {  	(pc) =	sbr.rel @p0 .LBB2_2-.Ltmp0, $2  }
0x17: {  	_ =	sdelay $0x2  }
0x18: {  	s20 =	sshra.s32 s20, $0x2  }
0x19: {  	[tilespmem:s20+$0x2800] =	vst v0  }
0x1a: {  	[spmem:s5] =	stream.linear.scatter [tilespmem:s13], [sflag:$0x2], $0x800, $0x38;
	[tilespmem:$0x5800] =	vst v63  }
0x1b: {  	_ =	swait.ge [sflag:s12], $0x800  }
0x1c: {  	[sflag:s12] =	ssyncset.done $0x0  }
0x1d: {  	[sflag:s12] =	ssyncadd.s32 $0xFFFFF800  }
0x1e: {  	[spmem:s6] =	stream.linear.scatter [tilespmem:s13], [sflag:$0x2], $0x800, $0x38;
	[tilespmem:$0x5800] =	vst v63  }
0x1f: {  	_ =	swait.ge [sflag:s12], $0x800  }
0x20: {  	[sflag:s12] =	ssyncset.done $0x0  }
0x21: {  	[sflag:s12] =	ssyncadd.s32 $0xFFFFF800  }
0x22: {  	[spmem:s7] =	stream.linear.scatter [tilespmem:s13], [sflag:$0x2], $0x800, $0x38;
	[tilespmem:$0x5800] =	vst v63  }
0x23: {  	_ =	swait.ge [sflag:s12], $0x800  }
0x24: {  	[sflag:s12] =	ssyncset.done $0x0  }
0x25: {  	[sflag:s12] =	ssyncadd.s32 $0xFFFFF800  }
0x26: {  	[spmem:s8] =	stream.linear.scatter [tilespmem:s13], [sflag:$0x2], $0x800, $0x38;
	[tilespmem:$0x5800] =	vst v63  }
0x27: {  	_ =	swait.ge [sflag:s12], $0x800  }
0x28: {  	[sflag:s12] =	ssyncset.done $0x0  }
0x29: {  	[sflag:s12] =	ssyncadd.s32 $0xFFFFF800  }
0x2a: {  	[spmem:s9] =	stream.linear.scatter [tilespmem:s13], [sflag:$0x2], $0x800, $0x38;
	[tilespmem:$0x5800] =	vst v63  }
0x2b: {  	_ =	swait.ge [sflag:s12], $0x800  }
0x2c: {  	[sflag:s12] =	ssyncset.done $0x0  }
0x2d: {  	s19 =	simm.s32 $0x40;
	s20 =	simm.s32 $0x0;
	[sflag:s12] =	ssyncadd.s32 $0xFFFFF800  }
.LBB2_4:
0x2e: {  	p0 =	sne.s32 s19, $0x1FC0;
	[tilespmem:s20+$0x2800] =	vst v1;
	s20 =	smov.u32 s19;
	s19 =	sadd.s32 $0x40, s19  }
.Ltmp1:
0x2f: {  	(pc) =	sbr.rel @p0 .LBB2_4-.Ltmp1, $2  }
0x30: {  	_ =	sdelay $0x2  }
0x31: {  	s20 =	sshra.s32 s20, $0x2  }
0x32: {  	[tilespmem:s20+$0x2800] =	vst v1  }
0x33: {  	s19 =	simm.s32 $0x0;
	[bflag:$0x0] =	sbarrier.arrive $0xFFFF  }
.LBB2_6:
0x34: {  	p0 =	sne.s32 s19, $0x9E00  }
.Ltmp2:
0x35: {  	_ = 	snop;
	(pc) =	sbr.rel @p0 .LBB2_6-.Ltmp2, $3  }
0x36: {  	_ =	sdelay $0x1  }
0x37: {  	s20 =	sshra.s32 s19, $0x2;
	s19 =	sadd.s32 $0x200, s19  }
0x38: {  	[spmem:s2] =	stream.indirect.scatter.add.f32 [tilespmem:s13], [sflag:$0x1], $0x10, s20, s14, $0xb8;
	[tilespmem:$0x5800] =	vst v63  }
0x39: {  	_ =	swait.ge [sflag:s15], $0x800  }
0x3a: {  	s19 =	simm.s32 $0x4F;
	[sflag:s15] =	ssyncset.done $0x0  }
.LBB2_8:
0x3b: {  	p0 =	sne.s32 s19, $0x1;
	s19 =	sadd.s32 $0xFFFFFFFF, s19;
	[sflag:s15] =	ssyncadd.s32 $0xFFFFF800  }
.Ltmp3:
0x3c: {  	(pc) =	sbr.rel @p0 .LBB2_8-.Ltmp3, $3  }
0x3d: {  	_ =	sdelay $0x1  }
0x3e: {  	_ =	swait.ge [sflag:s15], $0x800  }
0x3f: {  	[sflag:s15] =	ssyncset.done $0x0  }
0x40: {  	s18 =	sadd.s32 $0x1, s18  }
0x41: {  	[sflag:s15] =	ssyncadd.s32 $0xFFFFF800;
	p0 =	sne.s32 s18, s11  }
.Ltmp4:
0x42: {  	[bflag:$0x0] =	sbarrier.arrive $0xFFFF;
	(pc) =	sbr.rel @p0 .LBB2_1-.Ltmp4, $4  }
0x43: {  	[hbm:s10], [sflag:s16] =	dma.local [spmem:s17], $0x500  }
0x44: {  	_ =	swait.ge [sflag:s12], $0x500  }
0x45: {  	[sflag:s12] =	ssyncset.done $0x0  }
0x46: {  	[sflag:s12] =	ssyncadd.s32 $0xFFFFFB00  }
0x47: {  	_ =	sfence.sel $0x180000  }
0x48: {  	[bflag:$0x0] =	sbarrier.arrive $0xFFFF  }
0x49: {  	p0 =	sne.s32 s1, $0x0;
	_ =	strace $0x90000047  }
0x4a: {  	s0 =	sadd.s32 @!p0 $0x100000, s0;
	[bflag:$0x2] =	sbarrier.arrive $0xFFFF  }
0x4b: {  	[sflag:s0] =	ssyncadd.tile.s32 @!p0 $0x1;
	_ =	shalt  }
.Lfunc_end2:
_tile_overlayer_lowered:
.L_overlay_start_2:
0x4c: {  	(tag) =	ssettag $0x2  }
0x4d: {  	s0 =	rddreg [dreg:$0x0];
	s2 =	stileid.u32  }
0x4e: {  	s1 =	rddreg [dreg:$0x1];
	p0 =	sne.s32 s2, $0x0  }
0x4f: {  	s3 =	rddreg [dreg:$0x2];
	[bflag:$0x3] =	sbarrier.arrive $0xFFFF;
	s2 =	simm.s32 @!p0 $0x1C02  }
0x50: {  	[timem:s3], [sflag:s2] =	dma.local @!p0 [hbm:s0], s1  }
0x51: {  	s0 =	simm.s32 @!p0 $0x2  }
0x52: {  	_ =	swait.ge @!p0 [sflag:s0], s1  }
0x53: {  	s1 =	ssub.s32 @!p0 $0x0, s1;
	[sflag:s0] =	ssyncset.done @!p0 $0x0  }
0x54: {  	[sflag:s0] =	ssyncadd.s32 @!p0 s1  }
0x55: {  	[bflag:$0x3] =	sbarrier.arrive $0xFFFF  }
0x56: {  	_ =	shalt  }

</sc_bundles>
